<compile_context>
chip_gen: v7x
topology: tpu7x:2x2x1
jax: 0.10.2.dev20260603
libtpu: 0.0.44.dev20260713+nightly
codegen_flags: <defaults>
</compile_context>

<pallas_src>
import functools

import jax
import jax.numpy as jnp
from jax import lax
from jax.experimental import pallas as pl
from jax.experimental.pallas import tpu as pltpu
from jax.experimental.pallas import tpu_sc as plsc

N = 10000
D = 128
E = 320000
NL = 5
EPS = 1e-5

NC, NS = 2, 16
NW = NC * NS
CH = 128
NCH = 160
QUOTA = 79
EPT = CH * NCH
ROWS_Z = 632
NACC = ROWS_Z * NS
NB = N // 8


def _make_agg():
    mesh = plsc.VectorSubcoreMesh(core_axis_name="c", subcore_axis_name="s")

    @functools.partial(
        pl.kernel,
        out_type=jax.ShapeDtypeStruct((NC, NACC, D), jnp.float32),
        mesh=mesh,
        scratch_types=[
            pltpu.VMEM((CH,), jnp.int32),
            pltpu.VMEM((CH,), jnp.int32),
            pltpu.VMEM((CH, D), jnp.float32),
            pltpu.VMEM_SHARED((NACC, D), jnp.float32),
            pltpu.SemaphoreType.DMA,
        ],
    )
    def agg(h_hbm, src_hbm, dst_hbm, z_hbm, out_hbm, sidx, didx, rows, acc, sem):
        c = lax.axis_index("c")
        s = lax.axis_index("s")
        wid = c * NS + s
        pltpu.sync_copy(z_hbm.at[pl.ds(s * ROWS_Z, ROWS_Z)],
                        acc.at[pl.ds(s * ROWS_Z, ROWS_Z)])
        plsc.subcore_barrier()

        @pl.loop(0, NCH)
        def _(i):
            base = wid * EPT + i * CH
            pltpu.sync_copy(src_hbm.at[pl.ds(base, CH)], sidx)
            pltpu.sync_copy(dst_hbm.at[pl.ds(base, CH)], didx)
            pltpu.async_copy(h_hbm.at[sidx], rows, sem).wait()
            pltpu.sync_copy(rows, acc.at[didx], add=True)

        plsc.subcore_barrier()
        pltpu.sync_copy(acc.at[pl.ds(s * ROWS_Z, ROWS_Z)],
                        out_hbm.at[c, pl.ds(s * ROWS_Z, ROWS_Z)])

    return agg


_agg = _make_agg()


def _mlp_body(h_ref, p0_ref, p1_ref, w1_ref, b1_ref, g_ref, be_ref, w2_ref,
              b2_ref, o_ref, t_ref):
    hh = h_ref[...] + p0_ref[...] + p1_ref[...]
    t = jnp.dot(hh, w1_ref[...], preferred_element_type=jnp.float32) + b1_ref[...]
    t_ref[...] = t.reshape(NB, 8, D)

    def halve(a):
        a = a[:4] + a[4:]
        a = a[:2] + a[2:]
        return a[0:1] + a[1:2]

    m = halve(lax.fori_loop(
        0, NB, lambda i, a: a + t_ref[i], jnp.zeros((8, D), jnp.float32)
    )) * jnp.float32(1e-4)

    def vchunk(lo, hi):
        def step(i, a):
            d = t_ref[i] - m
            return a + d * d
        return halve(lax.fori_loop(lo, hi, step, jnp.zeros((8, D), jnp.float32)))

    v = (vchunk(0, NB // 2) + vchunk(NB // 2, NB)) * jnp.float32(1e-4)

    tn = (t - m) / jnp.sqrt(v + EPS) * g_ref[...] + be_ref[...]
    r = jnp.maximum(tn, 0.0)
    o_ref[...] = jnp.maximum(
        jnp.dot(r, w2_ref[...], preferred_element_type=jnp.float32)
        + b2_ref[...], 0.0)


_mlp = pl.pallas_call(
    _mlp_body,
    out_shape=jax.ShapeDtypeStruct((N, D), jnp.float32),
    scratch_shapes=[pltpu.VMEM((NB, 8, D), jnp.float32)],
)


def kernel(x, edge_index, W1s, b1s, gammas, betas, W2s, b2s):
    src = edge_index[0]
    dst = edge_index[1]
    order = jnp.argsort(dst, stable=True)
    src_s = src[order]
    dst_s = dst[order]
    bounds = jnp.searchsorted(dst_s, jnp.arange(N + 1, dtype=jnp.int32))
    run_start = bounds[:-1][dst_s].astype(jnp.int32)
    lane = run_start // QUOTA
    chunk = run_start % QUOTA + (jnp.arange(E, dtype=jnp.int32) - run_start)
    pos = (lane // CH) * EPT + chunk * CH + (lane % CH)
    src_p = jnp.zeros((NW * EPT,), jnp.int32).at[pos].set(src_s)
    dst_p = jnp.full((NW * EPT,), N, jnp.int32).at[pos].set(dst_s)
    zeros = jnp.zeros((NACC, D), jnp.float32)

    h = x
    for l in range(NL):
        parts = _agg(h, src_p, dst_p, zeros)
        h = _mlp(h, parts[0, :N], parts[1, :N], W1s[l],
                 b1s[l].reshape(1, D), gammas[l].reshape(1, D),
                 betas[l].reshape(1, D), W2s[l], b2s[l].reshape(1, D))
    return h

# --- scband reference (transcript-rebuilt; emitter-appended) ---
"""Pipeline reference for scband-gin-44659069944137 (READ-ONLY COPY).

The authoritative reference and input builder live on the scoring server;
editing this copy changes nothing except your own understanding.
"""

import jax, jax.numpy as jnp
import numpy as np

N_NODES = 10000
N_EDGES = 320000
D_FEAT = 128
D_HIDDEN = 128
N_LAYERS = 5
BN_EPS = 1e-5


def setup_inputs(seed: int = 0) -> dict:
    key = jax.random.key(seed)
    ks = jax.random.split(key, 4)
    x = jax.random.normal(ks[0], (N_NODES, D_FEAT), dtype=jnp.float32)
    edge_index = jax.random.randint(ks[1], (2, N_EDGES), 0, N_NODES, dtype=jnp.int64 if jax.config.read('jax_enable_x64') else jnp.int32).astype(jnp.int32)
    # Stacked MLP params for 5 GINConv layers (all dims 128->128 since n_feat == n_hidden)
    W1s = jax.random.normal(ks[2], (N_LAYERS, D_FEAT, D_HIDDEN), dtype=jnp.float32) * 0.05
    W2s = jax.random.normal(ks[3], (N_LAYERS, D_HIDDEN, D_HIDDEN), dtype=jnp.float32) * 0.05
    b1s = jnp.zeros((N_LAYERS, D_HIDDEN), dtype=jnp.float32)
    b2s = jnp.zeros((N_LAYERS, D_HIDDEN), dtype=jnp.float32)
    gammas = jnp.ones((N_LAYERS, D_HIDDEN), dtype=jnp.float32)
    betas = jnp.zeros((N_LAYERS, D_HIDDEN), dtype=jnp.float32)
    return {"x": x, "edge_index": edge_index, "W1s": W1s, "b1s": b1s,
            "gammas": gammas, "betas": betas, "W2s": W2s, "b2s": b2s}


def _gin_layer(x, src, dst, W1, b1, gamma, beta, W2, b2):
    # GINConv (eps=0): h_i = MLP((1+eps)*x_i + sum_{j in N(i)} x_j)
    msgs = jnp.take(x, src, axis=0)                      # gather
    agg = jax.ops.segment_sum(msgs, dst, num_segments=x.shape[0])  # scatter-add
    h = x + agg
    h = h @ W1 + b1
    # BatchNorm1d in training mode: batch statistics
    mean = jnp.mean(h, axis=0)
    var = jnp.var(h, axis=0)
    h = (h - mean) / jnp.sqrt(var + BN_EPS) * gamma + beta
    h = jax.nn.relu(h)
    h = h @ W2 + b2
    return jax.nn.relu(h)


def reference(x, edge_index, W1s, b1s, gammas, betas, W2s, b2s):
    src = edge_index[0]
    dst = edge_index[1]
    h = x
    for l in range(N_LAYERS):
        h = _gin_layer(h, src, dst, W1s[l], b1s[l], gammas[l], betas[l], W2s[l], b2s[l])
    return h

if __name__ == "__main__":
    import jax
    _d = setup_inputs()
    print(jax.jit(kernel)(*tuple(_d.values())))

</pallas_src>

<mosaic_0001>
#map = affine_map<(d0, d1) -> (0, 0)>
#map1 = affine_map<(d0, d1) -> (0)>
#map2 = affine_map<(d0, d1) -> (0, 0, 0)>
module attributes {stable_mosaic.version = 14 : i64} {
  func.func @agg(%arg0: i32, %arg1: i32, %arg2: memref<10000x128xf32, #tpu.memory_space<hbm>>, %arg3: memref<655360xi32, #tpu.memory_space<hbm>>, %arg4: memref<655360xi32, #tpu.memory_space<hbm>>, %arg5: memref<10112x128xf32, #tpu.memory_space<hbm>>, %arg6: memref<2x10112x128xf32, #tpu.memory_space<hbm>>, %arg7: memref<128xi32, #tpu.memory_space<vmem>>, %arg8: memref<128xi32, #tpu.memory_space<vmem>>, %arg9: memref<128x128xf32, #tpu.memory_space<vmem>>, %arg10: memref<10112x128xf32, #tpu.memory_space<vmem_shared>>, %arg11: memref<!tpu.dma_semaphore, #tpu.memory_space<semaphore_mem>>) attributes {dimension_semantics = [#tpu.dimension_semantics<core_parallel>, #tpu.dimension_semantics<subcore_parallel>], iteration_bounds = array<i64: 2, 16>, scalar_prefetch = 0 : i64, scratch_operands = 5 : i64, tpu.core_type = #tpu.core_type<sc_vector_subcore>, window_params = [{transform_indices = #map}, {transform_indices = #map1}, {transform_indices = #map1}, {transform_indices = #map}, {transform_indices = #map2}]} {
    %mul3A = arith.constant 16 : i32
    %mul3A_0 = arith.muli %arg0, %mul3A : i32
    %add3A = arith.addi %mul3A_0, %arg1 : i32
    %mul3A_1 = arith.constant 632 : i32
    %mul3A_2 = arith.muli %arg1, %mul3A_1 : i32
    %mul3A_3 = arith.constant 632 : i32
    %mul3A_4 = arith.muli %arg1, %mul3A_3 : i32
    "tpu.region"() ({
      %run_scoped3A = tpu.sem_alloc : memref<!tpu.dma_semaphore, #tpu.memory_space<semaphore_mem>>
      %dma_start3A = arith.constant 0 : i32
      %dma_start3A_14 = tpu.memref_slice %arg10[%mul3A_4, %dma_start3A] : memref<10112x128xf32, #tpu.memory_space<vmem_shared>> -> memref<632x128xf32, #tpu.memory_space<vmem_shared>>
      %dma_start3A_15 = arith.constant 0 : i32
      %dma_start3A_16 = tpu.memref_slice %arg5[%mul3A_2, %dma_start3A_15] : memref<10112x128xf32, #tpu.memory_space<hbm>> -> memref<632x128xf32, #tpu.memory_space<hbm>>
      tpu.enqueue_dma source(%dma_start3A_16 : memref<632x128xf32, #tpu.memory_space<hbm>>) target(%dma_start3A_14 : memref<632x128xf32, #tpu.memory_space<vmem_shared>>) target_semaphore(%run_scoped3A : memref<!tpu.dma_semaphore, #tpu.memory_space<semaphore_mem>>)
      %dma_wait3A = arith.constant 0 : i32
      %dma_wait3A_17 = tpu.memref_slice %arg10[%mul3A_4, %dma_wait3A] : memref<10112x128xf32, #tpu.memory_space<vmem_shared>> -> memref<632x128xf32, #tpu.memory_space<vmem_shared>>
      %dma_wait3A_18 = arith.constant 0 : i32
      %dma_wait3A_19 = tpu.memref_slice %arg5[%mul3A_2, %dma_wait3A_18] : memref<10112x128xf32, #tpu.memory_space<hbm>> -> memref<632x128xf32, #tpu.memory_space<hbm>>
      tpu.wait_dma2 semaphore(%run_scoped3A : memref<!tpu.dma_semaphore, #tpu.memory_space<semaphore_mem>>) src(%dma_wait3A_19 : memref<632x128xf32, #tpu.memory_space<hbm>>) dst(%dma_wait3A_17 : memref<632x128xf32, #tpu.memory_space<vmem_shared>>)
      tpu.yield
    }) : () -> ()
    %barrier3A = arith.constant 0 : index
    tpu.barrier barrier_id(%barrier3A)
    %scan3A = arith.constant 0 : i32
    %scan3A_5 = arith.constant 160 : i32
    %scan3A_6 = arith.addi %scan3A, %scan3A_5 : i32
    %scan3A_7 = arith.constant 1 : i32
    scf.for %scan3A_14 = %scan3A to %scan3A_6 step %scan3A_7  : i32 {
      %mul3A_15 = arith.constant 1 : i32
      %mul3A_16 = arith.muli %scan3A_14, %mul3A_15 : i32
      %add3A_17 = arith.constant 0 : i32
      %add3A_18 = arith.addi %add3A_17, %mul3A_16 : i32
      %mul3A_19 = arith.constant 20480 : i32
      %mul3A_20 = arith.muli %add3A, %mul3A_19 : i32
      %mul3A_21 = arith.constant 128 : i32
      %mul3A_22 = arith.muli %add3A_18, %mul3A_21 : i32
      %add3A_23 = arith.addi %mul3A_20, %mul3A_22 : i32
      "tpu.region"() ({
        %run_scoped3A = tpu.sem_alloc : memref<!tpu.dma_semaphore, #tpu.memory_space<semaphore_mem>>
        %dma_start3A_28 = tpu.memref_slice %arg3[%add3A_23] : memref<655360xi32, #tpu.memory_space<hbm>> -> memref<128xi32, #tpu.memory_space<hbm>>
        %dma_start3A_29 = tpu.memref_slice %arg3[%add3A_23] : memref<655360xi32, #tpu.memory_space<hbm>> -> memref<128xi32, #tpu.memory_space<hbm>>
        tpu.enqueue_dma source(%dma_start3A_29 : memref<128xi32, #tpu.memory_space<hbm>>) target(%arg7 : memref<128xi32, #tpu.memory_space<vmem>>) target_semaphore(%run_scoped3A : memref<!tpu.dma_semaphore, #tpu.memory_space<semaphore_mem>>)
        %dma_wait3A_30 = tpu.memref_slice %arg3[%add3A_23] : memref<655360xi32, #tpu.memory_space<hbm>> -> memref<128xi32, #tpu.memory_space<hbm>>
        %dma_wait3A_31 = tpu.memref_slice %arg3[%add3A_23] : memref<655360xi32, #tpu.memory_space<hbm>> -> memref<128xi32, #tpu.memory_space<hbm>>
        tpu.wait_dma2 semaphore(%run_scoped3A : memref<!tpu.dma_semaphore, #tpu.memory_space<semaphore_mem>>) src(%dma_wait3A_31 : memref<128xi32, #tpu.memory_space<hbm>>) dst(%arg7 : memref<128xi32, #tpu.memory_space<vmem>>)
        tpu.yield
      }) : () -> ()
      "tpu.region"() ({
        %run_scoped3A = tpu.sem_alloc : memref<!tpu.dma_semaphore, #tpu.memory_space<semaphore_mem>>
        %dma_start3A_28 = tpu.memref_slice %arg4[%add3A_23] : memref<655360xi32, #tpu.memory_space<hbm>> -> memref<128xi32, #tpu.memory_space<hbm>>
        %dma_start3A_29 = tpu.memref_slice %arg4[%add3A_23] : memref<655360xi32, #tpu.memory_space<hbm>> -> memref<128xi32, #tpu.memory_space<hbm>>
        tpu.enqueue_dma source(%dma_start3A_29 : memref<128xi32, #tpu.memory_space<hbm>>) target(%arg8 : memref<128xi32, #tpu.memory_space<vmem>>) target_semaphore(%run_scoped3A : memref<!tpu.dma_semaphore, #tpu.memory_space<semaphore_mem>>)
        %dma_wait3A_30 = tpu.memref_slice %arg4[%add3A_23] : memref<655360xi32, #tpu.memory_space<hbm>> -> memref<128xi32, #tpu.memory_space<hbm>>
        %dma_wait3A_31 = tpu.memref_slice %arg4[%add3A_23] : memref<655360xi32, #tpu.memory_space<hbm>> -> memref<128xi32, #tpu.memory_space<hbm>>
        tpu.wait_dma2 semaphore(%run_scoped3A : memref<!tpu.dma_semaphore, #tpu.memory_space<semaphore_mem>>) src(%dma_wait3A_31 : memref<128xi32, #tpu.memory_space<hbm>>) dst(%arg8 : memref<128xi32, #tpu.memory_space<vmem>>)
        tpu.yield
      }) : () -> ()
      %dma_start3A = arith.constant 0 : i32
      %dma_start3A_24 = arith.constant 0 : i32
      %dma_start3A_25 = tpu.memref_slice %arg2[%dma_start3A, %dma_start3A_24] : memref<10000x128xf32, #tpu.memory_space<hbm>> -> memref<10000x128xf32, #tpu.memory_space<hbm>>
      tpu.enqueue_indirect_dma source(%dma_start3A_25 : memref<10000x128xf32, #tpu.memory_space<hbm>>) target(%arg9 : memref<128x128xf32, #tpu.memory_space<vmem>>) offsets(%arg7 : memref<128xi32, #tpu.memory_space<vmem>>) semaphore(%arg11 : memref<!tpu.dma_semaphore, #tpu.memory_space<semaphore_mem>>)
      %dma_wait3A = arith.constant 0 : i32
      %dma_wait3A_26 = arith.constant 0 : i32
      %dma_wait3A_27 = tpu.memref_slice %arg2[%dma_wait3A, %dma_wait3A_26] : memref<10000x128xf32, #tpu.memory_space<hbm>> -> memref<10000x128xf32, #tpu.memory_space<hbm>>
      tpu.wait_indirect_dma semaphore(%arg11 : memref<!tpu.dma_semaphore, #tpu.memory_space<semaphore_mem>>) src(%dma_wait3A_27 : memref<10000x128xf32, #tpu.memory_space<hbm>>) dst(%arg9 : memref<128x128xf32, #tpu.memory_space<vmem>>)
      "tpu.region"() ({
        %run_scoped3A = tpu.sem_alloc : memref<!tpu.dma_semaphore, #tpu.memory_space<semaphore_mem>>
        %dma_start3A_28 = arith.constant 0 : i32
        %dma_start3A_29 = arith.constant 0 : i32
        %dma_start3A_30 = tpu.memref_slice %arg10[%dma_start3A_28, %dma_start3A_29] : memref<10112x128xf32, #tpu.memory_space<vmem_shared>> -> memref<10112x128xf32, #tpu.memory_space<vmem_shared>>
        tpu.enqueue_indirect_dma source(%arg9 : memref<128x128xf32, #tpu.memory_space<vmem>>) target(%dma_start3A_30 : memref<10112x128xf32, #tpu.memory_space<vmem_shared>>) offsets(%arg8 : memref<128xi32, #tpu.memory_space<vmem>>) semaphore(%run_scoped3A : memref<!tpu.dma_semaphore, #tpu.memory_space<semaphore_mem>>) {add = true}
        %dma_wait3A_31 = arith.constant 0 : i32
        %dma_wait3A_32 = arith.constant 0 : i32
        %dma_wait3A_33 = tpu.memref_slice %arg10[%dma_wait3A_31, %dma_wait3A_32] : memref<10112x128xf32, #tpu.memory_space<vmem_shared>> -> memref<10112x128xf32, #tpu.memory_space<vmem_shared>>
        tpu.wait_indirect_dma semaphore(%run_scoped3A : memref<!tpu.dma_semaphore, #tpu.memory_space<semaphore_mem>>) src(%arg9 : memref<128x128xf32, #tpu.memory_space<vmem>>) dst(%dma_wait3A_33 : memref<10112x128xf32, #tpu.memory_space<vmem_shared>>)
        tpu.yield
      }) : () -> ()
    }
    %scan3A_8 = arith.constant 160 : i32
    %barrier3A_9 = arith.constant 0 : index
    tpu.barrier barrier_id(%barrier3A_9)
    %mul3A_10 = arith.constant 632 : i32
    %mul3A_11 = arith.muli %arg1, %mul3A_10 : i32
    %mul3A_12 = arith.constant 632 : i32
    %mul3A_13 = arith.muli %arg1, %mul3A_12 : i32
    "tpu.region"() ({
      %run_scoped3A = tpu.sem_alloc : memref<!tpu.dma_semaphore, #tpu.memory_space<semaphore_mem>>
      %dma_start3A = arith.constant 0 : i32
      %dma_start3A_14 = tpu.memref_slice %arg6[%arg0, %mul3A_13, %dma_start3A] : memref<2x10112x128xf32, #tpu.memory_space<hbm>> -> memref<1x632x128xf32, #tpu.memory_space<hbm>>
      %dma_start3A_15 = tpu.memref_squeeze %dma_start3A_14 : memref<1x632x128xf32, #tpu.memory_space<hbm>> -> memref<632x128xf32, #tpu.memory_space<hbm>>
      %dma_start3A_16 = arith.constant 0 : i32
      %dma_start3A_17 = tpu.memref_slice %arg10[%mul3A_11, %dma_start3A_16] : memref<10112x128xf32, #tpu.memory_space<vmem_shared>> -> memref<632x128xf32, #tpu.memory_space<vmem_shared>>
      tpu.enqueue_dma source(%dma_start3A_17 : memref<632x128xf32, #tpu.memory_space<vmem_shared>>) target(%dma_start3A_15 : memref<632x128xf32, #tpu.memory_space<hbm>>) target_semaphore(%run_scoped3A : memref<!tpu.dma_semaphore, #tpu.memory_space<semaphore_mem>>)
      %dma_wait3A = arith.constant 0 : i32
      %dma_wait3A_18 = tpu.memref_slice %arg6[%arg0, %mul3A_13, %dma_wait3A] : memref<2x10112x128xf32, #tpu.memory_space<hbm>> -> memref<1x632x128xf32, #tpu.memory_space<hbm>>
      %dma_wait3A_19 = tpu.memref_squeeze %dma_wait3A_18 : memref<1x632x128xf32, #tpu.memory_space<hbm>> -> memref<632x128xf32, #tpu.memory_space<hbm>>
      %dma_wait3A_20 = arith.constant 0 : i32
      %dma_wait3A_21 = tpu.memref_slice %arg10[%mul3A_11, %dma_wait3A_20] : memref<10112x128xf32, #tpu.memory_space<vmem_shared>> -> memref<632x128xf32, #tpu.memory_space<vmem_shared>>
      tpu.wait_dma2 semaphore(%run_scoped3A : memref<!tpu.dma_semaphore, #tpu.memory_space<semaphore_mem>>) src(%dma_wait3A_21 : memref<632x128xf32, #tpu.memory_space<vmem_shared>>) dst(%dma_wait3A_19 : memref<632x128xf32, #tpu.memory_space<hbm>>)
      tpu.yield
    }) : () -> ()
    return
  }
}

#map = affine_map<(d0, d1) -> (0, 0)>
#map1 = affine_map<(d0, d1) -> (0)>
#map2 = affine_map<(d0, d1) -> (0, 0, 0)>
module attributes {stable_mosaic.version = 14 : i64} {
  func.func @agg(%arg0: i32, %arg1: i32, %arg2: memref<10000x128xf32, #tpu.memory_space<hbm>>, %arg3: memref<655360xi32, #tpu.memory_space<hbm>>, %arg4: memref<655360xi32, #tpu.memory_space<hbm>>, %arg5: memref<10112x128xf32, #tpu.memory_space<hbm>>, %arg6: memref<2x10112x128xf32, #tpu.memory_space<hbm>>, %arg7: memref<128xi32, #tpu.memory_space<vmem>>, %arg8: memref<128xi32, #tpu.memory_space<vmem>>, %arg9: memref<128x128xf32, #tpu.memory_space<vmem>>, %arg10: memref<10112x128xf32, #tpu.memory_space<vmem_shared>>, %arg11: memref<!tpu.dma_semaphore, #tpu.memory_space<semaphore_mem>>) attributes {dimension_semantics = [#tpu.dimension_semantics<core_parallel>, #tpu.dimension_semantics<subcore_parallel>], iteration_bounds = array<i64: 2, 16>, scalar_prefetch = 0 : i64, scratch_operands = 5 : i64, tpu.core_type = #tpu.core_type<sc_vector_subcore>, window_params = [{transform_indices = #map}, {transform_indices = #map1}, {transform_indices = #map1}, {transform_indices = #map}, {transform_indices = #map2}]} {
    %mul3A = arith.constant 16 : i32
    %mul3A_0 = arith.muli %arg0, %mul3A : i32
    %add3A = arith.addi %mul3A_0, %arg1 : i32
    %mul3A_1 = arith.constant 632 : i32
    %mul3A_2 = arith.muli %arg1, %mul3A_1 : i32
    %mul3A_3 = arith.constant 632 : i32
    %mul3A_4 = arith.muli %arg1, %mul3A_3 : i32
    "tpu.region"() ({
      %run_scoped3A = tpu.sem_alloc : memref<!tpu.dma_semaphore, #tpu.memory_space<semaphore_mem>>
      %dma_start3A = arith.constant 0 : i32
      %dma_start3A_14 = tpu.memref_slice %arg10[%mul3A_4, %dma_start3A] : memref<10112x128xf32, #tpu.memory_space<vmem_shared>> -> memref<632x128xf32, #tpu.memory_space<vmem_shared>>
      %dma_start3A_15 = arith.constant 0 : i32
      %dma_start3A_16 = tpu.memref_slice %arg5[%mul3A_2, %dma_start3A_15] : memref<10112x128xf32, #tpu.memory_space<hbm>> -> memref<632x128xf32, #tpu.memory_space<hbm>>
      tpu.enqueue_dma source(%dma_start3A_16 : memref<632x128xf32, #tpu.memory_space<hbm>>) target(%dma_start3A_14 : memref<632x128xf32, #tpu.memory_space<vmem_shared>>) target_semaphore(%run_scoped3A : memref<!tpu.dma_semaphore, #tpu.memory_space<semaphore_mem>>)
      %dma_wait3A = arith.constant 0 : i32
      %dma_wait3A_17 = tpu.memref_slice %arg10[%mul3A_4, %dma_wait3A] : memref<10112x128xf32, #tpu.memory_space<vmem_shared>> -> memref<632x128xf32, #tpu.memory_space<vmem_shared>>
      %dma_wait3A_18 = arith.constant 0 : i32
      %dma_wait3A_19 = tpu.memref_slice %arg5[%mul3A_2, %dma_wait3A_18] : memref<10112x128xf32, #tpu.memory_space<hbm>> -> memref<632x128xf32, #tpu.memory_space<hbm>>
      tpu.wait_dma2 semaphore(%run_scoped3A : memref<!tpu.dma_semaphore, #tpu.memory_space<semaphore_mem>>) src(%dma_wait3A_19 : memref<632x128xf32, #tpu.memory_space<hbm>>) dst(%dma_wait3A_17 : memref<632x128xf32, #tpu.memory_space<vmem_shared>>)
      tpu.yield
    }) : () -> ()
    %barrier3A = arith.constant 0 : index
    tpu.barrier barrier_id(%barrier3A)
    %scan3A = arith.constant 0 : i32
    %scan3A_5 = arith.constant 160 : i32
    %scan3A_6 = arith.addi %scan3A, %scan3A_5 : i32
    %scan3A_7 = arith.constant 1 : i32
    scf.for %scan3A_14 = %scan3A to %scan3A_6 step %scan3A_7  : i32 {
      %mul3A_15 = arith.constant 1 : i32
      %mul3A_16 = arith.muli %scan3A_14, %mul3A_15 : i32
      %add3A_17 = arith.constant 0 : i32
      %add3A_18 = arith.addi %add3A_17, %mul3A_16 : i32
      %mul3A_19 = arith.constant 20480 : i32
      %mul3A_20 = arith.muli %add3A, %mul3A_19 : i32
      %mul3A_21 = arith.constant 128 : i32
      %mul3A_22 = arith.muli %add3A_18, %mul3A_21 : i32
      %add3A_23 = arith.addi %mul3A_20, %mul3A_22 : i32
      "tpu.region"() ({
        %run_scoped3A = tpu.sem_alloc : memref<!tpu.dma_semaphore, #tpu.memory_space<semaphore_mem>>
        %dma_start3A_28 = tpu.memref_slice %arg3[%add3A_23] : memref<655360xi32, #tpu.memory_space<hbm>> -> memref<128xi32, #tpu.memory_space<hbm>>
        %dma_start3A_29 = tpu.memref_slice %arg3[%add3A_23] : memref<655360xi32, #tpu.memory_space<hbm>> -> memref<128xi32, #tpu.memory_space<hbm>>
        tpu.enqueue_dma source(%dma_start3A_29 : memref<128xi32, #tpu.memory_space<hbm>>) target(%arg7 : memref<128xi32, #tpu.memory_space<vmem>>) target_semaphore(%run_scoped3A : memref<!tpu.dma_semaphore, #tpu.memory_space<semaphore_mem>>)
        %dma_wait3A_30 = tpu.memref_slice %arg3[%add3A_23] : memref<655360xi32, #tpu.memory_space<hbm>> -> memref<128xi32, #tpu.memory_space<hbm>>
        %dma_wait3A_31 = tpu.memref_slice %arg3[%add3A_23] : memref<655360xi32, #tpu.memory_space<hbm>> -> memref<128xi32, #tpu.memory_space<hbm>>
        tpu.wait_dma2 semaphore(%run_scoped3A : memref<!tpu.dma_semaphore, #tpu.memory_space<semaphore_mem>>) src(%dma_wait3A_31 : memref<128xi32, #tpu.memory_space<hbm>>) dst(%arg7 : memref<128xi32, #tpu.memory_space<vmem>>)
        tpu.yield
      }) : () -> ()
      "tpu.region"() ({
        %run_scoped3A = tpu.sem_alloc : memref<!tpu.dma_semaphore, #tpu.memory_space<semaphore_mem>>
        %dma_start3A_28 = tpu.memref_slice %arg4[%add3A_23] : memref<655360xi32, #tpu.memory_space<hbm>> -> memref<128xi32, #tpu.memory_space<hbm>>
        %dma_start3A_29 = tpu.memref_slice %arg4[%add3A_23] : memref<655360xi32, #tpu.memory_space<hbm>> -> memref<128xi32, #tpu.memory_space<hbm>>
        tpu.enqueue_dma source(%dma_start3A_29 : memref<128xi32, #tpu.memory_space<hbm>>) target(%arg8 : memref<128xi32, #tpu.memory_space<vmem>>) target_semaphore(%run_scoped3A : memref<!tpu.dma_semaphore, #tpu.memory_space<semaphore_mem>>)
        %dma_wait3A_30 = tpu.memref_slice %arg4[%add3A_23] : memref<655360xi32, #tpu.memory_space<hbm>> -> memref<128xi32, #tpu.memory_space<hbm>>
        %dma_wait3A_31 = tpu.memref_slice %arg4[%add3A_23] : memref<655360xi32, #tpu.memory_space<hbm>> -> memref<128xi32, #tpu.memory_space<hbm>>
        tpu.wait_dma2 semaphore(%run_scoped3A : memref<!tpu.dma_semaphore, #tpu.memory_space<semaphore_mem>>) src(%dma_wait3A_31 : memref<128xi32, #tpu.memory_space<hbm>>) dst(%arg8 : memref<128xi32, #tpu.memory_space<vmem>>)
        tpu.yield
      }) : () -> ()
      %dma_start3A = arith.constant 0 : i32
      %dma_start3A_24 = arith.constant 0 : i32
      %dma_start3A_25 = tpu.memref_slice %arg2[%dma_start3A, %dma_start3A_24] : memref<10000x128xf32, #tpu.memory_space<hbm>> -> memref<10000x128xf32, #tpu.memory_space<hbm>>
      tpu.enqueue_indirect_dma source(%dma_start3A_25 : memref<10000x128xf32, #tpu.memory_space<hbm>>) target(%arg9 : memref<128x128xf32, #tpu.memory_space<vmem>>) offsets(%arg7 : memref<128xi32, #tpu.memory_space<vmem>>) semaphore(%arg11 : memref<!tpu.dma_semaphore, #tpu.memory_space<semaphore_mem>>)
      %dma_wait3A = arith.constant 0 : i32
      %dma_wait3A_26 = arith.constant 0 : i32
      %dma_wait3A_27 = tpu.memref_slice %arg2[%dma_wait3A, %dma_wait3A_26] : memref<10000x128xf32, #tpu.memory_space<hbm>> -> memref<10000x128xf32, #tpu.memory_space<hbm>>
      tpu.wait_indirect_dma semaphore(%arg11 : memref<!tpu.dma_semaphore, #tpu.memory_space<semaphore_mem>>) src(%dma_wait3A_27 : memref<10000x128xf32, #tpu.memory_space<hbm>>) dst(%arg9 : memref<128x128xf32, #tpu.memory_space<vmem>>)
      "tpu.region"() ({
        %run_scoped3A = tpu.sem_alloc : memref<!tpu.dma_semaphore, #tpu.memory_space<semaphore_mem>>
        %dma_start3A_28 = arith.constant 0 : i32
        %dma_start3A_29 = arith.constant 0 : i32
        %dma_start3A_30 = tpu.memref_slice %arg10[%dma_start3A_28, %dma_start3A_29] : memref<10112x128xf32, #tpu.memory_space<vmem_shared>> -> memref<10112x128xf32, #tpu.memory_space<vmem_shared>>
        tpu.enqueue_indirect_dma source(%arg9 : memref<128x128xf32, #tpu.memory_space<vmem>>) target(%dma_start3A_30 : memref<10112x128xf32, #tpu.memory_space<vmem_shared>>) offsets(%arg8 : memref<128xi32, #tpu.memory_space<vmem>>) semaphore(%run_scoped3A : memref<!tpu.dma_semaphore, #tpu.memory_space<semaphore_mem>>) {add = true}
        %dma_wait3A_31 = arith.constant 0 : i32
        %dma_wait3A_32 = arith.constant 0 : i32
        %dma_wait3A_33 = tpu.memref_slice %arg10[%dma_wait3A_31, %dma_wait3A_32] : memref<10112x128xf32, #tpu.memory_space<vmem_shared>> -> memref<10112x128xf32, #tpu.memory_space<vmem_shared>>
        tpu.wait_indirect_dma semaphore(%run_scoped3A : memref<!tpu.dma_semaphore, #tpu.memory_space<semaphore_mem>>) src(%arg9 : memref<128x128xf32, #tpu.memory_space<vmem>>) dst(%dma_wait3A_33 : memref<10112x128xf32, #tpu.memory_space<vmem_shared>>)
        tpu.yield
      }) : () -> ()
    }
    %scan3A_8 = arith.constant 160 : i32
    %barrier3A_9 = arith.constant 0 : index
    tpu.barrier barrier_id(%barrier3A_9)
    %mul3A_10 = arith.constant 632 : i32
    %mul3A_11 = arith.muli %arg1, %mul3A_10 : i32
    %mul3A_12 = arith.constant 632 : i32
    %mul3A_13 = arith.muli %arg1, %mul3A_12 : i32
    "tpu.region"() ({
      %run_scoped3A = tpu.sem_alloc : memref<!tpu.dma_semaphore, #tpu.memory_space<semaphore_mem>>
      %dma_start3A = arith.constant 0 : i32
      %dma_start3A_14 = tpu.memref_slice %arg6[%arg0, %mul3A_13, %dma_start3A] : memref<2x10112x128xf32, #tpu.memory_space<hbm>> -> memref<1x632x128xf32, #tpu.memory_space<hbm>>
      %dma_start3A_15 = tpu.memref_squeeze %dma_start3A_14 : memref<1x632x128xf32, #tpu.memory_space<hbm>> -> memref<632x128xf32, #tpu.memory_space<hbm>>
      %dma_start3A_16 = arith.constant 0 : i32
      %dma_start3A_17 = tpu.memref_slice %arg10[%mul3A_11, %dma_start3A_16] : memref<10112x128xf32, #tpu.memory_space<vmem_shared>> -> memref<632x128xf32, #tpu.memory_space<vmem_shared>>
      tpu.enqueue_dma source(%dma_start3A_17 : memref<632x128xf32, #tpu.memory_space<vmem_shared>>) target(%dma_start3A_15 : memref<632x128xf32, #tpu.memory_space<hbm>>) target_semaphore(%run_scoped3A : memref<!tpu.dma_semaphore, #tpu.memory_space<semaphore_mem>>)
      %dma_wait3A = arith.constant 0 : i32
      %dma_wait3A_18 = tpu.memref_slice %arg6[%arg0, %mul3A_13, %dma_wait3A] : memref<2x10112x128xf32, #tpu.memory_space<hbm>> -> memref<1x632x128xf32, #tpu.memory_space<hbm>>
      %dma_wait3A_19 = tpu.memref_squeeze %dma_wait3A_18 : memref<1x632x128xf32, #tpu.memory_space<hbm>> -> memref<632x128xf32, #tpu.memory_space<hbm>>
      %dma_wait3A_20 = arith.constant 0 : i32
      %dma_wait3A_21 = tpu.memref_slice %arg10[%mul3A_11, %dma_wait3A_20] : memref<10112x128xf32, #tpu.memory_space<vmem_shared>> -> memref<632x128xf32, #tpu.memory_space<vmem_shared>>
      tpu.wait_dma2 semaphore(%run_scoped3A : memref<!tpu.dma_semaphore, #tpu.memory_space<semaphore_mem>>) src(%dma_wait3A_21 : memref<632x128xf32, #tpu.memory_space<vmem_shared>>) dst(%dma_wait3A_19 : memref<632x128xf32, #tpu.memory_space<hbm>>)
      tpu.yield
    }) : () -> ()
    return
  }
}

#map = affine_map<(d0, d1) -> (0, 0)>
#map1 = affine_map<(d0, d1) -> (0)>
#map2 = affine_map<(d0, d1) -> (0, 0, 0)>
module attributes {stable_mosaic.version = 14 : i64} {
  func.func @agg(%arg0: i32, %arg1: i32, %arg2: memref<10000x128xf32, #tpu.memory_space<hbm>>, %arg3: memref<655360xi32, #tpu.memory_space<hbm>>, %arg4: memref<655360xi32, #tpu.memory_space<hbm>>, %arg5: memref<10112x128xf32, #tpu.memory_space<hbm>>, %arg6: memref<2x10112x128xf32, #tpu.memory_space<hbm>>, %arg7: memref<128xi32, #tpu.memory_space<vmem>>, %arg8: memref<128xi32, #tpu.memory_space<vmem>>, %arg9: memref<128x128xf32, #tpu.memory_space<vmem>>, %arg10: memref<10112x128xf32, #tpu.memory_space<vmem_shared>>, %arg11: memref<!tpu.dma_semaphore, #tpu.memory_space<semaphore_mem>>) attributes {dimension_semantics = [#tpu.dimension_semantics<core_parallel>, #tpu.dimension_semantics<subcore_parallel>], iteration_bounds = array<i64: 2, 16>, scalar_prefetch = 0 : i64, scratch_operands = 5 : i64, tpu.core_type = #tpu.core_type<sc_vector_subcore>, window_params = [{transform_indices = #map}, {transform_indices = #map1}, {transform_indices = #map1}, {transform_indices = #map}, {transform_indices = #map2}]} {
    %mul3A = arith.constant 16 : i32
    %mul3A_0 = arith.muli %arg0, %mul3A : i32
    %add3A = arith.addi %mul3A_0, %arg1 : i32
    %mul3A_1 = arith.constant 632 : i32
    %mul3A_2 = arith.muli %arg1, %mul3A_1 : i32
    %mul3A_3 = arith.constant 632 : i32
    %mul3A_4 = arith.muli %arg1, %mul3A_3 : i32
    "tpu.region"() ({
      %run_scoped3A = tpu.sem_alloc : memref<!tpu.dma_semaphore, #tpu.memory_space<semaphore_mem>>
      %dma_start3A = arith.constant 0 : i32
      %dma_start3A_14 = tpu.memref_slice %arg10[%mul3A_4, %dma_start3A] : memref<10112x128xf32, #tpu.memory_space<vmem_shared>> -> memref<632x128xf32, #tpu.memory_space<vmem_shared>>
      %dma_start3A_15 = arith.constant 0 : i32
      %dma_start3A_16 = tpu.memref_slice %arg5[%mul3A_2, %dma_start3A_15] : memref<10112x128xf32, #tpu.memory_space<hbm>> -> memref<632x128xf32, #tpu.memory_space<hbm>>
      tpu.enqueue_dma source(%dma_start3A_16 : memref<632x128xf32, #tpu.memory_space<hbm>>) target(%dma_start3A_14 : memref<632x128xf32, #tpu.memory_space<vmem_shared>>) target_semaphore(%run_scoped3A : memref<!tpu.dma_semaphore, #tpu.memory_space<semaphore_mem>>)
      %dma_wait3A = arith.constant 0 : i32
      %dma_wait3A_17 = tpu.memref_slice %arg10[%mul3A_4, %dma_wait3A] : memref<10112x128xf32, #tpu.memory_space<vmem_shared>> -> memref<632x128xf32, #tpu.memory_space<vmem_shared>>
      %dma_wait3A_18 = arith.constant 0 : i32
      %dma_wait3A_19 = tpu.memref_slice %arg5[%mul3A_2, %dma_wait3A_18] : memref<10112x128xf32, #tpu.memory_space<hbm>> -> memref<632x128xf32, #tpu.memory_space<hbm>>
      tpu.wait_dma2 semaphore(%run_scoped3A : memref<!tpu.dma_semaphore, #tpu.memory_space<semaphore_mem>>) src(%dma_wait3A_19 : memref<632x128xf32, #tpu.memory_space<hbm>>) dst(%dma_wait3A_17 : memref<632x128xf32, #tpu.memory_space<vmem_shared>>)
      tpu.yield
    }) : () -> ()
    %barrier3A = arith.constant 0 : index
    tpu.barrier barrier_id(%barrier3A)
    %scan3A = arith.constant 0 : i32
    %scan3A_5 = arith.constant 160 : i32
    %scan3A_6 = arith.addi %scan3A, %scan3A_5 : i32
    %scan3A_7 = arith.constant 1 : i32
    scf.for %scan3A_14 = %scan3A to %scan3A_6 step %scan3A_7  : i32 {
      %mul3A_15 = arith.constant 1 : i32
      %mul3A_16 = arith.muli %scan3A_14, %mul3A_15 : i32
      %add3A_17 = arith.constant 0 : i32
      %add3A_18 = arith.addi %add3A_17, %mul3A_16 : i32
      %mul3A_19 = arith.constant 20480 : i32
      %mul3A_20 = arith.muli %add3A, %mul3A_19 : i32
      %mul3A_21 = arith.constant 128 : i32
      %mul3A_22 = arith.muli %add3A_18, %mul3A_21 : i32
      %add3A_23 = arith.addi %mul3A_20, %mul3A_22 : i32
      "tpu.region"() ({
        %run_scoped3A = tpu.sem_alloc : memref<!tpu.dma_semaphore, #tpu.memory_space<semaphore_mem>>
        %dma_start3A_28 = tpu.memref_slice %arg3[%add3A_23] : memref<655360xi32, #tpu.memory_space<hbm>> -> memref<128xi32, #tpu.memory_space<hbm>>
        %dma_start3A_29 = tpu.memref_slice %arg3[%add3A_23] : memref<655360xi32, #tpu.memory_space<hbm>> -> memref<128xi32, #tpu.memory_space<hbm>>
        tpu.enqueue_dma source(%dma_start3A_29 : memref<128xi32, #tpu.memory_space<hbm>>) target(%arg7 : memref<128xi32, #tpu.memory_space<vmem>>) target_semaphore(%run_scoped3A : memref<!tpu.dma_semaphore, #tpu.memory_space<semaphore_mem>>)
        %dma_wait3A_30 = tpu.memref_slice %arg3[%add3A_23] : memref<655360xi32, #tpu.memory_space<hbm>> -> memref<128xi32, #tpu.memory_space<hbm>>
        %dma_wait3A_31 = tpu.memref_slice %arg3[%add3A_23] : memref<655360xi32, #tpu.memory_space<hbm>> -> memref<128xi32, #tpu.memory_space<hbm>>
        tpu.wait_dma2 semaphore(%run_scoped3A : memref<!tpu.dma_semaphore, #tpu.memory_space<semaphore_mem>>) src(%dma_wait3A_31 : memref<128xi32, #tpu.memory_space<hbm>>) dst(%arg7 : memref<128xi32, #tpu.memory_space<vmem>>)
        tpu.yield
      }) : () -> ()
      "tpu.region"() ({
        %run_scoped3A = tpu.sem_alloc : memref<!tpu.dma_semaphore, #tpu.memory_space<semaphore_mem>>
        %dma_start3A_28 = tpu.memref_slice %arg4[%add3A_23] : memref<655360xi32, #tpu.memory_space<hbm>> -> memref<128xi32, #tpu.memory_space<hbm>>
        %dma_start3A_29 = tpu.memref_slice %arg4[%add3A_23] : memref<655360xi32, #tpu.memory_space<hbm>> -> memref<128xi32, #tpu.memory_space<hbm>>
        tpu.enqueue_dma source(%dma_start3A_29 : memref<128xi32, #tpu.memory_space<hbm>>) target(%arg8 : memref<128xi32, #tpu.memory_space<vmem>>) target_semaphore(%run_scoped3A : memref<!tpu.dma_semaphore, #tpu.memory_space<semaphore_mem>>)
        %dma_wait3A_30 = tpu.memref_slice %arg4[%add3A_23] : memref<655360xi32, #tpu.memory_space<hbm>> -> memref<128xi32, #tpu.memory_space<hbm>>
        %dma_wait3A_31 = tpu.memref_slice %arg4[%add3A_23] : memref<655360xi32, #tpu.memory_space<hbm>> -> memref<128xi32, #tpu.memory_space<hbm>>
        tpu.wait_dma2 semaphore(%run_scoped3A : memref<!tpu.dma_semaphore, #tpu.memory_space<semaphore_mem>>) src(%dma_wait3A_31 : memref<128xi32, #tpu.memory_space<hbm>>) dst(%arg8 : memref<128xi32, #tpu.memory_space<vmem>>)
        tpu.yield
      }) : () -> ()
      %dma_start3A = arith.constant 0 : i32
      %dma_start3A_24 = arith.constant 0 : i32
      %dma_start3A_25 = tpu.memref_slice %arg2[%dma_start3A, %dma_start3A_24] : memref<10000x128xf32, #tpu.memory_space<hbm>> -> memref<10000x128xf32, #tpu.memory_space<hbm>>
      tpu.enqueue_indirect_dma source(%dma_start3A_25 : memref<10000x128xf32, #tpu.memory_space<hbm>>) target(%arg9 : memref<128x128xf32, #tpu.memory_space<vmem>>) offsets(%arg7 : memref<128xi32, #tpu.memory_space<vmem>>) semaphore(%arg11 : memref<!tpu.dma_semaphore, #tpu.memory_space<semaphore_mem>>)
      %dma_wait3A = arith.constant 0 : i32
      %dma_wait3A_26 = arith.constant 0 : i32
      %dma_wait3A_27 = tpu.memref_slice %arg2[%dma_wait3A, %dma_wait3A_26] : memref<10000x128xf32, #tpu.memory_space<hbm>> -> memref<10000x128xf32, #tpu.memory_space<hbm>>
      tpu.wait_indirect_dma semaphore(%arg11 : memref<!tpu.dma_semaphore, #tpu.memory_space<semaphore_mem>>) src(%dma_wait3A_27 : memref<10000x128xf32, #tpu.memory_space<hbm>>) dst(%arg9 : memref<128x128xf32, #tpu.memory_space<vmem>>)
      "tpu.region"() ({
        %run_scoped3A = tpu.sem_alloc : memref<!tpu.dma_semaphore, #tpu.memory_space<semaphore_mem>>
        %dma_start3A_28 = arith.constant 0 : i32
        %dma_start3A_29 = arith.constant 0 : i32
        %dma_start3A_30 = tpu.memref_slice %arg10[%dma_start3A_28, %dma_start3A_29] : memref<10112x128xf32, #tpu.memory_space<vmem_shared>> -> memref<10112x128xf32, #tpu.memory_space<vmem_shared>>
        tpu.enqueue_indirect_dma source(%arg9 : memref<128x128xf32, #tpu.memory_space<vmem>>) target(%dma_start3A_30 : memref<10112x128xf32, #tpu.memory_space<vmem_shared>>) offsets(%arg8 : memref<128xi32, #tpu.memory_space<vmem>>) semaphore(%run_scoped3A : memref<!tpu.dma_semaphore, #tpu.memory_space<semaphore_mem>>) {add = true}
        %dma_wait3A_31 = arith.constant 0 : i32
        %dma_wait3A_32 = arith.constant 0 : i32
        %dma_wait3A_33 = tpu.memref_slice %arg10[%dma_wait3A_31, %dma_wait3A_32] : memref<10112x128xf32, #tpu.memory_space<vmem_shared>> -> memref<10112x128xf32, #tpu.memory_space<vmem_shared>>
        tpu.wait_indirect_dma semaphore(%run_scoped3A : memref<!tpu.dma_semaphore, #tpu.memory_space<semaphore_mem>>) src(%arg9 : memref<128x128xf32, #tpu.memory_space<vmem>>) dst(%dma_wait3A_33 : memref<10112x128xf32, #tpu.memory_space<vmem_shared>>)
        tpu.yield
      }) : () -> ()
    }
    %scan3A_8 = arith.constant 160 : i32
    %barrier3A_9 = arith.constant 0 : index
    tpu.barrier barrier_id(%barrier3A_9)
    %mul3A_10 = arith.constant 632 : i32
    %mul3A_11 = arith.muli %arg1, %mul3A_10 : i32
    %mul3A_12 = arith.constant 632 : i32
    %mul3A_13 = arith.muli %arg1, %mul3A_12 : i32
    "tpu.region"() ({
      %run_scoped3A = tpu.sem_alloc : memref<!tpu.dma_semaphore, #tpu.memory_space<semaphore_mem>>
      %dma_start3A = arith.constant 0 : i32
      %dma_start3A_14 = tpu.memref_slice %arg6[%arg0, %mul3A_13, %dma_start3A] : memref<2x10112x128xf32, #tpu.memory_space<hbm>> -> memref<1x632x128xf32, #tpu.memory_space<hbm>>
      %dma_start3A_15 = tpu.memref_squeeze %dma_start3A_14 : memref<1x632x128xf32, #tpu.memory_space<hbm>> -> memref<632x128xf32, #tpu.memory_space<hbm>>
      %dma_start3A_16 = arith.constant 0 : i32
      %dma_start3A_17 = tpu.memref_slice %arg10[%mul3A_11, %dma_start3A_16] : memref<10112x128xf32, #tpu.memory_space<vmem_shared>> -> memref<632x128xf32, #tpu.memory_space<vmem_shared>>
      tpu.enqueue_dma source(%dma_start3A_17 : memref<632x128xf32, #tpu.memory_space<vmem_shared>>) target(%dma_start3A_15 : memref<632x128xf32, #tpu.memory_space<hbm>>) target_semaphore(%run_scoped3A : memref<!tpu.dma_semaphore, #tpu.memory_space<semaphore_mem>>)
      %dma_wait3A = arith.constant 0 : i32
      %dma_wait3A_18 = tpu.memref_slice %arg6[%arg0, %mul3A_13, %dma_wait3A] : memref<2x10112x128xf32, #tpu.memory_space<hbm>> -> memref<1x632x128xf32, #tpu.memory_space<hbm>>
      %dma_wait3A_19 = tpu.memref_squeeze %dma_wait3A_18 : memref<1x632x128xf32, #tpu.memory_space<hbm>> -> memref<632x128xf32, #tpu.memory_space<hbm>>
      %dma_wait3A_20 = arith.constant 0 : i32
      %dma_wait3A_21 = tpu.memref_slice %arg10[%mul3A_11, %dma_wait3A_20] : memref<10112x128xf32, #tpu.memory_space<vmem_shared>> -> memref<632x128xf32, #tpu.memory_space<vmem_shared>>
      tpu.wait_dma2 semaphore(%run_scoped3A : memref<!tpu.dma_semaphore, #tpu.memory_space<semaphore_mem>>) src(%dma_wait3A_21 : memref<632x128xf32, #tpu.memory_space<vmem_shared>>) dst(%dma_wait3A_19 : memref<632x128xf32, #tpu.memory_space<hbm>>)
      tpu.yield
    }) : () -> ()
    return
  }
}

#map = affine_map<(d0, d1) -> (0, 0)>
#map1 = affine_map<(d0, d1) -> (0)>
#map2 = affine_map<(d0, d1) -> (0, 0, 0)>
module attributes {stable_mosaic.version = 14 : i64} {
  func.func @agg(%arg0: i32, %arg1: i32, %arg2: memref<10000x128xf32, #tpu.memory_space<hbm>>, %arg3: memref<655360xi32, #tpu.memory_space<hbm>>, %arg4: memref<655360xi32, #tpu.memory_space<hbm>>, %arg5: memref<10112x128xf32, #tpu.memory_space<hbm>>, %arg6: memref<2x10112x128xf32, #tpu.memory_space<hbm>>, %arg7: memref<128xi32, #tpu.memory_space<vmem>>, %arg8: memref<128xi32, #tpu.memory_space<vmem>>, %arg9: memref<128x128xf32, #tpu.memory_space<vmem>>, %arg10: memref<10112x128xf32, #tpu.memory_space<vmem_shared>>, %arg11: memref<!tpu.dma_semaphore, #tpu.memory_space<semaphore_mem>>) attributes {dimension_semantics = [#tpu.dimension_semantics<core_parallel>, #tpu.dimension_semantics<subcore_parallel>], iteration_bounds = array<i64: 2, 16>, scalar_prefetch = 0 : i64, scratch_operands = 5 : i64, tpu.core_type = #tpu.core_type<sc_vector_subcore>, window_params = [{transform_indices = #map}, {transform_indices = #map1}, {transform_indices = #map1}, {transform_indices = #map}, {transform_indices = #map2}]} {
    %mul3A = arith.constant 16 : i32
    %mul3A_0 = arith.muli %arg0, %mul3A : i32
    %add3A = arith.addi %mul3A_0, %arg1 : i32
    %mul3A_1 = arith.constant 632 : i32
    %mul3A_2 = arith.muli %arg1, %mul3A_1 : i32
    %mul3A_3 = arith.constant 632 : i32
    %mul3A_4 = arith.muli %arg1, %mul3A_3 : i32
    "tpu.region"() ({
      %run_scoped3A = tpu.sem_alloc : memref<!tpu.dma_semaphore, #tpu.memory_space<semaphore_mem>>
      %dma_start3A = arith.constant 0 : i32
      %dma_start3A_14 = tpu.memref_slice %arg10[%mul3A_4, %dma_start3A] : memref<10112x128xf32, #tpu.memory_space<vmem_shared>> -> memref<632x128xf32, #tpu.memory_space<vmem_shared>>
      %dma_start3A_15 = arith.constant 0 : i32
      %dma_start3A_16 = tpu.memref_slice %arg5[%mul3A_2, %dma_start3A_15] : memref<10112x128xf32, #tpu.memory_space<hbm>> -> memref<632x128xf32, #tpu.memory_space<hbm>>
      tpu.enqueue_dma source(%dma_start3A_16 : memref<632x128xf32, #tpu.memory_space<hbm>>) target(%dma_start3A_14 : memref<632x128xf32, #tpu.memory_space<vmem_shared>>) target_semaphore(%run_scoped3A : memref<!tpu.dma_semaphore, #tpu.memory_space<semaphore_mem>>)
      %dma_wait3A = arith.constant 0 : i32
      %dma_wait3A_17 = tpu.memref_slice %arg10[%mul3A_4, %dma_wait3A] : memref<10112x128xf32, #tpu.memory_space<vmem_shared>> -> memref<632x128xf32, #tpu.memory_space<vmem_shared>>
      %dma_wait3A_18 = arith.constant 0 : i32
      %dma_wait3A_19 = tpu.memref_slice %arg5[%mul3A_2, %dma_wait3A_18] : memref<10112x128xf32, #tpu.memory_space<hbm>> -> memref<632x128xf32, #tpu.memory_space<hbm>>
      tpu.wait_dma2 semaphore(%run_scoped3A : memref<!tpu.dma_semaphore, #tpu.memory_space<semaphore_mem>>) src(%dma_wait3A_19 : memref<632x128xf32, #tpu.memory_space<hbm>>) dst(%dma_wait3A_17 : memref<632x128xf32, #tpu.memory_space<vmem_shared>>)
      tpu.yield
    }) : () -> ()
    %barrier3A = arith.constant 0 : index
    tpu.barrier barrier_id(%barrier3A)
    %scan3A = arith.constant 0 : i32
    %scan3A_5 = arith.constant 160 : i32
    %scan3A_6 = arith.addi %scan3A, %scan3A_5 : i32
    %scan3A_7 = arith.constant 1 : i32
    scf.for %scan3A_14 = %scan3A to %scan3A_6 step %scan3A_7  : i32 {
      %mul3A_15 = arith.constant 1 : i32
      %mul3A_16 = arith.muli %scan3A_14, %mul3A_15 : i32
      %add3A_17 = arith.constant 0 : i32
      %add3A_18 = arith.addi %add3A_17, %mul3A_16 : i32
      %mul3A_19 = arith.constant 20480 : i32
      %mul3A_20 = arith.muli %add3A, %mul3A_19 : i32
      %mul3A_21 = arith.constant 128 : i32
      %mul3A_22 = arith.muli %add3A_18, %mul3A_21 : i32
      %add3A_23 = arith.addi %mul3A_20, %mul3A_22 : i32
      "tpu.region"() ({
        %run_scoped3A = tpu.sem_alloc : memref<!tpu.dma_semaphore, #tpu.memory_space<semaphore_mem>>
        %dma_start3A_28 = tpu.memref_slice %arg3[%add3A_23] : memref<655360xi32, #tpu.memory_space<hbm>> -> memref<128xi32, #tpu.memory_space<hbm>>
        %dma_start3A_29 = tpu.memref_slice %arg3[%add3A_23] : memref<655360xi32, #tpu.memory_space<hbm>> -> memref<128xi32, #tpu.memory_space<hbm>>
        tpu.enqueue_dma source(%dma_start3A_29 : memref<128xi32, #tpu.memory_space<hbm>>) target(%arg7 : memref<128xi32, #tpu.memory_space<vmem>>) target_semaphore(%run_scoped3A : memref<!tpu.dma_semaphore, #tpu.memory_space<semaphore_mem>>)
        %dma_wait3A_30 = tpu.memref_slice %arg3[%add3A_23] : memref<655360xi32, #tpu.memory_space<hbm>> -> memref<128xi32, #tpu.memory_space<hbm>>
        %dma_wait3A_31 = tpu.memref_slice %arg3[%add3A_23] : memref<655360xi32, #tpu.memory_space<hbm>> -> memref<128xi32, #tpu.memory_space<hbm>>
        tpu.wait_dma2 semaphore(%run_scoped3A : memref<!tpu.dma_semaphore, #tpu.memory_space<semaphore_mem>>) src(%dma_wait3A_31 : memref<128xi32, #tpu.memory_space<hbm>>) dst(%arg7 : memref<128xi32, #tpu.memory_space<vmem>>)
        tpu.yield
      }) : () -> ()
      "tpu.region"() ({
        %run_scoped3A = tpu.sem_alloc : memref<!tpu.dma_semaphore, #tpu.memory_space<semaphore_mem>>
        %dma_start3A_28 = tpu.memref_slice %arg4[%add3A_23] : memref<655360xi32, #tpu.memory_space<hbm>> -> memref<128xi32, #tpu.memory_space<hbm>>
        %dma_start3A_29 = tpu.memref_slice %arg4[%add3A_23] : memref<655360xi32, #tpu.memory_space<hbm>> -> memref<128xi32, #tpu.memory_space<hbm>>
        tpu.enqueue_dma source(%dma_start3A_29 : memref<128xi32, #tpu.memory_space<hbm>>) target(%arg8 : memref<128xi32, #tpu.memory_space<vmem>>) target_semaphore(%run_scoped3A : memref<!tpu.dma_semaphore, #tpu.memory_space<semaphore_mem>>)
        %dma_wait3A_30 = tpu.memref_slice %arg4[%add3A_23] : memref<655360xi32, #tpu.memory_space<hbm>> -> memref<128xi32, #tpu.memory_space<hbm>>
        %dma_wait3A_31 = tpu.memref_slice %arg4[%add3A_23] : memref<655360xi32, #tpu.memory_space<hbm>> -> memref<128xi32, #tpu.memory_space<hbm>>
        tpu.wait_dma2 semaphore(%run_scoped3A : memref<!tpu.dma_semaphore, #tpu.memory_space<semaphore_mem>>) src(%dma_wait3A_31 : memref<128xi32, #tpu.memory_space<hbm>>) dst(%arg8 : memref<128xi32, #tpu.memory_space<vmem>>)
        tpu.yield
      }) : () -> ()
      %dma_start3A = arith.constant 0 : i32
      %dma_start3A_24 = arith.constant 0 : i32
      %dma_start3A_25 = tpu.memref_slice %arg2[%dma_start3A, %dma_start3A_24] : memref<10000x128xf32, #tpu.memory_space<hbm>> -> memref<10000x128xf32, #tpu.memory_space<hbm>>
      tpu.enqueue_indirect_dma source(%dma_start3A_25 : memref<10000x128xf32, #tpu.memory_space<hbm>>) target(%arg9 : memref<128x128xf32, #tpu.memory_space<vmem>>) offsets(%arg7 : memref<128xi32, #tpu.memory_space<vmem>>) semaphore(%arg11 : memref<!tpu.dma_semaphore, #tpu.memory_space<semaphore_mem>>)
      %dma_wait3A = arith.constant 0 : i32
      %dma_wait3A_26 = arith.constant 0 : i32
      %dma_wait3A_27 = tpu.memref_slice %arg2[%dma_wait3A, %dma_wait3A_26] : memref<10000x128xf32, #tpu.memory_space<hbm>> -> memref<10000x128xf32, #tpu.memory_space<hbm>>
      tpu.wait_indirect_dma semaphore(%arg11 : memref<!tpu.dma_semaphore, #tpu.memory_space<semaphore_mem>>) src(%dma_wait3A_27 : memref<10000x128xf32, #tpu.memory_space<hbm>>) dst(%arg9 : memref<128x128xf32, #tpu.memory_space<vmem>>)
      "tpu.region"() ({
        %run_scoped3A = tpu.sem_alloc : memref<!tpu.dma_semaphore, #tpu.memory_space<semaphore_mem>>
        %dma_start3A_28 = arith.constant 0 : i32
        %dma_start3A_29 = arith.constant 0 : i32
        %dma_start3A_30 = tpu.memref_slice %arg10[%dma_start3A_28, %dma_start3A_29] : memref<10112x128xf32, #tpu.memory_space<vmem_shared>> -> memref<10112x128xf32, #tpu.memory_space<vmem_shared>>
        tpu.enqueue_indirect_dma source(%arg9 : memref<128x128xf32, #tpu.memory_space<vmem>>) target(%dma_start3A_30 : memref<10112x128xf32, #tpu.memory_space<vmem_shared>>) offsets(%arg8 : memref<128xi32, #tpu.memory_space<vmem>>) semaphore(%run_scoped3A : memref<!tpu.dma_semaphore, #tpu.memory_space<semaphore_mem>>) {add = true}
        %dma_wait3A_31 = arith.constant 0 : i32
        %dma_wait3A_32 = arith.constant 0 : i32
        %dma_wait3A_33 = tpu.memref_slice %arg10[%dma_wait3A_31, %dma_wait3A_32] : memref<10112x128xf32, #tpu.memory_space<vmem_shared>> -> memref<10112x128xf32, #tpu.memory_space<vmem_shared>>
        tpu.wait_indirect_dma semaphore(%run_scoped3A : memref<!tpu.dma_semaphore, #tpu.memory_space<semaphore_mem>>) src(%arg9 : memref<128x128xf32, #tpu.memory_space<vmem>>) dst(%dma_wait3A_33 : memref<10112x128xf32, #tpu.memory_space<vmem_shared>>)
        tpu.yield
      }) : () -> ()
    }
    %scan3A_8 = arith.constant 160 : i32
    %barrier3A_9 = arith.constant 0 : index
    tpu.barrier barrier_id(%barrier3A_9)
    %mul3A_10 = arith.constant 632 : i32
    %mul3A_11 = arith.muli %arg1, %mul3A_10 : i32
    %mul3A_12 = arith.constant 632 : i32
    %mul3A_13 = arith.muli %arg1, %mul3A_12 : i32
    "tpu.region"() ({
      %run_scoped3A = tpu.sem_alloc : memref<!tpu.dma_semaphore, #tpu.memory_space<semaphore_mem>>
      %dma_start3A = arith.constant 0 : i32
      %dma_start3A_14 = tpu.memref_slice %arg6[%arg0, %mul3A_13, %dma_start3A] : memref<2x10112x128xf32, #tpu.memory_space<hbm>> -> memref<1x632x128xf32, #tpu.memory_space<hbm>>
      %dma_start3A_15 = tpu.memref_squeeze %dma_start3A_14 : memref<1x632x128xf32, #tpu.memory_space<hbm>> -> memref<632x128xf32, #tpu.memory_space<hbm>>
      %dma_start3A_16 = arith.constant 0 : i32
      %dma_start3A_17 = tpu.memref_slice %arg10[%mul3A_11, %dma_start3A_16] : memref<10112x128xf32, #tpu.memory_space<vmem_shared>> -> memref<632x128xf32, #tpu.memory_space<vmem_shared>>
      tpu.enqueue_dma source(%dma_start3A_17 : memref<632x128xf32, #tpu.memory_space<vmem_shared>>) target(%dma_start3A_15 : memref<632x128xf32, #tpu.memory_space<hbm>>) target_semaphore(%run_scoped3A : memref<!tpu.dma_semaphore, #tpu.memory_space<semaphore_mem>>)
      %dma_wait3A = arith.constant 0 : i32
      %dma_wait3A_18 = tpu.memref_slice %arg6[%arg0, %mul3A_13, %dma_wait3A] : memref<2x10112x128xf32, #tpu.memory_space<hbm>> -> memref<1x632x128xf32, #tpu.memory_space<hbm>>
      %dma_wait3A_19 = tpu.memref_squeeze %dma_wait3A_18 : memref<1x632x128xf32, #tpu.memory_space<hbm>> -> memref<632x128xf32, #tpu.memory_space<hbm>>
      %dma_wait3A_20 = arith.constant 0 : i32
      %dma_wait3A_21 = tpu.memref_slice %arg10[%mul3A_11, %dma_wait3A_20] : memref<10112x128xf32, #tpu.memory_space<vmem_shared>> -> memref<632x128xf32, #tpu.memory_space<vmem_shared>>
      tpu.wait_dma2 semaphore(%run_scoped3A : memref<!tpu.dma_semaphore, #tpu.memory_space<semaphore_mem>>) src(%dma_wait3A_21 : memref<632x128xf32, #tpu.memory_space<vmem_shared>>) dst(%dma_wait3A_19 : memref<632x128xf32, #tpu.memory_space<hbm>>)
      tpu.yield
    }) : () -> ()
    return
  }
}

#map = affine_map<(d0, d1) -> (0, 0)>
#map1 = affine_map<(d0, d1) -> (0)>
#map2 = affine_map<(d0, d1) -> (0, 0, 0)>
module attributes {stable_mosaic.version = 14 : i64} {
  func.func @agg(%arg0: i32, %arg1: i32, %arg2: memref<10000x128xf32, #tpu.memory_space<hbm>>, %arg3: memref<655360xi32, #tpu.memory_space<hbm>>, %arg4: memref<655360xi32, #tpu.memory_space<hbm>>, %arg5: memref<10112x128xf32, #tpu.memory_space<hbm>>, %arg6: memref<2x10112x128xf32, #tpu.memory_space<hbm>>, %arg7: memref<128xi32, #tpu.memory_space<vmem>>, %arg8: memref<128xi32, #tpu.memory_space<vmem>>, %arg9: memref<128x128xf32, #tpu.memory_space<vmem>>, %arg10: memref<10112x128xf32, #tpu.memory_space<vmem_shared>>, %arg11: memref<!tpu.dma_semaphore, #tpu.memory_space<semaphore_mem>>) attributes {dimension_semantics = [#tpu.dimension_semantics<core_parallel>, #tpu.dimension_semantics<subcore_parallel>], iteration_bounds = array<i64: 2, 16>, scalar_prefetch = 0 : i64, scratch_operands = 5 : i64, tpu.core_type = #tpu.core_type<sc_vector_subcore>, window_params = [{transform_indices = #map}, {transform_indices = #map1}, {transform_indices = #map1}, {transform_indices = #map}, {transform_indices = #map2}]} {
    %mul3A = arith.constant 16 : i32
    %mul3A_0 = arith.muli %arg0, %mul3A : i32
    %add3A = arith.addi %mul3A_0, %arg1 : i32
    %mul3A_1 = arith.constant 632 : i32
    %mul3A_2 = arith.muli %arg1, %mul3A_1 : i32
    %mul3A_3 = arith.constant 632 : i32
    %mul3A_4 = arith.muli %arg1, %mul3A_3 : i32
    "tpu.region"() ({
      %run_scoped3A = tpu.sem_alloc : memref<!tpu.dma_semaphore, #tpu.memory_space<semaphore_mem>>
      %dma_start3A = arith.constant 0 : i32
      %dma_start3A_14 = tpu.memref_slice %arg10[%mul3A_4, %dma_start3A] : memref<10112x128xf32, #tpu.memory_space<vmem_shared>> -> memref<632x128xf32, #tpu.memory_space<vmem_shared>>
      %dma_start3A_15 = arith.constant 0 : i32
      %dma_start3A_16 = tpu.memref_slice %arg5[%mul3A_2, %dma_start3A_15] : memref<10112x128xf32, #tpu.memory_space<hbm>> -> memref<632x128xf32, #tpu.memory_space<hbm>>
      tpu.enqueue_dma source(%dma_start3A_16 : memref<632x128xf32, #tpu.memory_space<hbm>>) target(%dma_start3A_14 : memref<632x128xf32, #tpu.memory_space<vmem_shared>>) target_semaphore(%run_scoped3A : memref<!tpu.dma_semaphore, #tpu.memory_space<semaphore_mem>>)
      %dma_wait3A = arith.constant 0 : i32
      %dma_wait3A_17 = tpu.memref_slice %arg10[%mul3A_4, %dma_wait3A] : memref<10112x128xf32, #tpu.memory_space<vmem_shared>> -> memref<632x128xf32, #tpu.memory_space<vmem_shared>>
      %dma_wait3A_18 = arith.constant 0 : i32
      %dma_wait3A_19 = tpu.memref_slice %arg5[%mul3A_2, %dma_wait3A_18] : memref<10112x128xf32, #tpu.memory_space<hbm>> -> memref<632x128xf32, #tpu.memory_space<hbm>>
      tpu.wait_dma2 semaphore(%run_scoped3A : memref<!tpu.dma_semaphore, #tpu.memory_space<semaphore_mem>>) src(%dma_wait3A_19 : memref<632x128xf32, #tpu.memory_space<hbm>>) dst(%dma_wait3A_17 : memref<632x128xf32, #tpu.memory_space<vmem_shared>>)
      tpu.yield
    }) : () -> ()
    %barrier3A = arith.constant 0 : index
    tpu.barrier barrier_id(%barrier3A)
    %scan3A = arith.constant 0 : i32
    %scan3A_5 = arith.constant 160 : i32
    %scan3A_6 = arith.addi %scan3A, %scan3A_5 : i32
    %scan3A_7 = arith.constant 1 : i32
    scf.for %scan3A_14 = %scan3A to %scan3A_6 step %scan3A_7  : i32 {
      %mul3A_15 = arith.constant 1 : i32
      %mul3A_16 = arith.muli %scan3A_14, %mul3A_15 : i32
      %add3A_17 = arith.constant 0 : i32
      %add3A_18 = arith.addi %add3A_17, %mul3A_16 : i32
      %mul3A_19 = arith.constant 20480 : i32
      %mul3A_20 = arith.muli %add3A, %mul3A_19 : i32
      %mul3A_21 = arith.constant 128 : i32
      %mul3A_22 = arith.muli %add3A_18, %mul3A_21 : i32
      %add3A_23 = arith.addi %mul3A_20, %mul3A_22 : i32
      "tpu.region"() ({
        %run_scoped3A = tpu.sem_alloc : memref<!tpu.dma_semaphore, #tpu.memory_space<semaphore_mem>>
        %dma_start3A_28 = tpu.memref_slice %arg3[%add3A_23] : memref<655360xi32, #tpu.memory_space<hbm>> -> memref<128xi32, #tpu.memory_space<hbm>>
        %dma_start3A_29 = tpu.memref_slice %arg3[%add3A_23] : memref<655360xi32, #tpu.memory_space<hbm>> -> memref<128xi32, #tpu.memory_space<hbm>>
        tpu.enqueue_dma source(%dma_start3A_29 : memref<128xi32, #tpu.memory_space<hbm>>) target(%arg7 : memref<128xi32, #tpu.memory_space<vmem>>) target_semaphore(%run_scoped3A : memref<!tpu.dma_semaphore, #tpu.memory_space<semaphore_mem>>)
        %dma_wait3A_30 = tpu.memref_slice %arg3[%add3A_23] : memref<655360xi32, #tpu.memory_space<hbm>> -> memref<128xi32, #tpu.memory_space<hbm>>
        %dma_wait3A_31 = tpu.memref_slice %arg3[%add3A_23] : memref<655360xi32, #tpu.memory_space<hbm>> -> memref<128xi32, #tpu.memory_space<hbm>>
        tpu.wait_dma2 semaphore(%run_scoped3A : memref<!tpu.dma_semaphore, #tpu.memory_space<semaphore_mem>>) src(%dma_wait3A_31 : memref<128xi32, #tpu.memory_space<hbm>>) dst(%arg7 : memref<128xi32, #tpu.memory_space<vmem>>)
        tpu.yield
      }) : () -> ()
      "tpu.region"() ({
        %run_scoped3A = tpu.sem_alloc : memref<!tpu.dma_semaphore, #tpu.memory_space<semaphore_mem>>
        %dma_start3A_28 = tpu.memref_slice %arg4[%add3A_23] : memref<655360xi32, #tpu.memory_space<hbm>> -> memref<128xi32, #tpu.memory_space<hbm>>
        %dma_start3A_29 = tpu.memref_slice %arg4[%add3A_23] : memref<655360xi32, #tpu.memory_space<hbm>> -> memref<128xi32, #tpu.memory_space<hbm>>
        tpu.enqueue_dma source(%dma_start3A_29 : memref<128xi32, #tpu.memory_space<hbm>>) target(%arg8 : memref<128xi32, #tpu.memory_space<vmem>>) target_semaphore(%run_scoped3A : memref<!tpu.dma_semaphore, #tpu.memory_space<semaphore_mem>>)
        %dma_wait3A_30 = tpu.memref_slice %arg4[%add3A_23] : memref<655360xi32, #tpu.memory_space<hbm>> -> memref<128xi32, #tpu.memory_space<hbm>>
        %dma_wait3A_31 = tpu.memref_slice %arg4[%add3A_23] : memref<655360xi32, #tpu.memory_space<hbm>> -> memref<128xi32, #tpu.memory_space<hbm>>
        tpu.wait_dma2 semaphore(%run_scoped3A : memref<!tpu.dma_semaphore, #tpu.memory_space<semaphore_mem>>) src(%dma_wait3A_31 : memref<128xi32, #tpu.memory_space<hbm>>) dst(%arg8 : memref<128xi32, #tpu.memory_space<vmem>>)
        tpu.yield
      }) : () -> ()
      %dma_start3A = arith.constant 0 : i32
      %dma_start3A_24 = arith.constant 0 : i32
      %dma_start3A_25 = tpu.memref_slice %arg2[%dma_start3A, %dma_start3A_24] : memref<10000x128xf32, #tpu.memory_space<hbm>> -> memref<10000x128xf32, #tpu.memory_space<hbm>>
      tpu.enqueue_indirect_dma source(%dma_start3A_25 : memref<10000x128xf32, #tpu.memory_space<hbm>>) target(%arg9 : memref<128x128xf32, #tpu.memory_space<vmem>>) offsets(%arg7 : memref<128xi32, #tpu.memory_space<vmem>>) semaphore(%arg11 : memref<!tpu.dma_semaphore, #tpu.memory_space<semaphore_mem>>)
      %dma_wait3A = arith.constant 0 : i32
      %dma_wait3A_26 = arith.constant 0 : i32
      %dma_wait3A_27 = tpu.memref_slice %arg2[%dma_wait3A, %dma_wait3A_26] : memref<10000x128xf32, #tpu.memory_space<hbm>> -> memref<10000x128xf32, #tpu.memory_space<hbm>>
      tpu.wait_indirect_dma semaphore(%arg11 : memref<!tpu.dma_semaphore, #tpu.memory_space<semaphore_mem>>) src(%dma_wait3A_27 : memref<10000x128xf32, #tpu.memory_space<hbm>>) dst(%arg9 : memref<128x128xf32, #tpu.memory_space<vmem>>)
      "tpu.region"() ({
        %run_scoped3A = tpu.sem_alloc : memref<!tpu.dma_semaphore, #tpu.memory_space<semaphore_mem>>
        %dma_start3A_28 = arith.constant 0 : i32
        %dma_start3A_29 = arith.constant 0 : i32
        %dma_start3A_30 = tpu.memref_slice %arg10[%dma_start3A_28, %dma_start3A_29] : memref<10112x128xf32, #tpu.memory_space<vmem_shared>> -> memref<10112x128xf32, #tpu.memory_space<vmem_shared>>
        tpu.enqueue_indirect_dma source(%arg9 : memref<128x128xf32, #tpu.memory_space<vmem>>) target(%dma_start3A_30 : memref<10112x128xf32, #tpu.memory_space<vmem_shared>>) offsets(%arg8 : memref<128xi32, #tpu.memory_space<vmem>>) semaphore(%run_scoped3A : memref<!tpu.dma_semaphore, #tpu.memory_space<semaphore_mem>>) {add = true}
        %dma_wait3A_31 = arith.constant 0 : i32
        %dma_wait3A_32 = arith.constant 0 : i32
        %dma_wait3A_33 = tpu.memref_slice %arg10[%dma_wait3A_31, %dma_wait3A_32] : memref<10112x128xf32, #tpu.memory_space<vmem_shared>> -> memref<10112x128xf32, #tpu.memory_space<vmem_shared>>
        tpu.wait_indirect_dma semaphore(%run_scoped3A : memref<!tpu.dma_semaphore, #tpu.memory_space<semaphore_mem>>) src(%arg9 : memref<128x128xf32, #tpu.memory_space<vmem>>) dst(%dma_wait3A_33 : memref<10112x128xf32, #tpu.memory_space<vmem_shared>>)
        tpu.yield
      }) : () -> ()
    }
    %scan3A_8 = arith.constant 160 : i32
    %barrier3A_9 = arith.constant 0 : index
    tpu.barrier barrier_id(%barrier3A_9)
    %mul3A_10 = arith.constant 632 : i32
    %mul3A_11 = arith.muli %arg1, %mul3A_10 : i32
    %mul3A_12 = arith.constant 632 : i32
    %mul3A_13 = arith.muli %arg1, %mul3A_12 : i32
    "tpu.region"() ({
      %run_scoped3A = tpu.sem_alloc : memref<!tpu.dma_semaphore, #tpu.memory_space<semaphore_mem>>
      %dma_start3A = arith.constant 0 : i32
      %dma_start3A_14 = tpu.memref_slice %arg6[%arg0, %mul3A_13, %dma_start3A] : memref<2x10112x128xf32, #tpu.memory_space<hbm>> -> memref<1x632x128xf32, #tpu.memory_space<hbm>>
      %dma_start3A_15 = tpu.memref_squeeze %dma_start3A_14 : memref<1x632x128xf32, #tpu.memory_space<hbm>> -> memref<632x128xf32, #tpu.memory_space<hbm>>
      %dma_start3A_16 = arith.constant 0 : i32
      %dma_start3A_17 = tpu.memref_slice %arg10[%mul3A_11, %dma_start3A_16] : memref<10112x128xf32, #tpu.memory_space<vmem_shared>> -> memref<632x128xf32, #tpu.memory_space<vmem_shared>>
      tpu.enqueue_dma source(%dma_start3A_17 : memref<632x128xf32, #tpu.memory_space<vmem_shared>>) target(%dma_start3A_15 : memref<632x128xf32, #tpu.memory_space<hbm>>) target_semaphore(%run_scoped3A : memref<!tpu.dma_semaphore, #tpu.memory_space<semaphore_mem>>)
      %dma_wait3A = arith.constant 0 : i32
      %dma_wait3A_18 = tpu.memref_slice %arg6[%arg0, %mul3A_13, %dma_wait3A] : memref<2x10112x128xf32, #tpu.memory_space<hbm>> -> memref<1x632x128xf32, #tpu.memory_space<hbm>>
      %dma_wait3A_19 = tpu.memref_squeeze %dma_wait3A_18 : memref<1x632x128xf32, #tpu.memory_space<hbm>> -> memref<632x128xf32, #tpu.memory_space<hbm>>
      %dma_wait3A_20 = arith.constant 0 : i32
      %dma_wait3A_21 = tpu.memref_slice %arg10[%mul3A_11, %dma_wait3A_20] : memref<10112x128xf32, #tpu.memory_space<vmem_shared>> -> memref<632x128xf32, #tpu.memory_space<vmem_shared>>
      tpu.wait_dma2 semaphore(%run_scoped3A : memref<!tpu.dma_semaphore, #tpu.memory_space<semaphore_mem>>) src(%dma_wait3A_21 : memref<632x128xf32, #tpu.memory_space<vmem_shared>>) dst(%dma_wait3A_19 : memref<632x128xf32, #tpu.memory_space<hbm>>)
      tpu.yield
    }) : () -> ()
    return
  }
}

module attributes {stable_mosaic.version = 14 : i64} {
  func.func @_mlp_body(%arg0: memref<10000x128xf32, #tpu.memory_space<vmem>>, %arg1: memref<10000x128xf32, #tpu.memory_space<vmem>>, %arg2: memref<10000x128xf32, #tpu.memory_space<vmem>>, %arg3: memref<128x128xf32, #tpu.memory_space<vmem>>, %arg4: memref<1x128xf32, #tpu.memory_space<vmem>>, %arg5: memref<1x128xf32, #tpu.memory_space<vmem>>, %arg6: memref<1x128xf32, #tpu.memory_space<vmem>>, %arg7: memref<128x128xf32, #tpu.memory_space<vmem>>, %arg8: memref<1x128xf32, #tpu.memory_space<vmem>>, %arg9: memref<10000x128xf32, #tpu.memory_space<vmem>>, %arg10: memref<1250x8x128xf32, #tpu.memory_space<vmem>>) attributes {dimension_semantics = [], scalar_prefetch = 0 : i64, scratch_operands = 1 : i64, tpu.core_type = #tpu.core_type<tc>} {
    %get3A = arith.constant 0 : index
    %get3A_0 = arith.constant 0 : index
    %get3A_1 = vector.load %arg0[%get3A, %get3A_0] : memref<10000x128xf32, #tpu.memory_space<vmem>>, vector<10000x128xf32>
    %get3A_2 = arith.constant 0 : index
    %get3A_3 = arith.constant 0 : index
    %get3A_4 = vector.load %arg1[%get3A_2, %get3A_3] : memref<10000x128xf32, #tpu.memory_space<vmem>>, vector<10000x128xf32>
    %add3A = arith.addf %get3A_1, %get3A_4 : vector<10000x128xf32>
    %get3A_5 = arith.constant 0 : index
    %get3A_6 = arith.constant 0 : index
    %get3A_7 = vector.load %arg2[%get3A_5, %get3A_6] : memref<10000x128xf32, #tpu.memory_space<vmem>>, vector<10000x128xf32>
    %add3A_8 = arith.addf %add3A, %get3A_7 : vector<10000x128xf32>
    %get3A_9 = arith.constant 0 : index
    %get3A_10 = arith.constant 0 : index
    %get3A_11 = vector.load %arg3[%get3A_9, %get3A_10] : memref<128x128xf32, #tpu.memory_space<vmem>>, vector<128x128xf32>
    %dot_general3A = arith.constant dense<0.000000e+00> : vector<10000x128xf32>
    %dot_general3A_12 = tpu.matmul %add3A_8, %get3A_11, %dot_general3A {dimension_numbers = #tpu.dot_dimension_numbers<[1], [0], [0], [1], [0, 0, 1, 1], [], []>, transpose_lhs_hint = false} : vector<10000x128xf32>, vector<128x128xf32>, vector<10000x128xf32> -> vector<10000x128xf32>
    %get3A_13 = arith.constant 0 : index
    %get3A_14 = arith.constant 0 : index
    %get3A_15 = vector.load %arg4[%get3A_13, %get3A_14] : memref<1x128xf32, #tpu.memory_space<vmem>>, vector<1x128xf32>
    %add3A_16 = vector.broadcast %get3A_15 : vector<1x128xf32> to vector<10000x128xf32>
    %add3A_17 = arith.addf %dot_general3A_12, %add3A_16 : vector<10000x128xf32>
    %reshape3A = vector.shape_cast %add3A_17 : vector<10000x128xf32> to vector<1250x8x128xf32>
    %swap3A = arith.constant 0 : index
    %swap3A_18 = arith.constant 0 : index
    %swap3A_19 = arith.constant 0 : index
    %swap3A_20 = vector.load %arg10[%swap3A, %swap3A_18, %swap3A_19] : memref<1250x8x128xf32, #tpu.memory_space<vmem>>, vector<1250x8x128xf32>
    tpu.vector_store %arg10[%swap3A, %swap3A_18, %swap3A_19], %reshape3A {strides = array<i32>} : memref<1250x8x128xf32, #tpu.memory_space<vmem>>, vector<1250x8x128xf32>,
    %broadcast_in_dim3A = arith.constant 0.000000e+00 : f32
    %broadcast_in_dim3A_21 = vector.broadcast %broadcast_in_dim3A : f32 to vector<8x128xf32>
    %scan3A = arith.constant 0 : i32
    %scan3A_22 = arith.constant 1250 : i32
    %scan3A_23 = arith.addi %scan3A, %scan3A_22 : i32
    %scan3A_24 = arith.constant 1 : i32
    %scan3A_25 = scf.for %scan3A_108 = %scan3A to %scan3A_23 step %scan3A_24 iter_args(%scan3A_109 = %broadcast_in_dim3A_21) -> (vector<8x128xf32>)  : i32 {
      %get3A_110 = arith.index_cast %scan3A_108 : i32 to index
      %get3A_111 = arith.constant 0 : index
      %get3A_112 = arith.constant 0 : index
      %get3A_113 = vector.load %arg10[%get3A_110, %get3A_111, %get3A_112] : memref<1250x8x128xf32, #tpu.memory_space<vmem>>, vector<1x8x128xf32>
      %get3A_114 = vector.shape_cast %get3A_113 : vector<1x8x128xf32> to vector<8x128xf32>
      %add3A_115 = arith.addf %scan3A_109, %get3A_114 : vector<8x128xf32>
      scf.yield %add3A_115 : vector<8x128xf32>
    }
    %scan3A_26 = arith.constant 1250 : i32
    %slice3A = vector.extract_strided_slice %scan3A_25 {offsets = [0, 0], sizes = [4, 128], strides = [1, 1]} : vector<8x128xf32> to vector<4x128xf32>
    %slice3A_27 = vector.extract_strided_slice %scan3A_25 {offsets = [4, 0], sizes = [4, 128], strides = [1, 1]} : vector<8x128xf32> to vector<4x128xf32>
    %add3A_28 = arith.addf %slice3A, %slice3A_27 : vector<4x128xf32>
    %slice3A_29 = vector.extract_strided_slice %add3A_28 {offsets = [0, 0], sizes = [2, 128], strides = [1, 1]} : vector<4x128xf32> to vector<2x128xf32>
    %slice3A_30 = vector.extract_strided_slice %add3A_28 {offsets = [2, 0], sizes = [2, 128], strides = [1, 1]} : vector<4x128xf32> to vector<2x128xf32>
    %add3A_31 = arith.addf %slice3A_29, %slice3A_30 : vector<2x128xf32>
    %slice3A_32 = vector.extract_strided_slice %add3A_31 {offsets = [0, 0], sizes = [1, 128], strides = [1, 1]} : vector<2x128xf32> to vector<1x128xf32>
    %slice3A_33 = vector.extract_strided_slice %add3A_31 {offsets = [1, 0], sizes = [1, 128], strides = [1, 1]} : vector<2x128xf32> to vector<1x128xf32>
    %add3A_34 = arith.addf %slice3A_32, %slice3A_33 : vector<1x128xf32>
    %mul3A = arith.constant 9.99999974E-5 : f32
    %mul3A_35 = vector.broadcast %mul3A : f32 to vector<1x128xf32>
    %mul3A_36 = arith.mulf %add3A_34, %mul3A_35 : vector<1x128xf32>
    %broadcast_in_dim3A_37 = arith.constant 0.000000e+00 : f32
    %broadcast_in_dim3A_38 = vector.broadcast %broadcast_in_dim3A_37 : f32 to vector<8x128xf32>
    %scan3A_39 = arith.constant 0 : i32
    %scan3A_40 = arith.constant 625 : i32
    %scan3A_41 = arith.addi %scan3A_39, %scan3A_40 : i32
    %scan3A_42 = arith.constant 1 : i32
    %scan3A_43 = scf.for %scan3A_108 = %scan3A_39 to %scan3A_41 step %scan3A_42 iter_args(%scan3A_109 = %broadcast_in_dim3A_38) -> (vector<8x128xf32>)  : i32 {
      %get3A_110 = arith.index_cast %scan3A_108 : i32 to index
      %get3A_111 = arith.constant 0 : index
      %get3A_112 = arith.constant 0 : index
      %get3A_113 = vector.load %arg10[%get3A_110, %get3A_111, %get3A_112] : memref<1250x8x128xf32, #tpu.memory_space<vmem>>, vector<1x8x128xf32>
      %get3A_114 = vector.shape_cast %get3A_113 : vector<1x8x128xf32> to vector<8x128xf32>
      %sub3A_115 = vector.broadcast %mul3A_36 : vector<1x128xf32> to vector<8x128xf32>
      %sub3A_116 = arith.subf %get3A_114, %sub3A_115 : vector<8x128xf32>
      %mul3A_117 = arith.mulf %sub3A_116, %sub3A_116 : vector<8x128xf32>
      %add3A_118 = arith.addf %scan3A_109, %mul3A_117 : vector<8x128xf32>
      scf.yield %add3A_118 : vector<8x128xf32>
    }
    %scan3A_44 = arith.constant 625 : i32
    %slice3A_45 = vector.extract_strided_slice %scan3A_43 {offsets = [0, 0], sizes = [4, 128], strides = [1, 1]} : vector<8x128xf32> to vector<4x128xf32>
    %slice3A_46 = vector.extract_strided_slice %scan3A_43 {offsets = [4, 0], sizes = [4, 128], strides = [1, 1]} : vector<8x128xf32> to vector<4x128xf32>
    %add3A_47 = arith.addf %slice3A_45, %slice3A_46 : vector<4x128xf32>
    %slice3A_48 = vector.extract_strided_slice %add3A_47 {offsets = [0, 0], sizes = [2, 128], strides = [1, 1]} : vector<4x128xf32> to vector<2x128xf32>
    %slice3A_49 = vector.extract_strided_slice %add3A_47 {offsets = [2, 0], sizes = [2, 128], strides = [1, 1]} : vector<4x128xf32> to vector<2x128xf32>
    %add3A_50 = arith.addf %slice3A_48, %slice3A_49 : vector<2x128xf32>
    %slice3A_51 = vector.extract_strided_slice %add3A_50 {offsets = [0, 0], sizes = [1, 128], strides = [1, 1]} : vector<2x128xf32> to vector<1x128xf32>
    %slice3A_52 = vector.extract_strided_slice %add3A_50 {offsets = [1, 0], sizes = [1, 128], strides = [1, 1]} : vector<2x128xf32> to vector<1x128xf32>
    %add3A_53 = arith.addf %slice3A_51, %slice3A_52 : vector<1x128xf32>
    %broadcast_in_dim3A_54 = arith.constant 0.000000e+00 : f32
    %broadcast_in_dim3A_55 = vector.broadcast %broadcast_in_dim3A_54 : f32 to vector<8x128xf32>
    %scan3A_56 = arith.constant 625 : i32
    %scan3A_57 = arith.constant 625 : i32
    %scan3A_58 = arith.addi %scan3A_56, %scan3A_57 : i32
    %scan3A_59 = arith.constant 1 : i32
    %scan3A_60 = scf.for %scan3A_108 = %scan3A_56 to %scan3A_58 step %scan3A_59 iter_args(%scan3A_109 = %broadcast_in_dim3A_55) -> (vector<8x128xf32>)  : i32 {
      %get3A_110 = arith.index_cast %scan3A_108 : i32 to index
      %get3A_111 = arith.constant 0 : index
      %get3A_112 = arith.constant 0 : index
      %get3A_113 = vector.load %arg10[%get3A_110, %get3A_111, %get3A_112] : memref<1250x8x128xf32, #tpu.memory_space<vmem>>, vector<1x8x128xf32>
      %get3A_114 = vector.shape_cast %get3A_113 : vector<1x8x128xf32> to vector<8x128xf32>
      %sub3A_115 = vector.broadcast %mul3A_36 : vector<1x128xf32> to vector<8x128xf32>
      %sub3A_116 = arith.subf %get3A_114, %sub3A_115 : vector<8x128xf32>
      %mul3A_117 = arith.mulf %sub3A_116, %sub3A_116 : vector<8x128xf32>
      %add3A_118 = arith.addf %scan3A_109, %mul3A_117 : vector<8x128xf32>
      scf.yield %add3A_118 : vector<8x128xf32>
    }
    %scan3A_61 = arith.constant 625 : i32
    %slice3A_62 = vector.extract_strided_slice %scan3A_60 {offsets = [0, 0], sizes = [4, 128], strides = [1, 1]} : vector<8x128xf32> to vector<4x128xf32>
    %slice3A_63 = vector.extract_strided_slice %scan3A_60 {offsets = [4, 0], sizes = [4, 128], strides = [1, 1]} : vector<8x128xf32> to vector<4x128xf32>
    %add3A_64 = arith.addf %slice3A_62, %slice3A_63 : vector<4x128xf32>
    %slice3A_65 = vector.extract_strided_slice %add3A_64 {offsets = [0, 0], sizes = [2, 128], strides = [1, 1]} : vector<4x128xf32> to vector<2x128xf32>
    %slice3A_66 = vector.extract_strided_slice %add3A_64 {offsets = [2, 0], sizes = [2, 128], strides = [1, 1]} : vector<4x128xf32> to vector<2x128xf32>
    %add3A_67 = arith.addf %slice3A_65, %slice3A_66 : vector<2x128xf32>
    %slice3A_68 = vector.extract_strided_slice %add3A_67 {offsets = [0, 0], sizes = [1, 128], strides = [1, 1]} : vector<2x128xf32> to vector<1x128xf32>
    %slice3A_69 = vector.extract_strided_slice %add3A_67 {offsets = [1, 0], sizes = [1, 128], strides = [1, 1]} : vector<2x128xf32> to vector<1x128xf32>
    %add3A_70 = arith.addf %slice3A_68, %slice3A_69 : vector<1x128xf32>
    %add3A_71 = arith.addf %add3A_53, %add3A_70 : vector<1x128xf32>
    %mul3A_72 = arith.constant 9.99999974E-5 : f32
    %mul3A_73 = vector.broadcast %mul3A_72 : f32 to vector<1x128xf32>
    %mul3A_74 = arith.mulf %add3A_71, %mul3A_73 : vector<1x128xf32>
    %sub3A = vector.broadcast %mul3A_36 : vector<1x128xf32> to vector<10000x128xf32>
    %sub3A_75 = arith.subf %add3A_17, %sub3A : vector<10000x128xf32>
    %add3A_76 = arith.constant 9.99999974E-6 : f32
    %add3A_77 = vector.broadcast %add3A_76 : f32 to vector<1x128xf32>
    %add3A_78 = arith.addf %mul3A_74, %add3A_77 : vector<1x128xf32>
    %sqrt3A = math.sqrt %add3A_78 : vector<1x128xf32>
    %div3A = vector.broadcast %sqrt3A : vector<1x128xf32> to vector<10000x128xf32>
    %div3A_79 = arith.divf %sub3A_75, %div3A : vector<10000x128xf32>
    %get3A_80 = arith.constant 0 : index
    %get3A_81 = arith.constant 0 : index
    %get3A_82 = vector.load %arg5[%get3A_80, %get3A_81] : memref<1x128xf32, #tpu.memory_space<vmem>>, vector<1x128xf32>
    %mul3A_83 = vector.broadcast %get3A_82 : vector<1x128xf32> to vector<10000x128xf32>
    %mul3A_84 = arith.mulf %div3A_79, %mul3A_83 : vector<10000x128xf32>
    %get3A_85 = arith.constant 0 : index
    %get3A_86 = arith.constant 0 : index
    %get3A_87 = vector.load %arg6[%get3A_85, %get3A_86] : memref<1x128xf32, #tpu.memory_space<vmem>>, vector<1x128xf32>
    %add3A_88 = vector.broadcast %get3A_87 : vector<1x128xf32> to vector<10000x128xf32>
    %add3A_89 = arith.addf %mul3A_84, %add3A_88 : vector<10000x128xf32>
    %max3A = arith.constant 0.000000e+00 : f32
    %max3A_90 = vector.broadcast %max3A : f32 to vector<10000x128xf32>
    %max3A_91 = arith.maximumf %add3A_89, %max3A_90 : vector<10000x128xf32>
    %get3A_92 = arith.constant 0 : index
    %get3A_93 = arith.constant 0 : index
    %get3A_94 = vector.load %arg7[%get3A_92, %get3A_93] : memref<128x128xf32, #tpu.memory_space<vmem>>, vector<128x128xf32>
    %dot_general3A_95 = arith.constant dense<0.000000e+00> : vector<10000x128xf32>
    %dot_general3A_96 = tpu.matmul %max3A_91, %get3A_94, %dot_general3A_95 {dimension_numbers = #tpu.dot_dimension_numbers<[1], [0], [0], [1], [0, 0, 1, 1], [], []>, transpose_lhs_hint = false} : vector<10000x128xf32>, vector<128x128xf32>, vector<10000x128xf32> -> vector<10000x128xf32>
    %get3A_97 = arith.constant 0 : index
    %get3A_98 = arith.constant 0 : index
    %get3A_99 = vector.load %arg8[%get3A_97, %get3A_98] : memref<1x128xf32, #tpu.memory_space<vmem>>, vector<1x128xf32>
    %add3A_100 = vector.broadcast %get3A_99 : vector<1x128xf32> to vector<10000x128xf32>
    %add3A_101 = arith.addf %dot_general3A_96, %add3A_100 : vector<10000x128xf32>
    %max3A_102 = arith.constant 0.000000e+00 : f32
    %max3A_103 = vector.broadcast %max3A_102 : f32 to vector<10000x128xf32>
    %max3A_104 = arith.maximumf %add3A_101, %max3A_103 : vector<10000x128xf32>
    %swap3A_105 = arith.constant 0 : index
    %swap3A_106 = arith.constant 0 : index
    %swap3A_107 = vector.load %arg9[%swap3A_105, %swap3A_106] : memref<10000x128xf32, #tpu.memory_space<vmem>>, vector<10000x128xf32>
    tpu.vector_store %arg9[%swap3A_105, %swap3A_106], %max3A_104 {strides = array<i32>} : memref<10000x128xf32, #tpu.memory_space<vmem>>, vector<10000x128xf32>,
    return
  }
}

module attributes {stable_mosaic.version = 14 : i64} {
  func.func @_mlp_body(%arg0: memref<10000x128xf32, #tpu.memory_space<vmem>>, %arg1: memref<10000x128xf32, #tpu.memory_space<vmem>>, %arg2: memref<10000x128xf32, #tpu.memory_space<vmem>>, %arg3: memref<128x128xf32, #tpu.memory_space<vmem>>, %arg4: memref<1x128xf32, #tpu.memory_space<vmem>>, %arg5: memref<1x128xf32, #tpu.memory_space<vmem>>, %arg6: memref<1x128xf32, #tpu.memory_space<vmem>>, %arg7: memref<128x128xf32, #tpu.memory_space<vmem>>, %arg8: memref<1x128xf32, #tpu.memory_space<vmem>>, %arg9: memref<10000x128xf32, #tpu.memory_space<vmem>>, %arg10: memref<1250x8x128xf32, #tpu.memory_space<vmem>>) attributes {dimension_semantics = [], scalar_prefetch = 0 : i64, scratch_operands = 1 : i64, tpu.core_type = #tpu.core_type<tc>} {
    %get3A = arith.constant 0 : index
    %get3A_0 = arith.constant 0 : index
    %get3A_1 = vector.load %arg0[%get3A, %get3A_0] : memref<10000x128xf32, #tpu.memory_space<vmem>>, vector<10000x128xf32>
    %get3A_2 = arith.constant 0 : index
    %get3A_3 = arith.constant 0 : index
    %get3A_4 = vector.load %arg1[%get3A_2, %get3A_3] : memref<10000x128xf32, #tpu.memory_space<vmem>>, vector<10000x128xf32>
    %add3A = arith.addf %get3A_1, %get3A_4 : vector<10000x128xf32>
    %get3A_5 = arith.constant 0 : index
    %get3A_6 = arith.constant 0 : index
    %get3A_7 = vector.load %arg2[%get3A_5, %get3A_6] : memref<10000x128xf32, #tpu.memory_space<vmem>>, vector<10000x128xf32>
    %add3A_8 = arith.addf %add3A, %get3A_7 : vector<10000x128xf32>
    %get3A_9 = arith.constant 0 : index
    %get3A_10 = arith.constant 0 : index
    %get3A_11 = vector.load %arg3[%get3A_9, %get3A_10] : memref<128x128xf32, #tpu.memory_space<vmem>>, vector<128x128xf32>
    %dot_general3A = arith.constant dense<0.000000e+00> : vector<10000x128xf32>
    %dot_general3A_12 = tpu.matmul %add3A_8, %get3A_11, %dot_general3A {dimension_numbers = #tpu.dot_dimension_numbers<[1], [0], [0], [1], [0, 0, 1, 1], [], []>, transpose_lhs_hint = false} : vector<10000x128xf32>, vector<128x128xf32>, vector<10000x128xf32> -> vector<10000x128xf32>
    %get3A_13 = arith.constant 0 : index
    %get3A_14 = arith.constant 0 : index
    %get3A_15 = vector.load %arg4[%get3A_13, %get3A_14] : memref<1x128xf32, #tpu.memory_space<vmem>>, vector<1x128xf32>
    %add3A_16 = vector.broadcast %get3A_15 : vector<1x128xf32> to vector<10000x128xf32>
    %add3A_17 = arith.addf %dot_general3A_12, %add3A_16 : vector<10000x128xf32>
    %reshape3A = vector.shape_cast %add3A_17 : vector<10000x128xf32> to vector<1250x8x128xf32>
    %swap3A = arith.constant 0 : index
    %swap3A_18 = arith.constant 0 : index
    %swap3A_19 = arith.constant 0 : index
    %swap3A_20 = vector.load %arg10[%swap3A, %swap3A_18, %swap3A_19] : memref<1250x8x128xf32, #tpu.memory_space<vmem>>, vector<1250x8x128xf32>
    tpu.vector_store %arg10[%swap3A, %swap3A_18, %swap3A_19], %reshape3A {strides = array<i32>} : memref<1250x8x128xf32, #tpu.memory_space<vmem>>, vector<1250x8x128xf32>,
    %broadcast_in_dim3A = arith.constant 0.000000e+00 : f32
    %broadcast_in_dim3A_21 = vector.broadcast %broadcast_in_dim3A : f32 to vector<8x128xf32>
    %scan3A = arith.constant 0 : i32
    %scan3A_22 = arith.constant 1250 : i32
    %scan3A_23 = arith.addi %scan3A, %scan3A_22 : i32
    %scan3A_24 = arith.constant 1 : i32
    %scan3A_25 = scf.for %scan3A_108 = %scan3A to %scan3A_23 step %scan3A_24 iter_args(%scan3A_109 = %broadcast_in_dim3A_21) -> (vector<8x128xf32>)  : i32 {
      %get3A_110 = arith.index_cast %scan3A_108 : i32 to index
      %get3A_111 = arith.constant 0 : index
      %get3A_112 = arith.constant 0 : index
      %get3A_113 = vector.load %arg10[%get3A_110, %get3A_111, %get3A_112] : memref<1250x8x128xf32, #tpu.memory_space<vmem>>, vector<1x8x128xf32>
      %get3A_114 = vector.shape_cast %get3A_113 : vector<1x8x128xf32> to vector<8x128xf32>
      %add3A_115 = arith.addf %scan3A_109, %get3A_114 : vector<8x128xf32>
      scf.yield %add3A_115 : vector<8x128xf32>
    }
    %scan3A_26 = arith.constant 1250 : i32
    %slice3A = vector.extract_strided_slice %scan3A_25 {offsets = [0, 0], sizes = [4, 128], strides = [1, 1]} : vector<8x128xf32> to vector<4x128xf32>
    %slice3A_27 = vector.extract_strided_slice %scan3A_25 {offsets = [4, 0], sizes = [4, 128], strides = [1, 1]} : vector<8x128xf32> to vector<4x128xf32>
    %add3A_28 = arith.addf %slice3A, %slice3A_27 : vector<4x128xf32>
    %slice3A_29 = vector.extract_strided_slice %add3A_28 {offsets = [0, 0], sizes = [2, 128], strides = [1, 1]} : vector<4x128xf32> to vector<2x128xf32>
    %slice3A_30 = vector.extract_strided_slice %add3A_28 {offsets = [2, 0], sizes = [2, 128], strides = [1, 1]} : vector<4x128xf32> to vector<2x128xf32>
    %add3A_31 = arith.addf %slice3A_29, %slice3A_30 : vector<2x128xf32>
    %slice3A_32 = vector.extract_strided_slice %add3A_31 {offsets = [0, 0], sizes = [1, 128], strides = [1, 1]} : vector<2x128xf32> to vector<1x128xf32>
    %slice3A_33 = vector.extract_strided_slice %add3A_31 {offsets = [1, 0], sizes = [1, 128], strides = [1, 1]} : vector<2x128xf32> to vector<1x128xf32>
    %add3A_34 = arith.addf %slice3A_32, %slice3A_33 : vector<1x128xf32>
    %mul3A = arith.constant 9.99999974E-5 : f32
    %mul3A_35 = vector.broadcast %mul3A : f32 to vector<1x128xf32>
    %mul3A_36 = arith.mulf %add3A_34, %mul3A_35 : vector<1x128xf32>
    %broadcast_in_dim3A_37 = arith.constant 0.000000e+00 : f32
    %broadcast_in_dim3A_38 = vector.broadcast %broadcast_in_dim3A_37 : f32 to vector<8x128xf32>
    %scan3A_39 = arith.constant 0 : i32
    %scan3A_40 = arith.constant 625 : i32
    %scan3A_41 = arith.addi %scan3A_39, %scan3A_40 : i32
    %scan3A_42 = arith.constant 1 : i32
    %scan3A_43 = scf.for %scan3A_108 = %scan3A_39 to %scan3A_41 step %scan3A_42 iter_args(%scan3A_109 = %broadcast_in_dim3A_38) -> (vector<8x128xf32>)  : i32 {
      %get3A_110 = arith.index_cast %scan3A_108 : i32 to index
      %get3A_111 = arith.constant 0 : index
      %get3A_112 = arith.constant 0 : index
      %get3A_113 = vector.load %arg10[%get3A_110, %get3A_111, %get3A_112] : memref<1250x8x128xf32, #tpu.memory_space<vmem>>, vector<1x8x128xf32>
      %get3A_114 = vector.shape_cast %get3A_113 : vector<1x8x128xf32> to vector<8x128xf32>
      %sub3A_115 = vector.broadcast %mul3A_36 : vector<1x128xf32> to vector<8x128xf32>
      %sub3A_116 = arith.subf %get3A_114, %sub3A_115 : vector<8x128xf32>
      %mul3A_117 = arith.mulf %sub3A_116, %sub3A_116 : vector<8x128xf32>
      %add3A_118 = arith.addf %scan3A_109, %mul3A_117 : vector<8x128xf32>
      scf.yield %add3A_118 : vector<8x128xf32>
    }
    %scan3A_44 = arith.constant 625 : i32
    %slice3A_45 = vector.extract_strided_slice %scan3A_43 {offsets = [0, 0], sizes = [4, 128], strides = [1, 1]} : vector<8x128xf32> to vector<4x128xf32>
    %slice3A_46 = vector.extract_strided_slice %scan3A_43 {offsets = [4, 0], sizes = [4, 128], strides = [1, 1]} : vector<8x128xf32> to vector<4x128xf32>
    %add3A_47 = arith.addf %slice3A_45, %slice3A_46 : vector<4x128xf32>
    %slice3A_48 = vector.extract_strided_slice %add3A_47 {offsets = [0, 0], sizes = [2, 128], strides = [1, 1]} : vector<4x128xf32> to vector<2x128xf32>
    %slice3A_49 = vector.extract_strided_slice %add3A_47 {offsets = [2, 0], sizes = [2, 128], strides = [1, 1]} : vector<4x128xf32> to vector<2x128xf32>
    %add3A_50 = arith.addf %slice3A_48, %slice3A_49 : vector<2x128xf32>
    %slice3A_51 = vector.extract_strided_slice %add3A_50 {offsets = [0, 0], sizes = [1, 128], strides = [1, 1]} : vector<2x128xf32> to vector<1x128xf32>
    %slice3A_52 = vector.extract_strided_slice %add3A_50 {offsets = [1, 0], sizes = [1, 128], strides = [1, 1]} : vector<2x128xf32> to vector<1x128xf32>
    %add3A_53 = arith.addf %slice3A_51, %slice3A_52 : vector<1x128xf32>
    %broadcast_in_dim3A_54 = arith.constant 0.000000e+00 : f32
    %broadcast_in_dim3A_55 = vector.broadcast %broadcast_in_dim3A_54 : f32 to vector<8x128xf32>
    %scan3A_56 = arith.constant 625 : i32
    %scan3A_57 = arith.constant 625 : i32
    %scan3A_58 = arith.addi %scan3A_56, %scan3A_57 : i32
    %scan3A_59 = arith.constant 1 : i32
    %scan3A_60 = scf.for %scan3A_108 = %scan3A_56 to %scan3A_58 step %scan3A_59 iter_args(%scan3A_109 = %broadcast_in_dim3A_55) -> (vector<8x128xf32>)  : i32 {
      %get3A_110 = arith.index_cast %scan3A_108 : i32 to index
      %get3A_111 = arith.constant 0 : index
      %get3A_112 = arith.constant 0 : index
      %get3A_113 = vector.load %arg10[%get3A_110, %get3A_111, %get3A_112] : memref<1250x8x128xf32, #tpu.memory_space<vmem>>, vector<1x8x128xf32>
      %get3A_114 = vector.shape_cast %get3A_113 : vector<1x8x128xf32> to vector<8x128xf32>
      %sub3A_115 = vector.broadcast %mul3A_36 : vector<1x128xf32> to vector<8x128xf32>
      %sub3A_116 = arith.subf %get3A_114, %sub3A_115 : vector<8x128xf32>
      %mul3A_117 = arith.mulf %sub3A_116, %sub3A_116 : vector<8x128xf32>
      %add3A_118 = arith.addf %scan3A_109, %mul3A_117 : vector<8x128xf32>
      scf.yield %add3A_118 : vector<8x128xf32>
    }
    %scan3A_61 = arith.constant 625 : i32
    %slice3A_62 = vector.extract_strided_slice %scan3A_60 {offsets = [0, 0], sizes = [4, 128], strides = [1, 1]} : vector<8x128xf32> to vector<4x128xf32>
    %slice3A_63 = vector.extract_strided_slice %scan3A_60 {offsets = [4, 0], sizes = [4, 128], strides = [1, 1]} : vector<8x128xf32> to vector<4x128xf32>
    %add3A_64 = arith.addf %slice3A_62, %slice3A_63 : vector<4x128xf32>
    %slice3A_65 = vector.extract_strided_slice %add3A_64 {offsets = [0, 0], sizes = [2, 128], strides = [1, 1]} : vector<4x128xf32> to vector<2x128xf32>
    %slice3A_66 = vector.extract_strided_slice %add3A_64 {offsets = [2, 0], sizes = [2, 128], strides = [1, 1]} : vector<4x128xf32> to vector<2x128xf32>
    %add3A_67 = arith.addf %slice3A_65, %slice3A_66 : vector<2x128xf32>
    %slice3A_68 = vector.extract_strided_slice %add3A_67 {offsets = [0, 0], sizes = [1, 128], strides = [1, 1]} : vector<2x128xf32> to vector<1x128xf32>
    %slice3A_69 = vector.extract_strided_slice %add3A_67 {offsets = [1, 0], sizes = [1, 128], strides = [1, 1]} : vector<2x128xf32> to vector<1x128xf32>
    %add3A_70 = arith.addf %slice3A_68, %slice3A_69 : vector<1x128xf32>
    %add3A_71 = arith.addf %add3A_53, %add3A_70 : vector<1x128xf32>
    %mul3A_72 = arith.constant 9.99999974E-5 : f32
    %mul3A_73 = vector.broadcast %mul3A_72 : f32 to vector<1x128xf32>
    %mul3A_74 = arith.mulf %add3A_71, %mul3A_73 : vector<1x128xf32>
    %sub3A = vector.broadcast %mul3A_36 : vector<1x128xf32> to vector<10000x128xf32>
    %sub3A_75 = arith.subf %add3A_17, %sub3A : vector<10000x128xf32>
    %add3A_76 = arith.constant 9.99999974E-6 : f32
    %add3A_77 = vector.broadcast %add3A_76 : f32 to vector<1x128xf32>
    %add3A_78 = arith.addf %mul3A_74, %add3A_77 : vector<1x128xf32>
    %sqrt3A = math.sqrt %add3A_78 : vector<1x128xf32>
    %div3A = vector.broadcast %sqrt3A : vector<1x128xf32> to vector<10000x128xf32>
    %div3A_79 = arith.divf %sub3A_75, %div3A : vector<10000x128xf32>
    %get3A_80 = arith.constant 0 : index
    %get3A_81 = arith.constant 0 : index
    %get3A_82 = vector.load %arg5[%get3A_80, %get3A_81] : memref<1x128xf32, #tpu.memory_space<vmem>>, vector<1x128xf32>
    %mul3A_83 = vector.broadcast %get3A_82 : vector<1x128xf32> to vector<10000x128xf32>
    %mul3A_84 = arith.mulf %div3A_79, %mul3A_83 : vector<10000x128xf32>
    %get3A_85 = arith.constant 0 : index
    %get3A_86 = arith.constant 0 : index
    %get3A_87 = vector.load %arg6[%get3A_85, %get3A_86] : memref<1x128xf32, #tpu.memory_space<vmem>>, vector<1x128xf32>
    %add3A_88 = vector.broadcast %get3A_87 : vector<1x128xf32> to vector<10000x128xf32>
    %add3A_89 = arith.addf %mul3A_84, %add3A_88 : vector<10000x128xf32>
    %max3A = arith.constant 0.000000e+00 : f32
    %max3A_90 = vector.broadcast %max3A : f32 to vector<10000x128xf32>
    %max3A_91 = arith.maximumf %add3A_89, %max3A_90 : vector<10000x128xf32>
    %get3A_92 = arith.constant 0 : index
    %get3A_93 = arith.constant 0 : index
    %get3A_94 = vector.load %arg7[%get3A_92, %get3A_93] : memref<128x128xf32, #tpu.memory_space<vmem>>, vector<128x128xf32>
    %dot_general3A_95 = arith.constant dense<0.000000e+00> : vector<10000x128xf32>
    %dot_general3A_96 = tpu.matmul %max3A_91, %get3A_94, %dot_general3A_95 {dimension_numbers = #tpu.dot_dimension_numbers<[1], [0], [0], [1], [0, 0, 1, 1], [], []>, transpose_lhs_hint = false} : vector<10000x128xf32>, vector<128x128xf32>, vector<10000x128xf32> -> vector<10000x128xf32>
    %get3A_97 = arith.constant 0 : index
    %get3A_98 = arith.constant 0 : index
    %get3A_99 = vector.load %arg8[%get3A_97, %get3A_98] : memref<1x128xf32, #tpu.memory_space<vmem>>, vector<1x128xf32>
    %add3A_100 = vector.broadcast %get3A_99 : vector<1x128xf32> to vector<10000x128xf32>
    %add3A_101 = arith.addf %dot_general3A_96, %add3A_100 : vector<10000x128xf32>
    %max3A_102 = arith.constant 0.000000e+00 : f32
    %max3A_103 = vector.broadcast %max3A_102 : f32 to vector<10000x128xf32>
    %max3A_104 = arith.maximumf %add3A_101, %max3A_103 : vector<10000x128xf32>
    %swap3A_105 = arith.constant 0 : index
    %swap3A_106 = arith.constant 0 : index
    %swap3A_107 = vector.load %arg9[%swap3A_105, %swap3A_106] : memref<10000x128xf32, #tpu.memory_space<vmem>>, vector<10000x128xf32>
    tpu.vector_store %arg9[%swap3A_105, %swap3A_106], %max3A_104 {strides = array<i32>} : memref<10000x128xf32, #tpu.memory_space<vmem>>, vector<10000x128xf32>,
    return
  }
}

</mosaic_0001>

<sc_bundles>
// kernel: gather_offload_async_start.1
scs
__scs_entry_jumppad:
0x0: {  	(pc) =	sbr.rel $0x88, $3  }
0x1: {  	(tag) =	ssettag $0x0;
	lr =	simm.s32 $0x1  }
0x2: {  	[smem:$0x3F99] =	sst lr;
	_ =	strace $0xD0000000  }
0x3: {  	_ = 	snop  }
0x4: {  	_ = 	snop  }
0x5: {  	_ = 	snop  }
0x6: {  	_ = 	snop  }
0x7: {  	_ = 	snop  }
__scs_overlays_trampoline_lowered:
0x8: {  	[smem:$0x3FA8] =	sst s0  }
0x9: {  	[smem:$0x3FA9] =	sst s1  }
0xa: {  	[smem:$0x3FAA] =	sst s2  }
0xb: {  	[smem:$0x3FAB] =	sst s3  }
0xc: {  	[smem:$0x3FAC] =	sst s4  }
0xd: {  	[smem:$0x3FAD] =	sst s5  }
0xe: {  	[smem:$0x3FAE] =	sst s6  }
0xf: {  	[smem:$0x3FAF] =	sst s7  }
0x10: {  	[smem:$0x3FB0] =	sst s8  }
0x11: {  	[smem:$0x3FB1] =	sst s9;
	s0 =	simm.s32 @!p0 $0x0  }
0x12: {  	s1 =	sld [smem:$0x3F97];
	s0 =	simm.s32 @p0 $0x1  }
0x13: {  	[smem:$0x3FB2] =	sst s0;
	s0 =	simm.s32 @!p1 $0x0  }
0x14: {  	s2 =	sld [smem:$0x3F96];
	s0 =	simm.s32 @p1 $0x1  }
0x15: {  	[smem:$0x3FB3] =	sst s0;
	s0 =	simm.s32 @!p2 $0x0  }
0x16: {  	s3 =	sld [smem:$0x3FDB];
	s0 =	simm.s32 @p2 $0x1  }
0x17: {  	s4 =	simm.s32 $0x1BF5;
	[smem:$0x3FB5] =	sst s0  }
0x18: {  	s0 =	sld [smem:$0x3F98];
	_ =	swait.ge [sflag:s4], $0x0  }
0x19: {  	s7 =	sld [smem:$0x3F99]  }
0x1a: {  	s8 =	sadd.s32 $0xFFFFE003, lr  }
0x1b: {  	s9 =	sadd.s32 $0xFFFFFEF7, lr;
	s5 =	simm.s32 $0xFFFFFFFF;
	p2 =	slt.u32 s8, $0xFFFFF086  }
0x1c: {  	p1 =	slt.u32 s9, $0xF7A;
	s5 =	simm.s32 @!p2 $0x0  }
0x1d: {  	s5 =	simm.s32 @p1 $0x1;
	p0 =	seq.s32 s7, s2  }
0x1e: {  	s7 =	smul.u32 @!p0 $0xF7A, s2;
	p2 =	seq.s32 @!p0 s5, $0x0  }
0x1f: {  	s9 =	smul.u32 $0xF7A, s1;
	s8 =	simm.s32 @!p0 $0x1BF5;
	p2 =	por !p2, p0  }
0x20: {  	[sflag:s8] =	ssyncset.s32 @!p0 $0xFFFFF086;
	s6 =	sadd.s32 @!p0 s3, s7;
	s7 =	simm.s32 @!p0 $0x108  }
0x21: {  	s3 =	sadd.s32 s3, s9;
	s6 =	sadd.s32 @!p0 $0x88, s6;
	s7 =	simm.s32 @p2 $0x1082  }
0x22: {  	[simem:s7], [sflag:s8] =	dma.local @!p0 [hbm:s6], $0xF7A  }
0x23: {  	s9 =	sor.u32 $0xD0000000, s2;
	s6 =	simm.s32 $0x108;
	_ =	swait.ge @!p0 [sflag:s8], $0x0  }
0x24: {  	s3 =	sadd.s32 $0x88, s3;
	s6 =	simm.s32 @!p1 $0x1082;
	[sflag:s4] =	ssyncset.s32 $0xFFFFF086  }
0x25: {  	[simem:s6], [sflag:s4] =	dma.local [hbm:s3], $0xF7A  }
0x26: {  	[smem:$0x3F99] =	sst s1;
	(tag) =	ssettag s2;
	_ =	strace s9  }
0x27: {  	s1 =	sld [smem:$0x3FA9]  }
0x28: {  	s2 =	sld [smem:$0x3FAA]  }
0x29: {  	s4 =	sld [smem:$0x3FAC]  }
0x2a: {  	p0 =	seq.s32 s5, $0x0;
	s5 =	sld [smem:$0x3FAD]  }
0x2b: {  	s6 =	sld [smem:$0x3FAE]  }
0x2c: {  	s7 =	sld [smem:$0x3FAF]  }
0x2d: {  	s3 =	simm.s32 $0x108;
	s8 =	sld [smem:$0x3FB0]  }
0x2e: {  	s3 =	simm.s32 @!p0 $0x1082;
	s9 =	sld [smem:$0x3FB1]  }
0x2f: {  	lr =	sadd.s32 s0, s3;
	s0 =	sld [smem:$0x3FA8]  }
0x30: {  	s3 =	sld [smem:$0x3FAB]  }
0x31: {  	[smem:$0x3FB4] =	sst s10  }
0x32: {  	s10 =	sld [smem:$0x3FB2];
	_ =	sdelay $0x3  }
0x33: {  	p0 =	seq.s32 s10, $0x1;
	s10 =	sld [smem:$0x3FB4];
	_ =	sdelay $0x3  }
0x34: {  	[smem:$0x3FB4] =	sst s10  }
0x35: {  	s10 =	sld [smem:$0x3FB3];
	_ =	sdelay $0x3  }
0x36: {  	p1 =	seq.s32 s10, $0x1;
	s10 =	sld [smem:$0x3FB4];
	_ =	sdelay $0x3  }
0x37: {  	[smem:$0x3FB4] =	sst s10  }
0x38: {  	s10 =	sld [smem:$0x3FB5]  }
0x39: {  	_ = 	snop;
	(pc) =	sbr.ind lr, $3  }
0x3a: {  	_ = 	snop  }
0x3b: {  	_ = 	snop  }
0x3c: {  	p2 =	seq.s32 s10, $0x1;
	s10 =	sld [smem:$0x3FB4]  }
0x3d: {  	_ =	shalt  }
0x3e: {  	_ =	shalt  }
0x3f: {  	_ =	shalt  }
0x40: {  	_ =	shalt  }
0x41: {  	_ =	shalt  }
0x42: {  	_ =	shalt  }
0x43: {  	_ =	shalt  }
0x44: {  	_ =	shalt  }
0x45: {  	_ =	shalt  }
0x46: {  	_ =	shalt  }
0x47: {  	_ =	shalt  }
0x48: {  	_ =	shalt  }
0x49: {  	_ =	shalt  }
0x4a: {  	_ =	shalt  }
0x4b: {  	_ =	shalt  }
0x4c: {  	_ =	shalt  }
0x4d: {  	_ =	shalt  }
0x4e: {  	_ =	shalt  }
0x4f: {  	_ =	shalt  }
0x50: {  	_ =	shalt  }
0x51: {  	_ =	shalt  }
0x52: {  	_ =	shalt  }
0x53: {  	_ =	shalt  }
0x54: {  	_ =	shalt  }
0x55: {  	_ =	shalt  }
0x56: {  	_ =	shalt  }
0x57: {  	_ =	shalt  }
0x58: {  	_ =	shalt  }
0x59: {  	_ =	shalt  }
0x5a: {  	_ =	shalt  }
0x5b: {  	_ =	shalt  }
0x5c: {  	_ =	shalt  }
0x5d: {  	_ =	shalt  }
0x5e: {  	_ =	shalt  }
0x5f: {  	_ =	shalt  }
0x60: {  	_ =	shalt  }
0x61: {  	_ =	shalt  }
0x62: {  	_ =	shalt  }
0x63: {  	_ =	shalt  }
0x64: {  	_ =	shalt  }
0x65: {  	_ =	shalt  }
0x66: {  	_ =	shalt  }
0x67: {  	_ =	shalt  }
0x68: {  	_ =	shalt  }
0x69: {  	_ =	shalt  }
0x6a: {  	_ =	shalt  }
0x6b: {  	_ =	shalt  }
0x6c: {  	_ =	shalt  }
0x6d: {  	_ =	shalt  }
0x6e: {  	_ =	shalt  }
0x6f: {  	_ =	shalt  }
0x70: {  	_ =	shalt  }
0x71: {  	_ =	shalt  }
0x72: {  	_ =	shalt  }
0x73: {  	_ =	shalt  }
0x74: {  	_ =	shalt  }
0x75: {  	_ =	shalt  }
0x76: {  	_ =	shalt  }
0x77: {  	_ =	shalt  }
0x78: {  	_ =	shalt  }
0x79: {  	_ =	shalt  }
0x7a: {  	_ =	shalt  }
0x7b: {  	_ =	shalt  }
0x7c: {  	_ =	shalt  }
0x7d: {  	_ =	shalt  }
0x7e: {  	_ =	shalt  }
0x7f: {  	_ =	shalt  }
0x80: {  	_ =	shalt  }
0x81: {  	_ =	shalt  }
0x82: {  	_ =	shalt  }
0x83: {  	_ =	shalt  }
0x84: {  	_ =	shalt  }
0x85: {  	_ =	shalt  }
0x86: {  	_ =	shalt  }
0x87: {  	_ =	shalt  }
.Lfunc_end0:
.L_simem_size_0:
called_computation.1_lowered:
.L_overlay_start_0:
0x88: {  	s2 =	sld [smem:$0x3FD9]  }
0x89: {  	s3 =	sld [smem:$0x3FFE];
	_ =	sdelay $0x1  }
0x8a: {  	s1 =	srdreg.scid  }
0x8b: {  	s0 =	sand.u32 $0x1, s1  }
0x8c: {  	s16 =	sshll.u32 s0, $0xA;
	s2 =	sadd.s32 s3, s2  }
0x8d: {  	s2 =	sadd.s32 s2, s16  }
0x8e: {  	[smem:$0x3FC0] =	sst s2  }
0x8f: {  	_ = 	snop  }
0x90: {  	(tm) =	ssettm $0x1  }
0x91: {  	s17 =	sld [smem:$0x3FFB];
	_ =	sdelay $0x3  }
0x92: {  	_ =	strace s17  }
0x93: {  	s2 =	sld [smem:$0x3FFC];
	_ =	sdelay $0x3  }
0x94: {  	_ =	strace s2  }
0x95: {  	s2 =	sld [smem:$0x3FFD];
	_ =	sdelay $0x3  }
0x96: {  	_ =	strace s2  }
0x97: {  	_ =	strace $0x8FFFFFFF  }
0x98: {  	s18 =	sld [smem:$0x3FDB];
	_ =	sdelay $0x1  }
0x99: {  	s19 =	simm.s32 $_scs_section_size  }
0x9a: {  	s4 =	simm.s32 $_size__tile_overlayer_lowered;
	s5 =	simm.s32 $_tile_overlayer_lowered  }
0x9b: {  	s22 =	simm.s32 $0x1BFF;
	s21 =	sshll.u32 s5, $0x1;
	s2 =	sadd.s32 s19, s18  }
0x9c: {  	s6 =	simm.s32 $0x0;
	s20 =	sshll.u32 s4, $0x1;
	s4 =	sadd.s32 s21, s2  }
0x9d: {  	[timem:s6], [sflag:s22] =	dma.local [hbm:s4], s20  }
0x9e: {  	_ =	swait.ge [sflag:s22], s20  }
0x9f: {  	s3 =	ssub.s32 $0x0, s20;
	[sflag:s22] =	ssyncset.done $0x0  }
0xa0: {  	[sflag:s22] =	ssyncadd.s32 s3;
	_ =	sdelay $0x1  }
0xa1: {  	s23 =	simm.s32 $0x1B8B  }
0xa2: {  	_ =	swait.ge [sflag:s23], $0x1  }
0xa3: {  	[sflag:s23] =	ssyncset.done $0x0  }
0xa4: {  	s25 =	simm.s32 $0x1B8E;
	s24 =	sld [smem:$0x3FFE];
	[sflag:s23] =	ssyncadd.s32 $0xFFFFFFFF  }
0xa5: {  	s26 =	simm.s32 $execute0_lowered;
	[smem:$0x3FD2] =	sst s25  }
0xa6: {  	s4 =	sshll.u32 s26, $0x1;
	_ =	strace $0x80000046;
	[dreg:$0x1] =	wrdreg $0xFFFFFFFF  }
0xa7: {  	s28 =	simm.s32 $_size_execute0_lowered;
	s2 =	sadd.s32 s2, s4;
	[dreg:$0x0] =	wrdreg $0x0  }
0xa8: {  	s4 =	sshll.u32 s28, $0x1;
	[dreg:$0x2] =	wrdreg s2  }
0xa9: {  	[dreg:$0x3] =	wrdreg s4  }
0xaa: {  	[dreg:$0x4] =	wrdreg $0xC0  }
0xab: {  	_ =	task [dreg:s6], $0x5FFFF  }
0xac: {  	[dreg:$0x1] =	wrdreg $0xFFFFFFFF  }
0xad: {  	[dreg:$0x0] =	wrdreg $0x60  }
0xae: {  	[dreg:$0x2] =	wrdreg s24  }
0xaf: {  	[dreg:$0x3] =	wrdreg $0x9  }
0xb0: {  	_ =	task.clear_ibuf [dreg:s6], $0x4FFFF;
	_ =	strace $0x90000046  }
0xb1: {  	s29 =	simm.s32 $0x9;
	_ =	strace $0x80000048  }
0xb2: {  	_ =	swait.ge [sflag:s29], $0x1  }
0xb3: {  	[sflag:s29] =	ssyncadd.s32 $0xFFFFFFFF  }
0xb4: {  	_ =	strace $0x90000048  }
0xb5: {  	_ =	sfence  }
0xb6: {  	s30 =	sld [smem:$0x0];
	_ =	sdelay $0x2  }
0xb7: {  	s31 =	sshll.u32 s1, $0xD;
	s1 =	sshrl.u32 s1, $0x2  }
0xb8: {  	s3 =	sand.u32 $0x4000, s31;
	s1 =	sadd.s32 s1, s30  }
0xb9: {  	s0 =	sor.u32 s3, s0;
	s1 =	sshll.u32 s1, $0x11  }
0xba: {  	s0 =	sor.u32 s1, s0  }
0xbb: {  	s0 =	sadd.s32 $0x8F2B, s0  }
0xbc: {  	[sflag:s0] =	ssyncadd.remote.s32 $0x1  }
0xbd: {  	_ =	sfence.sel $0xFFFF  }
0xbe: {  	[dreg:$0x0] =	wrdreg $0xFFFFFFFF;
	(pc) =	sbr.abs _section_cstart, $3  }
0xbf: {  	[dreg:$0x1] =	wrdreg $0xFFFFFFFF  }
0xc0: {  	_ =	task.clear_ibuf [dreg:s6], $0x2FFFF;
	_ =	strace $0x9FFFFFFF  }
0xc1: {  	(tm) =	ssettm $0x7FFFFFFF  }
tec
execute0_lowered:
.L_overlay_start_1:
0x0: {  	(tag) =	ssettag $0x1  }
0x1: {  	s8 =	rddreg [dreg:$0x0]  }
0x2: {  	s0 =	rddreg [dreg:$0x1];
	_ =	strace $0x80000047;
	s1 =	stileid.u32  }
0x3: {  	s3 =	srdreg.scid;
	s4 =	simm.s32 $0x1;
	s7 =	simm.s32 $0x1  }
0x4: {  	s9 =	simm.s32 $0x1;
	s10 =	simm.s32 $0x3;
	s13 =	simm.s32 $0x0  }
0x5: {  	s12 =	simm.s32 $0x0;
	s5 =	sand.u32 $0x1, s3;
	s6 =	sshll.u32 s1, $0x1  }
0x6: {  	s2 =	sadd.s32 $0x5A00, s8;
	s3 =	sadd.s32 $0xF800, s8;
	s5 =	sor.u32 s6, s5  }
.Ltmp0:
0x7: {  	[sflag:s4] =	ssyncpa.u1 $0x0;
	p0 =	slt.u32 s5, $0x9;
	(pc) =	sbr.rel .LBB2_1-.Ltmp0, $4  }
0x8: {  	s6 =	simm.s32 $0x2;
	s7 =	simm.s32 @!p0 $0x0;
	p0 =	sne.s32 s5, $0x8  }
0x9: {  	[sflag:s6] =	ssyncpa.u1 $0x0;
	s5 =	smul.u32 $0x1F40, s5;
	s9 =	simm.s32 @!p0 $0x0  }
0xa: {  	s8 =	sadd.s32 $0x19600, s8;
	[sflag:s10] =	ssyncpa.u1 $0x0;
	s7 =	sadd.s32 s9, s7  }
0xb: {  	vm0 =	vmmov $0xffff;
	s10 =	simm.s32 $0x0;
	s11 =	smov.u32 s5;
	s9 =	sadd.s32 $0x1, s7  }
.LBB2_4:
0xc: {  	v2 =	vnsel vm1, $0x0, v2  }
0xd: {  	vm1 =	vgt.s32 v0, $0x0;
	v2 =	vmin.u32 v2, $0x4E1FF  }
0xe: {  	v0 =	vnsel vm1, $0x0, v0  }
0xf: {  	v0 =	vmin.u32 v0, $0x4E1FF  }
0x10: {  	[tilespmem:s18], [sflag:$0x1] =	stream.indirect_vreg.gather [hbm4b:s2+s10], $0x1, v1, vm0, $0x4038;
	[tilespmem:$0x7D00] =	vst v63  }
0x11: {  	(ifvalue) =	ssetifvalue $0x7FFFFFFF  }
0x12: {  	[tilespmem:s15], [sflag:$0x1] =	stream.indirect_vreg.gather [hbm4b:s2+s10], $0x1, v2, vm0, $0x4038;
	[tilespmem:$0x7D00] =	vst v63  }
0x13: {  	s29 =	sadd.s32 $0x10, s15;
	(ifvalue) =	ssetifvalue $0x7FFFFFFF  }
0x14: {  	[tilespmem:s29], [sflag:$0x1] =	stream.indirect_vreg.gather [hbm4b:s2+s10], $0x1, v0, vm0, $0x4038;
	[tilespmem:$0x7D00] =	vst v63  }
0x15: {  	_ =	swait.ge [sflag:s4], $0x1F40  }
0x16: {  	s30 =	sshrl.u32 s13, $0x3;
	[sflag:s4] =	ssyncset.done $0x0  }
0x17: {  	s31 =	sand.u32 $0x7, s13;
	s15 =	sadd.s32 s8, s30;
	[sflag:s4] =	ssyncadd.s32 $0xFFFFE0C0  }
0x18: {  	[hbm4b:s15+s31] =	stream.linear.scatter [tilespmem:s14], [sflag:$0x3], $0x1F40, $0x38;
	[tilespmem:$0x7D00] =	vst v63  }
.LBB2_5:
0x19: {  	s15 =	sadd.s32 $0x3E800, s11  }
0x1a: {  	p1 =	sgt.s32 s15, $0x4E1FF  }
0x1b: {  	s15 =	smov.u32 @p1 s5;
	p1 =	sne.s32 s12, s9  }
.Ltmp1:
0x1c: {  	p0 =	slt.u32 s12, $0x2;
	(pc) =	sbr.rel @!p1 .LBB2_6-.Ltmp1, $4  }
0x1d: {  	s14 =	simm.s32 @!p0 $0x3  }
0x1e: {  	_ =	swait.ge @!p0 [sflag:s14], $0x1F40  }
0x1f: {  	s16 =	sadd.s32 $0x1, s12;
	s13 =	smov.u32 s11;
	[sflag:s14] =	ssyncset.done @!p0 $0x0  }
0x20: {  	s12 =	smov.u32 s16;
	s11 =	smov.u32 s15;
	[sflag:s14] =	ssyncadd.s32 @!p0 $0xFFFFE0C0  }
.LBB2_1:
0x21: {  	p0 =	sge.u32 s12, s7  }
0x22: {  	s14 =	sxor.u32 @!p0 $0x1, s12  }
0x23: {  	s14 =	smul.u32 @!p0 $0x7D00, s14  }
0x24: {  	s31 =	sadd.s32 $0xFFFFFFFF, s12;
	s15 =	sshrl.u32 @!p0 s11, $0x3  }
0x25: {  	s16 =	sand.u32 @!p0 $0x7, s11;
	s15 =	sadd.s32 @!p0 s3, s15;
	s14 =	sshra.s32 @!p0 s14, $0x2  }
0x26: {  	[tilespmem:s14], [sflag:$0x2] =	stream.linear.gather @!p0 [hbm4b:s15+s16], $0x1F40, $0x38;
	[tilespmem:$0x7D00] =	vst v63  }
0x27: {  	p0 =	sge.u32 s31, s7  }
.Ltmp2:
0x28: {  	_ = 	snop;
	(pc) =	sbr.rel @p0 .LBB2_5-.Ltmp2, $1  }
0x29: {  	_ =	sdelay $0x3  }
0x2a: {  	s14 =	sand.u32 $0x1, s12  }
0x2b: {  	_ =	swait.ge [sflag:s6], $0x1F40;
	p0 =	seq.s32 s14, $0x1;
	s14 =	simm.s32 $0x1F40  }
0x2c: {  	[sflag:s6] =	ssyncset.done $0x0;
	s14 =	simm.s32 @!p0 $0x0  }
0x2d: {  	[sflag:s6] =	ssyncadd.s32 $0xFFFFE0C0;
	(ifvalue) =	ssetifvalue $0x7FFFFFFF;
	v0 =	vld.msk [tilespmem:s14+$0x0 ss:$0x1], $0xffff;
	_ =	sdelay $0x4  }
0x2e: {  	s15 =	sadd.s32 $0x10, s14;
	vm1 =	vgt.s32 v0, $0x0  }
0x2f: {  	v2 =	vld.msk [tilespmem:s15+$0x0 ss:$0x1], $0xffff;
	v1 =	vnsel vm1, $0x0, v0  }
0x30: {  	v1 =	vmin.u32 v1, $0x4E1FF;
	_ =	sdelay $0x2  }
0x31: {  	s17 =	simm.s32 $0x20;
	s14 =	sadd.s32 $0x3E80, s14;
	s16 =	sadd.s32 $0x10, s15  }
0x32: {  	s15 =	sadd.s32 $0x10, s14;
	s18 =	smov.u32 s14;
	v0 =	vld.msk [tilespmem:s16+$0x0 ss:$0x1], $0xffff;
	vm1 =	vgt.s32 v2, $0x0;
	(ifvalue) =	ssetifvalue $0x7FFFFFFF  }
.LBB2_3:
0x33: {  	[tilespmem:s18], [sflag:$0x1] =	stream.indirect_vreg.gather [hbm4b:s2+s10], $0x1, v1, vm0, $0x4038;
	[tilespmem:$0x7D00] =	vst v63  }
0x34: {  	s17 =	sadd.s32 $0x10, s17  }
0x35: {  	v2 =	vnsel vm1, $0x0, v2;
	p0 =	slt.u32 s17, $0x1F30  }
.Ltmp3:
0x36: {  	s18 =	smov.u32 s15;
	v1 =	vmin.u32 v2, $0x4E1FF;
	(pc) =	sbr.rel @p0 .LBB2_3-.Ltmp3, $3  }
0x37: {  	_ =	sdelay $0x1  }
0x38: {  	s16 =	sadd.s32 $0x10, s16  }
0x39: {  	vm1 =	vgt.s32 v0, $0x0;
	s15 =	sadd.s32 $0x10, s15;
	v2 =	vmov v0;
	(ifvalue) =	ssetifvalue $0x7FFFFFFF;
	v0 =	vld.msk [tilespmem:s16+$0x0 ss:$0x1], $0xffff  }
.Ltmp4:
0x3a: {  	_ = 	snop;
	(pc) =	sbr.rel .LBB2_4-.Ltmp4, $1  }
0x3b: {  	_ =	sdelay $0x3  }
.LBB2_6:
0x3c: {  	_ =	sfence.sel $0x180000  }
0x3d: {  	s2 =	simm.s32 $0x2;
	[bflag:$0x0] =	sbarrier.arrive $0xFFFF  }
0x3e: {  	s30 =	simm.s32 $0x3;
	[sflag:s2] =	ssyncpa.u1 $0x1  }
0x3f: {  	s31 =	simm.s32 $0x1;
	[sflag:s30] =	ssyncpa.u1 $0x1  }
0x40: {  	[sflag:s31] =	ssyncpa.u1 $0x1  }
0x41: {  	p0 =	sne.s32 s1, $0x0;
	_ =	strace $0x90000047  }
0x42: {  	s0 =	sadd.s32 @!p0 $0x100000, s0;
	[bflag:$0x2] =	sbarrier.arrive $0xFFFF  }
0x43: {  	[sflag:s0] =	ssyncadd.tile.s32 @!p0 $0x1;
	_ =	shalt  }
.Lfunc_end2:
_tile_overlayer_lowered:
.L_overlay_start_2:
0x44: {  	(tag) =	ssettag $0x2  }
0x45: {  	s0 =	rddreg [dreg:$0x0];
	s2 =	stileid.u32  }
0x46: {  	s1 =	rddreg [dreg:$0x1];
	p0 =	sne.s32 s2, $0x0  }
0x47: {  	s3 =	rddreg [dreg:$0x2];
	[bflag:$0x3] =	sbarrier.arrive $0xFFFF;
	s2 =	simm.s32 @!p0 $0x1C01  }
0x48: {  	[timem:s3], [sflag:s2] =	dma.local @!p0 [hbm:s0], s1  }
0x49: {  	s0 =	simm.s32 @!p0 $0x1  }
0x4a: {  	_ =	swait.ge @!p0 [sflag:s0], s1  }
0x4b: {  	s1 =	ssub.s32 @!p0 $0x0, s1;
	[sflag:s0] =	ssyncset.done @!p0 $0x0  }
0x4c: {  	[sflag:s0] =	ssyncadd.s32 @!p0 s1  }
0x4d: {  	[bflag:$0x3] =	sbarrier.arrive $0xFFFF  }
0x4e: {  	_ =	shalt  }

// kernel: gather_offload_async_start
scs
__scs_entry_jumppad:
0x0: {  	(pc) =	sbr.rel $0x88, $3  }
0x1: {  	(tag) =	ssettag $0x0;
	lr =	simm.s32 $0x1  }
0x2: {  	[smem:$0x3F99] =	sst lr;
	_ =	strace $0xD0000000  }
0x3: {  	_ = 	snop  }
0x4: {  	_ = 	snop  }
0x5: {  	_ = 	snop  }
0x6: {  	_ = 	snop  }
0x7: {  	_ = 	snop  }
__scs_overlays_trampoline_lowered:
0x8: {  	[smem:$0x3FA8] =	sst s0  }
0x9: {  	[smem:$0x3FA9] =	sst s1  }
0xa: {  	[smem:$0x3FAA] =	sst s2  }
0xb: {  	[smem:$0x3FAB] =	sst s3  }
0xc: {  	[smem:$0x3FAC] =	sst s4  }
0xd: {  	[smem:$0x3FAD] =	sst s5  }
0xe: {  	[smem:$0x3FAE] =	sst s6  }
0xf: {  	[smem:$0x3FAF] =	sst s7  }
0x10: {  	[smem:$0x3FB0] =	sst s8  }
0x11: {  	[smem:$0x3FB1] =	sst s9;
	s0 =	simm.s32 @!p0 $0x0  }
0x12: {  	s1 =	sld [smem:$0x3F97];
	s0 =	simm.s32 @p0 $0x1  }
0x13: {  	[smem:$0x3FB2] =	sst s0;
	s0 =	simm.s32 @!p1 $0x0  }
0x14: {  	s2 =	sld [smem:$0x3F96];
	s0 =	simm.s32 @p1 $0x1  }
0x15: {  	[smem:$0x3FB3] =	sst s0;
	s0 =	simm.s32 @!p2 $0x0  }
0x16: {  	s3 =	sld [smem:$0x3FDB];
	s0 =	simm.s32 @p2 $0x1  }
0x17: {  	s4 =	simm.s32 $0x1BF5;
	[smem:$0x3FB5] =	sst s0  }
0x18: {  	s0 =	sld [smem:$0x3F98];
	_ =	swait.ge [sflag:s4], $0x0  }
0x19: {  	s7 =	sld [smem:$0x3F99]  }
0x1a: {  	s8 =	sadd.s32 $0xFFFFE003, lr  }
0x1b: {  	s9 =	sadd.s32 $0xFFFFFEF7, lr;
	s5 =	simm.s32 $0xFFFFFFFF;
	p2 =	slt.u32 s8, $0xFFFFF086  }
0x1c: {  	p1 =	slt.u32 s9, $0xF7A;
	s5 =	simm.s32 @!p2 $0x0  }
0x1d: {  	s5 =	simm.s32 @p1 $0x1;
	p0 =	seq.s32 s7, s2  }
0x1e: {  	s7 =	smul.u32 @!p0 $0xF7A, s2;
	p2 =	seq.s32 @!p0 s5, $0x0  }
0x1f: {  	s9 =	smul.u32 $0xF7A, s1;
	s8 =	simm.s32 @!p0 $0x1BF5;
	p2 =	por !p2, p0  }
0x20: {  	[sflag:s8] =	ssyncset.s32 @!p0 $0xFFFFF086;
	s6 =	sadd.s32 @!p0 s3, s7;
	s7 =	simm.s32 @!p0 $0x108  }
0x21: {  	s3 =	sadd.s32 s3, s9;
	s6 =	sadd.s32 @!p0 $0x88, s6;
	s7 =	simm.s32 @p2 $0x1082  }
0x22: {  	[simem:s7], [sflag:s8] =	dma.local @!p0 [hbm:s6], $0xF7A  }
0x23: {  	s9 =	sor.u32 $0xD0000000, s2;
	s6 =	simm.s32 $0x108;
	_ =	swait.ge @!p0 [sflag:s8], $0x0  }
0x24: {  	s3 =	sadd.s32 $0x88, s3;
	s6 =	simm.s32 @!p1 $0x1082;
	[sflag:s4] =	ssyncset.s32 $0xFFFFF086  }
0x25: {  	[simem:s6], [sflag:s4] =	dma.local [hbm:s3], $0xF7A  }
0x26: {  	[smem:$0x3F99] =	sst s1;
	(tag) =	ssettag s2;
	_ =	strace s9  }
0x27: {  	s1 =	sld [smem:$0x3FA9]  }
0x28: {  	s2 =	sld [smem:$0x3FAA]  }
0x29: {  	s4 =	sld [smem:$0x3FAC]  }
0x2a: {  	p0 =	seq.s32 s5, $0x0;
	s5 =	sld [smem:$0x3FAD]  }
0x2b: {  	s6 =	sld [smem:$0x3FAE]  }
0x2c: {  	s7 =	sld [smem:$0x3FAF]  }
0x2d: {  	s3 =	simm.s32 $0x108;
	s8 =	sld [smem:$0x3FB0]  }
0x2e: {  	s3 =	simm.s32 @!p0 $0x1082;
	s9 =	sld [smem:$0x3FB1]  }
0x2f: {  	lr =	sadd.s32 s0, s3;
	s0 =	sld [smem:$0x3FA8]  }
0x30: {  	s3 =	sld [smem:$0x3FAB]  }
0x31: {  	[smem:$0x3FB4] =	sst s10  }
0x32: {  	s10 =	sld [smem:$0x3FB2];
	_ =	sdelay $0x3  }
0x33: {  	p0 =	seq.s32 s10, $0x1;
	s10 =	sld [smem:$0x3FB4];
	_ =	sdelay $0x3  }
0x34: {  	[smem:$0x3FB4] =	sst s10  }
0x35: {  	s10 =	sld [smem:$0x3FB3];
	_ =	sdelay $0x3  }
0x36: {  	p1 =	seq.s32 s10, $0x1;
	s10 =	sld [smem:$0x3FB4];
	_ =	sdelay $0x3  }
0x37: {  	[smem:$0x3FB4] =	sst s10  }
0x38: {  	s10 =	sld [smem:$0x3FB5]  }
0x39: {  	_ = 	snop;
	(pc) =	sbr.ind lr, $3  }
0x3a: {  	_ = 	snop  }
0x3b: {  	_ = 	snop  }
0x3c: {  	p2 =	seq.s32 s10, $0x1;
	s10 =	sld [smem:$0x3FB4]  }
0x3d: {  	_ =	shalt  }
0x3e: {  	_ =	shalt  }
0x3f: {  	_ =	shalt  }
0x40: {  	_ =	shalt  }
0x41: {  	_ =	shalt  }
0x42: {  	_ =	shalt  }
0x43: {  	_ =	shalt  }
0x44: {  	_ =	shalt  }
0x45: {  	_ =	shalt  }
0x46: {  	_ =	shalt  }
0x47: {  	_ =	shalt  }
0x48: {  	_ =	shalt  }
0x49: {  	_ =	shalt  }
0x4a: {  	_ =	shalt  }
0x4b: {  	_ =	shalt  }
0x4c: {  	_ =	shalt  }
0x4d: {  	_ =	shalt  }
0x4e: {  	_ =	shalt  }
0x4f: {  	_ =	shalt  }
0x50: {  	_ =	shalt  }
0x51: {  	_ =	shalt  }
0x52: {  	_ =	shalt  }
0x53: {  	_ =	shalt  }
0x54: {  	_ =	shalt  }
0x55: {  	_ =	shalt  }
0x56: {  	_ =	shalt  }
0x57: {  	_ =	shalt  }
0x58: {  	_ =	shalt  }
0x59: {  	_ =	shalt  }
0x5a: {  	_ =	shalt  }
0x5b: {  	_ =	shalt  }
0x5c: {  	_ =	shalt  }
0x5d: {  	_ =	shalt  }
0x5e: {  	_ =	shalt  }
0x5f: {  	_ =	shalt  }
0x60: {  	_ =	shalt  }
0x61: {  	_ =	shalt  }
0x62: {  	_ =	shalt  }
0x63: {  	_ =	shalt  }
0x64: {  	_ =	shalt  }
0x65: {  	_ =	shalt  }
0x66: {  	_ =	shalt  }
0x67: {  	_ =	shalt  }
0x68: {  	_ =	shalt  }
0x69: {  	_ =	shalt  }
0x6a: {  	_ =	shalt  }
0x6b: {  	_ =	shalt  }
0x6c: {  	_ =	shalt  }
0x6d: {  	_ =	shalt  }
0x6e: {  	_ =	shalt  }
0x6f: {  	_ =	shalt  }
0x70: {  	_ =	shalt  }
0x71: {  	_ =	shalt  }
0x72: {  	_ =	shalt  }
0x73: {  	_ =	shalt  }
0x74: {  	_ =	shalt  }
0x75: {  	_ =	shalt  }
0x76: {  	_ =	shalt  }
0x77: {  	_ =	shalt  }
0x78: {  	_ =	shalt  }
0x79: {  	_ =	shalt  }
0x7a: {  	_ =	shalt  }
0x7b: {  	_ =	shalt  }
0x7c: {  	_ =	shalt  }
0x7d: {  	_ =	shalt  }
0x7e: {  	_ =	shalt  }
0x7f: {  	_ =	shalt  }
0x80: {  	_ =	shalt  }
0x81: {  	_ =	shalt  }
0x82: {  	_ =	shalt  }
0x83: {  	_ =	shalt  }
0x84: {  	_ =	shalt  }
0x85: {  	_ =	shalt  }
0x86: {  	_ =	shalt  }
0x87: {  	_ =	shalt  }
.Lfunc_end0:
.L_simem_size_0:
called_computation_lowered:
.L_overlay_start_0:
0x88: {  	s2 =	sld [smem:$0x3FD9]  }
0x89: {  	s3 =	sld [smem:$0x3FFE];
	_ =	sdelay $0x1  }
0x8a: {  	s1 =	srdreg.scid  }
0x8b: {  	s0 =	sand.u32 $0x1, s1  }
0x8c: {  	s17 =	sshll.u32 s0, $0xA;
	s2 =	sadd.s32 s3, s2  }
0x8d: {  	s2 =	sadd.s32 s2, s17  }
0x8e: {  	[smem:$0x3FC0] =	sst s2  }
0x8f: {  	_ = 	snop  }
0x90: {  	s2 =	sld [smem:$0x3FD0];
	(tm) =	ssettm $0x1  }
0x91: {  	s18 =	sld [smem:$0x3FFB];
	_ =	sdelay $0x3  }
0x92: {  	_ =	strace s18  }
0x93: {  	s3 =	sld [smem:$0x3FFC];
	_ =	sdelay $0x3  }
0x94: {  	_ =	strace s3  }
0x95: {  	s3 =	sld [smem:$0x3FFD];
	_ =	sdelay $0x3  }
0x96: {  	_ =	strace s3  }
0x97: {  	_ =	strace $0x8FFFFFFF  }
0x98: {  	s19 =	sld [smem:$0x3FDB];
	_ =	sdelay $0x1  }
0x99: {  	s4 =	simm.s32 $_scs_section_size  }
0x9a: {  	s5 =	simm.s32 $_size__tile_overlayer_lowered;
	s6 =	simm.s32 $_tile_overlayer_lowered  }
0x9b: {  	s22 =	simm.s32 $0x1BFF;
	s21 =	sshll.u32 s6, $0x1;
	s3 =	sadd.s32 s4, s19  }
0x9c: {  	s7 =	simm.s32 $0x0;
	s20 =	sshll.u32 s5, $0x1;
	s5 =	sadd.s32 s21, s3  }
0x9d: {  	[timem:s7], [sflag:s22] =	dma.local [hbm:s5], s20  }
0x9e: {  	_ =	swait.ge [sflag:s22], s20  }
0x9f: {  	s4 =	ssub.s32 $0x0, s20;
	[sflag:s22] =	ssyncset.done $0x0  }
0xa0: {  	[sflag:s22] =	ssyncadd.s32 s4;
	_ =	sdelay $0x1  }
0xa1: {  	s23 =	simm.s32 $0x1B8B  }
0xa2: {  	_ =	swait.ge [sflag:s23], $0x1  }
0xa3: {  	[sflag:s23] =	ssyncset.done $0x0  }
0xa4: {  	s25 =	simm.s32 $0x1B8E;
	s24 =	sld [smem:$0x3FFE];
	[sflag:s23] =	ssyncadd.s32 $0xFFFFFFFF  }
0xa5: {  	s26 =	simm.s32 $execute0_lowered;
	[smem:$0x3FD2] =	sst s25  }
0xa6: {  	s5 =	sshll.u32 s26, $0x1;
	_ =	strace $0x80000049;
	[dreg:$0x1] =	wrdreg $0xFFFFFFFF  }
0xa7: {  	s28 =	simm.s32 $_size_execute0_lowered;
	s3 =	sadd.s32 s3, s5;
	[dreg:$0x0] =	wrdreg $0x0  }
0xa8: {  	s5 =	sshll.u32 s28, $0x1;
	[dreg:$0x2] =	wrdreg s3  }
0xa9: {  	[dreg:$0x3] =	wrdreg s5  }
0xaa: {  	[dreg:$0x4] =	wrdreg $0xC0  }
0xab: {  	_ =	task [dreg:s7], $0x5FFFF  }
0xac: {  	[dreg:$0x1] =	wrdreg $0xFFFFFFFF  }
0xad: {  	[dreg:$0x0] =	wrdreg $0x60  }
0xae: {  	[dreg:$0x2] =	wrdreg s2  }
0xaf: {  	[dreg:$0x3] =	wrdreg s24  }
0xb0: {  	[dreg:$0x4] =	wrdreg $0x9  }
0xb1: {  	_ =	task.clear_ibuf [dreg:s7], $0x5FFFF;
	_ =	strace $0x90000049  }
0xb2: {  	s29 =	simm.s32 $0x9;
	_ =	strace $0x8000004B  }
0xb3: {  	_ =	swait.ge [sflag:s29], $0x1  }
0xb4: {  	[sflag:s29] =	ssyncadd.s32 $0xFFFFFFFF  }
0xb5: {  	_ =	strace $0x9000004B  }
0xb6: {  	_ =	sfence  }
0xb7: {  	s30 =	sld [smem:$0x0];
	_ =	sdelay $0x2  }
0xb8: {  	s31 =	sshll.u32 s1, $0xD;
	s1 =	sshrl.u32 s1, $0x2  }
0xb9: {  	s3 =	sand.u32 $0x4000, s31;
	s1 =	sadd.s32 s1, s30  }
0xba: {  	s0 =	sor.u32 s3, s0;
	s1 =	sshll.u32 s1, $0x11  }
0xbb: {  	s0 =	sor.u32 s1, s0  }
0xbc: {  	s0 =	sadd.s32 $0x8F2B, s0  }
0xbd: {  	[sflag:s0] =	ssyncadd.remote.s32 $0x1  }
0xbe: {  	_ =	sfence.sel $0xFFFF  }
0xbf: {  	[dreg:$0x0] =	wrdreg $0xFFFFFFFF;
	(pc) =	sbr.abs _section_cstart, $3  }
0xc0: {  	[dreg:$0x1] =	wrdreg $0xFFFFFFFF  }
0xc1: {  	_ =	task.clear_ibuf [dreg:s7], $0x2FFFF;
	_ =	strace $0x9FFFFFFF  }
0xc2: {  	(tm) =	ssettm $0x7FFFFFFF  }
0xc3: {  	_ =	shalt  }
tec
execute0_lowered:
.L_overlay_start_1:
0x0: {  	(tag) =	ssettag $0x1  }
0x1: {  	s2 =	rddreg [dreg:$0x0]  }
0x2: {  	s8 =	rddreg [dreg:$0x1]  }
0x3: {  	s0 =	rddreg [dreg:$0x2];
	s1 =	stileid.u32  }
0x4: {  	s3 =	srdreg.scid;
	_ =	strace $0x8000004A;
	s4 =	simm.s32 $0x1  }
0x5: {  	s7 =	simm.s32 $0x1;
	s9 =	simm.s32 $0x1;
	s10 =	simm.s32 $0x3  }
0x6: {  	s13 =	simm.s32 $0x0;
	s5 =	sand.u32 $0x1, s3;
	s6 =	sshll.u32 s1, $0x1  }
0x7: {  	s12 =	simm.s32 $0x0;
	s3 =	sadd.s32 $0xF800, s8;
	s5 =	sor.u32 s6, s5  }
.Ltmp0:
0x8: {  	[sflag:s4] =	ssyncpa.u1 $0x0;
	p0 =	slt.u32 s5, $0x9;
	(pc) =	sbr.rel .LBB2_1-.Ltmp0, $4  }
0x9: {  	s6 =	simm.s32 $0x2;
	s7 =	simm.s32 @!p0 $0x0;
	p0 =	sne.s32 s5, $0x8  }
0xa: {  	[sflag:s6] =	ssyncpa.u1 $0x0;
	s5 =	smul.u32 $0x1F40, s5;
	s9 =	simm.s32 @!p0 $0x0  }
0xb: {  	s8 =	sadd.s32 $0x23400, s8;
	[sflag:s10] =	ssyncpa.u1 $0x0;
	s7 =	sadd.s32 s9, s7  }
0xc: {  	vm0 =	vmmov $0xffff;
	s10 =	simm.s32 $0x0;
	s11 =	smov.u32 s5;
	s9 =	sadd.s32 $0x1, s7  }
.LBB2_4:
0xd: {  	v2 =	vnsel vm1, $0x0, v2  }
0xe: {  	vm1 =	vgt.s32 v0, $0x0;
	v2 =	vmin.u32 v2, $0x4E1FF  }
0xf: {  	v0 =	vnsel vm1, $0x0, v0  }
0x10: {  	v0 =	vmin.u32 v0, $0x4E1FF  }
0x11: {  	[tilespmem:s18], [sflag:$0x1] =	stream.indirect_vreg.gather [hbm4b:s2+s10], $0x1, v1, vm0, $0x4038;
	[tilespmem:$0x7D00] =	vst v63  }
0x12: {  	(ifvalue) =	ssetifvalue $0x7FFFFFFF  }
0x13: {  	[tilespmem:s15], [sflag:$0x1] =	stream.indirect_vreg.gather [hbm4b:s2+s10], $0x1, v2, vm0, $0x4038;
	[tilespmem:$0x7D00] =	vst v63  }
0x14: {  	s29 =	sadd.s32 $0x10, s15;
	(ifvalue) =	ssetifvalue $0x7FFFFFFF  }
0x15: {  	[tilespmem:s29], [sflag:$0x1] =	stream.indirect_vreg.gather [hbm4b:s2+s10], $0x1, v0, vm0, $0x4038;
	[tilespmem:$0x7D00] =	vst v63  }
0x16: {  	_ =	swait.ge [sflag:s4], $0x1F40  }
0x17: {  	s30 =	sshrl.u32 s13, $0x3;
	[sflag:s4] =	ssyncset.done $0x0  }
0x18: {  	s31 =	sand.u32 $0x7, s13;
	s15 =	sadd.s32 s8, s30;
	[sflag:s4] =	ssyncadd.s32 $0xFFFFE0C0  }
0x19: {  	[hbm4b:s15+s31] =	stream.linear.scatter [tilespmem:s14], [sflag:$0x3], $0x1F40, $0x38;
	[tilespmem:$0x7D00] =	vst v63  }
.LBB2_5:
0x1a: {  	s15 =	sadd.s32 $0x3E800, s11  }
0x1b: {  	p1 =	sgt.s32 s15, $0x4E1FF  }
0x1c: {  	s15 =	smov.u32 @p1 s5;
	p1 =	sne.s32 s12, s9  }
.Ltmp1:
0x1d: {  	p0 =	slt.u32 s12, $0x2;
	(pc) =	sbr.rel @!p1 .LBB2_6-.Ltmp1, $4  }
0x1e: {  	s14 =	simm.s32 @!p0 $0x3  }
0x1f: {  	_ =	swait.ge @!p0 [sflag:s14], $0x1F40  }
0x20: {  	s16 =	sadd.s32 $0x1, s12;
	s13 =	smov.u32 s11;
	[sflag:s14] =	ssyncset.done @!p0 $0x0  }
0x21: {  	s12 =	smov.u32 s16;
	s11 =	smov.u32 s15;
	[sflag:s14] =	ssyncadd.s32 @!p0 $0xFFFFE0C0  }
.LBB2_1:
0x22: {  	p0 =	sge.u32 s12, s7  }
0x23: {  	s14 =	sxor.u32 @!p0 $0x1, s12  }
0x24: {  	s14 =	smul.u32 @!p0 $0x7D00, s14  }
0x25: {  	s31 =	sadd.s32 $0xFFFFFFFF, s12;
	s15 =	sshrl.u32 @!p0 s11, $0x3  }
0x26: {  	s16 =	sand.u32 @!p0 $0x7, s11;
	s15 =	sadd.s32 @!p0 s3, s15;
	s14 =	sshra.s32 @!p0 s14, $0x2  }
0x27: {  	[tilespmem:s14], [sflag:$0x2] =	stream.linear.gather @!p0 [hbm4b:s15+s16], $0x1F40, $0x38;
	[tilespmem:$0x7D00] =	vst v63  }
0x28: {  	p0 =	sge.u32 s31, s7  }
.Ltmp2:
0x29: {  	_ = 	snop;
	(pc) =	sbr.rel @p0 .LBB2_5-.Ltmp2, $1  }
0x2a: {  	_ =	sdelay $0x3  }
0x2b: {  	s14 =	sand.u32 $0x1, s12  }
0x2c: {  	_ =	swait.ge [sflag:s6], $0x1F40;
	p0 =	seq.s32 s14, $0x1;
	s14 =	simm.s32 $0x1F40  }
0x2d: {  	[sflag:s6] =	ssyncset.done $0x0;
	s14 =	simm.s32 @!p0 $0x0  }
0x2e: {  	[sflag:s6] =	ssyncadd.s32 $0xFFFFE0C0;
	(ifvalue) =	ssetifvalue $0x7FFFFFFF;
	v0 =	vld.msk [tilespmem:s14+$0x0 ss:$0x1], $0xffff;
	_ =	sdelay $0x4  }
0x2f: {  	s15 =	sadd.s32 $0x10, s14;
	vm1 =	vgt.s32 v0, $0x0  }
0x30: {  	v2 =	vld.msk [tilespmem:s15+$0x0 ss:$0x1], $0xffff;
	v1 =	vnsel vm1, $0x0, v0  }
0x31: {  	v1 =	vmin.u32 v1, $0x4E1FF;
	_ =	sdelay $0x2  }
0x32: {  	s17 =	simm.s32 $0x20;
	s14 =	sadd.s32 $0x3E80, s14;
	s16 =	sadd.s32 $0x10, s15  }
0x33: {  	s15 =	sadd.s32 $0x10, s14;
	s18 =	smov.u32 s14;
	v0 =	vld.msk [tilespmem:s16+$0x0 ss:$0x1], $0xffff;
	vm1 =	vgt.s32 v2, $0x0;
	(ifvalue) =	ssetifvalue $0x7FFFFFFF  }
.LBB2_3:
0x34: {  	[tilespmem:s18], [sflag:$0x1] =	stream.indirect_vreg.gather [hbm4b:s2+s10], $0x1, v1, vm0, $0x4038;
	[tilespmem:$0x7D00] =	vst v63  }
0x35: {  	s17 =	sadd.s32 $0x10, s17  }
0x36: {  	v2 =	vnsel vm1, $0x0, v2;
	p0 =	slt.u32 s17, $0x1F30  }
.Ltmp3:
0x37: {  	s18 =	smov.u32 s15;
	v1 =	vmin.u32 v2, $0x4E1FF;
	(pc) =	sbr.rel @p0 .LBB2_3-.Ltmp3, $3  }
0x38: {  	_ =	sdelay $0x1  }
0x39: {  	s16 =	sadd.s32 $0x10, s16  }
0x3a: {  	vm1 =	vgt.s32 v0, $0x0;
	s15 =	sadd.s32 $0x10, s15;
	v2 =	vmov v0;
	(ifvalue) =	ssetifvalue $0x7FFFFFFF;
	v0 =	vld.msk [tilespmem:s16+$0x0 ss:$0x1], $0xffff  }
.Ltmp4:
0x3b: {  	_ = 	snop;
	(pc) =	sbr.rel .LBB2_4-.Ltmp4, $1  }
0x3c: {  	_ =	sdelay $0x3  }
.LBB2_6:
0x3d: {  	_ =	sfence.sel $0x180000  }
0x3e: {  	s2 =	simm.s32 $0x2;
	[bflag:$0x0] =	sbarrier.arrive $0xFFFF  }
0x3f: {  	s30 =	simm.s32 $0x3;
	[sflag:s2] =	ssyncpa.u1 $0x1  }
0x40: {  	s31 =	simm.s32 $0x1;
	[sflag:s30] =	ssyncpa.u1 $0x1  }
0x41: {  	[sflag:s31] =	ssyncpa.u1 $0x1  }
0x42: {  	p0 =	sne.s32 s1, $0x0;
	_ =	strace $0x9000004A  }
0x43: {  	s0 =	sadd.s32 @!p0 $0x100000, s0;
	[bflag:$0x2] =	sbarrier.arrive $0xFFFF  }
0x44: {  	[sflag:s0] =	ssyncadd.tile.s32 @!p0 $0x1;
	_ =	shalt  }
.Lfunc_end2:
_tile_overlayer_lowered:
.L_overlay_start_2:
0x45: {  	(tag) =	ssettag $0x2  }
0x46: {  	s0 =	rddreg [dreg:$0x0];
	s2 =	stileid.u32  }
0x47: {  	s1 =	rddreg [dreg:$0x1];
	p0 =	sne.s32 s2, $0x0  }
0x48: {  	s3 =	rddreg [dreg:$0x2];
	[bflag:$0x3] =	sbarrier.arrive $0xFFFF;
	s2 =	simm.s32 @!p0 $0x1C01  }
0x49: {  	[timem:s3], [sflag:s2] =	dma.local @!p0 [hbm:s0], s1  }
0x4a: {  	s0 =	simm.s32 @!p0 $0x1  }
0x4b: {  	_ =	swait.ge @!p0 [sflag:s0], s1  }
0x4c: {  	s1 =	ssub.s32 @!p0 $0x0, s1;
	[sflag:s0] =	ssyncset.done @!p0 $0x0  }
0x4d: {  	[sflag:s0] =	ssyncadd.s32 @!p0 s1  }
0x4e: {  	[bflag:$0x3] =	sbarrier.arrive $0xFFFF  }
0x4f: {  	_ =	shalt  }

// kernel: kernel.12.cloned.1.call-start
scs
__scs_entry_jumppad:
0x0: {  	(pc) =	sbr.rel $0x88, $3  }
0x1: {  	(tag) =	ssettag $0x0;
	lr =	simm.s32 $0x1  }
0x2: {  	[smem:$0x3F99] =	sst lr;
	_ =	strace $0xD0000000  }
0x3: {  	_ = 	snop  }
0x4: {  	_ = 	snop  }
0x5: {  	_ = 	snop  }
0x6: {  	_ = 	snop  }
0x7: {  	_ = 	snop  }
__scs_overlays_trampoline_lowered:
0x8: {  	[smem:$0x3FA8] =	sst s0  }
0x9: {  	[smem:$0x3FA9] =	sst s1  }
0xa: {  	[smem:$0x3FAA] =	sst s2  }
0xb: {  	[smem:$0x3FAB] =	sst s3  }
0xc: {  	[smem:$0x3FAC] =	sst s4  }
0xd: {  	[smem:$0x3FAD] =	sst s5  }
0xe: {  	[smem:$0x3FAE] =	sst s6  }
0xf: {  	[smem:$0x3FAF] =	sst s7  }
0x10: {  	[smem:$0x3FB0] =	sst s8  }
0x11: {  	[smem:$0x3FB1] =	sst s9;
	s0 =	simm.s32 @!p0 $0x0  }
0x12: {  	s1 =	sld [smem:$0x3F97];
	s0 =	simm.s32 @p0 $0x1  }
0x13: {  	[smem:$0x3FB2] =	sst s0;
	s0 =	simm.s32 @!p1 $0x0  }
0x14: {  	s2 =	sld [smem:$0x3F96];
	s0 =	simm.s32 @p1 $0x1  }
0x15: {  	[smem:$0x3FB3] =	sst s0;
	s0 =	simm.s32 @!p2 $0x0  }
0x16: {  	s3 =	sld [smem:$0x3FDB];
	s0 =	simm.s32 @p2 $0x1  }
0x17: {  	s4 =	simm.s32 $0x1BF5;
	[smem:$0x3FB5] =	sst s0  }
0x18: {  	s0 =	sld [smem:$0x3F98];
	_ =	swait.ge [sflag:s4], $0x0  }
0x19: {  	s7 =	sld [smem:$0x3F99]  }
0x1a: {  	s8 =	sadd.s32 $0xFFFFE003, lr  }
0x1b: {  	s9 =	sadd.s32 $0xFFFFFEF7, lr;
	s5 =	simm.s32 $0xFFFFFFFF;
	p2 =	slt.u32 s8, $0xFFFFF086  }
0x1c: {  	p1 =	slt.u32 s9, $0xF7A;
	s5 =	simm.s32 @!p2 $0x0  }
0x1d: {  	s5 =	simm.s32 @p1 $0x1;
	p0 =	seq.s32 s7, s2  }
0x1e: {  	s7 =	smul.u32 @!p0 $0xF7A, s2;
	p2 =	seq.s32 @!p0 s5, $0x0  }
0x1f: {  	s9 =	smul.u32 $0xF7A, s1;
	s8 =	simm.s32 @!p0 $0x1BF5;
	p2 =	por !p2, p0  }
0x20: {  	[sflag:s8] =	ssyncset.s32 @!p0 $0xFFFFF086;
	s6 =	sadd.s32 @!p0 s3, s7;
	s7 =	simm.s32 @!p0 $0x108  }
0x21: {  	s3 =	sadd.s32 s3, s9;
	s6 =	sadd.s32 @!p0 $0x88, s6;
	s7 =	simm.s32 @p2 $0x1082  }
0x22: {  	[simem:s7], [sflag:s8] =	dma.local @!p0 [hbm:s6], $0xF7A  }
0x23: {  	s9 =	sor.u32 $0xD0000000, s2;
	s6 =	simm.s32 $0x108;
	_ =	swait.ge @!p0 [sflag:s8], $0x0  }
0x24: {  	s3 =	sadd.s32 $0x88, s3;
	s6 =	simm.s32 @!p1 $0x1082;
	[sflag:s4] =	ssyncset.s32 $0xFFFFF086  }
0x25: {  	[simem:s6], [sflag:s4] =	dma.local [hbm:s3], $0xF7A  }
0x26: {  	[smem:$0x3F99] =	sst s1;
	(tag) =	ssettag s2;
	_ =	strace s9  }
0x27: {  	s1 =	sld [smem:$0x3FA9]  }
0x28: {  	s2 =	sld [smem:$0x3FAA]  }
0x29: {  	s4 =	sld [smem:$0x3FAC]  }
0x2a: {  	p0 =	seq.s32 s5, $0x0;
	s5 =	sld [smem:$0x3FAD]  }
0x2b: {  	s6 =	sld [smem:$0x3FAE]  }
0x2c: {  	s7 =	sld [smem:$0x3FAF]  }
0x2d: {  	s3 =	simm.s32 $0x108;
	s8 =	sld [smem:$0x3FB0]  }
0x2e: {  	s3 =	simm.s32 @!p0 $0x1082;
	s9 =	sld [smem:$0x3FB1]  }
0x2f: {  	lr =	sadd.s32 s0, s3;
	s0 =	sld [smem:$0x3FA8]  }
0x30: {  	s3 =	sld [smem:$0x3FAB]  }
0x31: {  	[smem:$0x3FB4] =	sst s10  }
0x32: {  	s10 =	sld [smem:$0x3FB2];
	_ =	sdelay $0x3  }
0x33: {  	p0 =	seq.s32 s10, $0x1;
	s10 =	sld [smem:$0x3FB4];
	_ =	sdelay $0x3  }
0x34: {  	[smem:$0x3FB4] =	sst s10  }
0x35: {  	s10 =	sld [smem:$0x3FB3];
	_ =	sdelay $0x3  }
0x36: {  	p1 =	seq.s32 s10, $0x1;
	s10 =	sld [smem:$0x3FB4];
	_ =	sdelay $0x3  }
0x37: {  	[smem:$0x3FB4] =	sst s10  }
0x38: {  	s10 =	sld [smem:$0x3FB5]  }
0x39: {  	_ = 	snop;
	(pc) =	sbr.ind lr, $3  }
0x3a: {  	_ = 	snop  }
0x3b: {  	_ = 	snop  }
0x3c: {  	p2 =	seq.s32 s10, $0x1;
	s10 =	sld [smem:$0x3FB4]  }
0x3d: {  	_ =	shalt  }
0x3e: {  	_ =	shalt  }
0x3f: {  	_ =	shalt  }
0x40: {  	_ =	shalt  }
0x41: {  	_ =	shalt  }
0x42: {  	_ =	shalt  }
0x43: {  	_ =	shalt  }
0x44: {  	_ =	shalt  }
0x45: {  	_ =	shalt  }
0x46: {  	_ =	shalt  }
0x47: {  	_ =	shalt  }
0x48: {  	_ =	shalt  }
0x49: {  	_ =	shalt  }
0x4a: {  	_ =	shalt  }
0x4b: {  	_ =	shalt  }
0x4c: {  	_ =	shalt  }
0x4d: {  	_ =	shalt  }
0x4e: {  	_ =	shalt  }
0x4f: {  	_ =	shalt  }
0x50: {  	_ =	shalt  }
0x51: {  	_ =	shalt  }
0x52: {  	_ =	shalt  }
0x53: {  	_ =	shalt  }
0x54: {  	_ =	shalt  }
0x55: {  	_ =	shalt  }
0x56: {  	_ =	shalt  }
0x57: {  	_ =	shalt  }
0x58: {  	_ =	shalt  }
0x59: {  	_ =	shalt  }
0x5a: {  	_ =	shalt  }
0x5b: {  	_ =	shalt  }
0x5c: {  	_ =	shalt  }
0x5d: {  	_ =	shalt  }
0x5e: {  	_ =	shalt  }
0x5f: {  	_ =	shalt  }
0x60: {  	_ =	shalt  }
0x61: {  	_ =	shalt  }
0x62: {  	_ =	shalt  }
0x63: {  	_ =	shalt  }
0x64: {  	_ =	shalt  }
0x65: {  	_ =	shalt  }
0x66: {  	_ =	shalt  }
0x67: {  	_ =	shalt  }
0x68: {  	_ =	shalt  }
0x69: {  	_ =	shalt  }
0x6a: {  	_ =	shalt  }
0x6b: {  	_ =	shalt  }
0x6c: {  	_ =	shalt  }
0x6d: {  	_ =	shalt  }
0x6e: {  	_ =	shalt  }
0x6f: {  	_ =	shalt  }
0x70: {  	_ =	shalt  }
0x71: {  	_ =	shalt  }
0x72: {  	_ =	shalt  }
0x73: {  	_ =	shalt  }
0x74: {  	_ =	shalt  }
0x75: {  	_ =	shalt  }
0x76: {  	_ =	shalt  }
0x77: {  	_ =	shalt  }
0x78: {  	_ =	shalt  }
0x79: {  	_ =	shalt  }
0x7a: {  	_ =	shalt  }
0x7b: {  	_ =	shalt  }
0x7c: {  	_ =	shalt  }
0x7d: {  	_ =	shalt  }
0x7e: {  	_ =	shalt  }
0x7f: {  	_ =	shalt  }
0x80: {  	_ =	shalt  }
0x81: {  	_ =	shalt  }
0x82: {  	_ =	shalt  }
0x83: {  	_ =	shalt  }
0x84: {  	_ =	shalt  }
0x85: {  	_ =	shalt  }
0x86: {  	_ =	shalt  }
0x87: {  	_ =	shalt  }
.Lfunc_end0:
.L_simem_size_0:
called_computation.2_lowered:
.L_overlay_start_0:
0x88: {  	s2 =	sld [smem:$0x3FD9]  }
0x89: {  	s3 =	sld [smem:$0x3FFE];
	_ =	sdelay $0x1  }
0x8a: {  	s1 =	srdreg.scid  }
0x8b: {  	s0 =	sand.u32 $0x1, s1  }
0x8c: {  	s17 =	sshll.u32 s0, $0xA;
	s2 =	sadd.s32 s3, s2  }
0x8d: {  	s2 =	sadd.s32 s2, s17  }
0x8e: {  	[smem:$0x3FC0] =	sst s2  }
0x8f: {  	_ = 	snop  }
0x90: {  	s2 =	sld [smem:$0x3FC9];
	(tm) =	ssettm $0x1  }
0x91: {  	s18 =	sld [smem:$0x3FFB];
	_ =	sdelay $0x3  }
0x92: {  	_ =	strace s18  }
0x93: {  	s3 =	sld [smem:$0x3FFC];
	_ =	sdelay $0x3  }
0x94: {  	_ =	strace s3  }
0x95: {  	s3 =	sld [smem:$0x3FFD];
	_ =	sdelay $0x3  }
0x96: {  	_ =	strace s3  }
0x97: {  	_ =	strace $0x8FFFFFFF  }
0x98: {  	s19 =	sld [smem:$0x3FDB];
	_ =	sdelay $0x1  }
0x99: {  	s4 =	simm.s32 $_scs_section_size  }
0x9a: {  	s5 =	simm.s32 $_size__tile_overlayer_lowered;
	s6 =	simm.s32 $_tile_overlayer_lowered  }
0x9b: {  	s22 =	simm.s32 $0x1BFF;
	s21 =	sshll.u32 s6, $0x1;
	s3 =	sadd.s32 s4, s19  }
0x9c: {  	s7 =	simm.s32 $0x0;
	s20 =	sshll.u32 s5, $0x1;
	s5 =	sadd.s32 s21, s3  }
0x9d: {  	[timem:s7], [sflag:s22] =	dma.local [hbm:s5], s20  }
0x9e: {  	_ =	swait.ge [sflag:s22], s20  }
0x9f: {  	s4 =	ssub.s32 $0x0, s20;
	[sflag:s22] =	ssyncset.done $0x0  }
0xa0: {  	[sflag:s22] =	ssyncadd.s32 s4;
	_ =	sdelay $0x1  }
0xa1: {  	s23 =	simm.s32 $0x1B8B  }
0xa2: {  	_ =	swait.ge [sflag:s23], $0x1  }
0xa3: {  	[sflag:s23] =	ssyncset.done $0x0  }
0xa4: {  	s25 =	simm.s32 $0x1B8E;
	s24 =	sld [smem:$0x3FFE];
	[sflag:s23] =	ssyncadd.s32 $0xFFFFFFFF  }
0xa5: {  	s26 =	simm.s32 $execute0_lowered;
	[smem:$0x3FD2] =	sst s25  }
0xa6: {  	s5 =	sshll.u32 s26, $0x1;
	_ =	strace $0x8000004C;
	[dreg:$0x1] =	wrdreg $0xFFFFFFFF  }
0xa7: {  	s28 =	simm.s32 $_size_execute0_lowered;
	s3 =	sadd.s32 s3, s5;
	[dreg:$0x0] =	wrdreg $0x0  }
0xa8: {  	s5 =	sshll.u32 s28, $0x1;
	[dreg:$0x2] =	wrdreg s3  }
0xa9: {  	[dreg:$0x3] =	wrdreg s5  }
0xaa: {  	[dreg:$0x4] =	wrdreg $0xC0  }
0xab: {  	_ =	task [dreg:s7], $0x5FFFF  }
0xac: {  	[dreg:$0x1] =	wrdreg $0xFFFFFFFF  }
0xad: {  	[dreg:$0x0] =	wrdreg $0x60  }
0xae: {  	[dreg:$0x2] =	wrdreg s2  }
0xaf: {  	[dreg:$0x3] =	wrdreg s24  }
0xb0: {  	[dreg:$0x4] =	wrdreg $0x41000  }
0xb1: {  	[dreg:$0x5] =	wrdreg $0x9  }
0xb2: {  	_ =	task.clear_ibuf [dreg:s7], $0x6FFFF;
	_ =	strace $0x9000004C  }
0xb3: {  	s29 =	simm.s32 $0x9;
	_ =	strace $0x8000004E  }
0xb4: {  	_ =	swait.ge [sflag:s29], $0x1  }
0xb5: {  	[sflag:s29] =	ssyncadd.s32 $0xFFFFFFFF  }
0xb6: {  	_ =	strace $0x9000004E  }
0xb7: {  	_ =	sfence  }
0xb8: {  	s30 =	sld [smem:$0x0];
	_ =	sdelay $0x2  }
0xb9: {  	s31 =	sshll.u32 s1, $0xD;
	s1 =	sshrl.u32 s1, $0x2  }
0xba: {  	s3 =	sand.u32 $0x4000, s31;
	s1 =	sadd.s32 s1, s30  }
0xbb: {  	s0 =	sor.u32 s3, s0;
	s1 =	sshll.u32 s1, $0x11  }
0xbc: {  	s0 =	sor.u32 s1, s0  }
0xbd: {  	s0 =	sadd.s32 $0x8F2B, s0  }
0xbe: {  	[sflag:s0] =	ssyncadd.remote.s32 $0x1  }
0xbf: {  	_ =	sfence.sel $0xFFFF  }
0xc0: {  	[dreg:$0x0] =	wrdreg $0xFFFFFFFF;
	(pc) =	sbr.abs _section_cstart, $3  }
0xc1: {  	[dreg:$0x1] =	wrdreg $0xFFFFFFFF  }
0xc2: {  	_ =	task.clear_ibuf [dreg:s7], $0x2FFFF;
	_ =	strace $0x9FFFFFFF  }
0xc3: {  	(tm) =	ssettm $0x7FFFFFFF  }
tec
execute0_lowered:
.L_overlay_start_1:
0x0: {  	(tag) =	ssettag $0x1  }
0x1: {  	s0 =	rddreg [dreg:$0x0]  }
0x2: {  	s5 =	rddreg [dreg:$0x1]  }
0x3: {  	s1 =	srdreg.scid;
	s2 =	stileid.u32  }
0x4: {  	s3 =	rddreg [dreg:$0x2];
	s4 =	simm.s32 $0x0;
	s8 =	smul.u32 $0x13C00, s2  }
0x5: {  	s13 =	simm.s32 $0x80;
	s14 =	simm.s32 $0x100;
	s26 =	smul.u32 $0x4F000, s2  }
0x6: {  	s15 =	simm.s32 $0x1;
	s6 =	sand.u32 $0x1, s1;
	s30 =	smul.u32 $0xA00, s2  }
0x7: {  	s16 =	simm.s32 $0x0;
	s1 =	rddreg [dreg:$0x3];
	s7 =	smul.u32 $0xA000, s6  }
0x8: {  	[smem:$0x7FF] =	sst s4;
	s31 =	sshll.u32 s2, $0x6;
	s9 =	smul.u32 $0x13C000, s6  }
0x9: {  	_ =	strace $0x8000004D;
	s6 =	ssub.s32 $0x2, s6;
	s25 =	sshrl.u32 s8, $0x3  }
0xa: {  	s28 =	sshrl.u32 s6, $0x1;
	s29 =	sshrl.u32 s26, $0x2;
	s10 =	sadd.s32 s7, s5  }
0xb: {  	s8 =	sadd.s32 s8, s9;
	s7 =	sadd.s32 s25, s5;
	s11 =	ssub.s32 s6, s28  }
0xc: {  	s12 =	sadd.s32 s29, s3;
	s6 =	sor.u32 $0x1C02, s31;
	s8 =	sshrl.u32 s8, $0x3  }
0xd: {  	s10 =	sadd.s32 s30, s10;
	s8 =	sadd.s32 s8, s5;
	s5 =	sadd.s32 $0x41200, s7  }
0xe: {  	s9 =	sadd.s32 $0x2D200, s10;
	s10 =	sadd.s32 $0xEC00, s10;
	s7 =	sadd.s32 $0x68A00, s8  }
0xf: {  	s8 =	smax.u32 s11, $0x1;
	s11 =	sshrl.u32 s12, $0x3;
	s12 =	simm.s32 $0x2  }
.LBB2_1:
0x10: {  	[spmem:s11], [sflag:s6] =	dma.local [hbm:s5], $0x2780  }
0x11: {  	_ =	swait.ge [sflag:s12], $0x2780  }
0x12: {  	[sflag:s12] =	ssyncset.done $0x0  }
0x13: {  	[sflag:s12] =	ssyncadd.s32 $0xFFFFD880  }
0x14: {  	s17 =	sadd.s32 $0x0, s10;
	[bflag:$0x0] =	sbarrier.arrive $0xFFFF  }
0x15: {  	[tilespmem:s4], [sflag:$0x2] =	stream.linear.gather [hbm4b:s17+s4], $0x80, $0x38;
	[tilespmem:$0x17D00] =	vst v63  }
0x16: {  	_ =	swait.ge [sflag:s12], $0x80  }
0x17: {  	[sflag:s12] =	ssyncset.done $0x0  }
0x18: {  	s31 =	sadd.s32 $0x0, s9;
	[sflag:s12] =	ssyncadd.s32 $0xFFFFFF80  }
0x19: {  	[tilespmem:s13], [sflag:$0x2] =	stream.linear.gather [hbm4b:s31+s4], $0x80, $0x38;
	[tilespmem:$0x17D00] =	vst v63  }
0x1a: {  	_ =	swait.ge [sflag:s12], $0x80  }
0x1b: {  	[sflag:s12] =	ssyncset.done $0x0  }
0x1c: {  	[sflag:s12] =	ssyncadd.s32 $0xFFFFFF80  }
0x1d: {  	[tilespmem:s14], [sflag:$0x1] =	stream.indirect.gather [hbm4b:s0+s13], $0x80, s4, s13, $0xb8;
	[tilespmem:$0x17D00] =	vst v63  }
0x1e: {  	_ =	swait.ge [sflag:s15], $0x4000  }
0x1f: {  	[sflag:s15] =	ssyncset.done $0x0  }
0x20: {  	[sflag:s15] =	ssyncadd.s32 $0xFFFFC000  }
0x21: {  	[spmem:s3] =	stream.indirect.scatter.add.f32 [tilespmem:s14], [sflag:$0x2], $0x80, s13, s13, $0xb8;
	[tilespmem:$0x17D00] =	vst v63  }
0x22: {  	_ =	swait.ge [sflag:s12], $0x4000  }
0x23: {  	s18 =	simm.s32 $0x20;
	s17 =	simm.s32 $0x10;
	[sflag:s12] =	ssyncset.done $0x0  }
.LBB2_2:
0x24: {  	s19 =	sadd.s32 s17, s10  }
0x25: {  	[sflag:s12] =	ssyncadd.s32 $0xFFFFC000;
	s20 =	smov.u32 s18;
	s21 =	sadd.s32 $0x10, s18  }
0x26: {  	[tilespmem:s4], [sflag:$0x2] =	stream.linear.gather [hbm4b:s19+s4], $0x80, $0x38;
	[tilespmem:$0x17D00] =	vst v63  }
0x27: {  	p0 =	sne.s32 s18, $0x9F0;
	_ =	swait.ge [sflag:s12], $0x80  }
0x28: {  	[sflag:s12] =	ssyncset.done $0x0  }
0x29: {  	s18 =	sadd.s32 s17, s9;
	s17 =	smov.u32 s20;
	[sflag:s12] =	ssyncadd.s32 $0xFFFFFF80  }
0x2a: {  	[tilespmem:s13], [sflag:$0x2] =	stream.linear.gather [hbm4b:s18+s4], $0x80, $0x38;
	[tilespmem:$0x17D00] =	vst v63  }
0x2b: {  	_ =	swait.ge [sflag:s12], $0x80  }
0x2c: {  	[sflag:s12] =	ssyncset.done $0x0  }
0x2d: {  	[sflag:s12] =	ssyncadd.s32 $0xFFFFFF80  }
0x2e: {  	[tilespmem:s14], [sflag:$0x1] =	stream.indirect.gather [hbm4b:s0+s13], $0x80, s4, s13, $0xb8;
	[tilespmem:$0x17D00] =	vst v63  }
0x2f: {  	_ =	swait.ge [sflag:s15], $0x4000  }
.Ltmp0:
0x30: {  	[sflag:s15] =	ssyncset.done $0x0;
	(pc) =	sbr.rel @p0 .LBB2_2-.Ltmp0, $4  }
0x31: {  	[sflag:s15] =	ssyncadd.s32 $0xFFFFC000  }
0x32: {  	[spmem:s3] =	stream.indirect.scatter.add.f32 [tilespmem:s14], [sflag:$0x2], $0x80, s13, s13, $0xb8;
	[tilespmem:$0x17D00] =	vst v63  }
0x33: {  	_ =	swait.ge [sflag:s12], $0x4000  }
0x34: {  	s18 =	smov.u32 s21;
	[sflag:s12] =	ssyncset.done $0x0  }
0x35: {  	s18 =	sadd.s32 s17, s10;
	[sflag:s12] =	ssyncadd.s32 $0xFFFFC000  }
0x36: {  	[tilespmem:s4], [sflag:$0x2] =	stream.linear.gather [hbm4b:s18+s4], $0x80, $0x38;
	[tilespmem:$0x17D00] =	vst v63  }
0x37: {  	_ =	swait.ge [sflag:s12], $0x80  }
0x38: {  	[sflag:s12] =	ssyncset.done $0x0  }
0x39: {  	s31 =	sadd.s32 s17, s9;
	[sflag:s12] =	ssyncadd.s32 $0xFFFFFF80  }
0x3a: {  	[tilespmem:s13], [sflag:$0x2] =	stream.linear.gather [hbm4b:s31+s4], $0x80, $0x38;
	[tilespmem:$0x17D00] =	vst v63  }
0x3b: {  	_ =	swait.ge [sflag:s12], $0x80  }
0x3c: {  	[sflag:s12] =	ssyncset.done $0x0  }
0x3d: {  	[sflag:s12] =	ssyncadd.s32 $0xFFFFFF80  }
0x3e: {  	[tilespmem:s14], [sflag:$0x1] =	stream.indirect.gather [hbm4b:s0+s13], $0x80, s4, s13, $0xb8;
	[tilespmem:$0x17D00] =	vst v63  }
0x3f: {  	_ =	swait.ge [sflag:s15], $0x4000  }
0x40: {  	[sflag:s15] =	ssyncset.done $0x0  }
0x41: {  	[sflag:s15] =	ssyncadd.s32 $0xFFFFC000  }
0x42: {  	[spmem:s3] =	stream.indirect.scatter.add.f32 [tilespmem:s14], [sflag:$0x2], $0x80, s13, s13, $0xb8;
	[tilespmem:$0x17D00] =	vst v63  }
0x43: {  	_ =	swait.ge [sflag:s12], $0x4000  }
0x44: {  	s16 =	sadd.s32 $0x1, s16;
	[sflag:s12] =	ssyncset.done $0x0  }
0x45: {  	p0 =	sne.s32 s16, s8;
	[sflag:s12] =	ssyncadd.s32 $0xFFFFC000  }
.Ltmp1:
0x46: {  	[bflag:$0x0] =	sbarrier.arrive $0xFFFF;
	(pc) =	sbr.rel @p0 .LBB2_1-.Ltmp1, $4  }
0x47: {  	[hbm:s7], [sflag:s6] =	dma.local [spmem:s11], $0x2780  }
0x48: {  	_ =	swait.ge [sflag:s12], $0x2780  }
0x49: {  	[sflag:s12] =	ssyncset.done $0x0  }
0x4a: {  	[sflag:s12] =	ssyncadd.s32 $0xFFFFD880  }
0x4b: {  	_ =	sfence.sel $0x180000  }
0x4c: {  	[bflag:$0x0] =	sbarrier.arrive $0xFFFF  }
0x4d: {  	p0 =	sne.s32 s2, $0x0;
	_ =	strace $0x9000004D  }
0x4e: {  	s0 =	sadd.s32 @!p0 $0x100000, s1;
	[bflag:$0x2] =	sbarrier.arrive $0xFFFF  }
0x4f: {  	[sflag:s0] =	ssyncadd.tile.s32 @!p0 $0x1;
	_ =	shalt  }
.Lfunc_end2:
_tile_overlayer_lowered:
.L_overlay_start_2:
0x50: {  	(tag) =	ssettag $0x2  }
0x51: {  	s0 =	rddreg [dreg:$0x0];
	s2 =	stileid.u32  }
0x52: {  	s1 =	rddreg [dreg:$0x1];
	p0 =	sne.s32 s2, $0x0  }
0x53: {  	s3 =	rddreg [dreg:$0x2];
	[bflag:$0x3] =	sbarrier.arrive $0xFFFF;
	s2 =	simm.s32 @!p0 $0x1C02  }
0x54: {  	[timem:s3], [sflag:s2] =	dma.local @!p0 [hbm:s0], s1  }
0x55: {  	s0 =	simm.s32 @!p0 $0x2  }
0x56: {  	_ =	swait.ge @!p0 [sflag:s0], s1  }
0x57: {  	s1 =	ssub.s32 @!p0 $0x0, s1;
	[sflag:s0] =	ssyncset.done @!p0 $0x0  }
0x58: {  	[sflag:s0] =	ssyncadd.s32 @!p0 s1  }
0x59: {  	[bflag:$0x3] =	sbarrier.arrive $0xFFFF  }
0x5a: {  	_ =	shalt  }

// kernel: kernel.15.cloned.1.call-start
scs
__scs_entry_jumppad:
0x0: {  	(pc) =	sbr.rel $0x88, $3  }
0x1: {  	(tag) =	ssettag $0x0;
	lr =	simm.s32 $0x1  }
0x2: {  	[smem:$0x3F99] =	sst lr;
	_ =	strace $0xD0000000  }
0x3: {  	_ = 	snop  }
0x4: {  	_ = 	snop  }
0x5: {  	_ = 	snop  }
0x6: {  	_ = 	snop  }
0x7: {  	_ = 	snop  }
__scs_overlays_trampoline_lowered:
0x8: {  	[smem:$0x3FA8] =	sst s0  }
0x9: {  	[smem:$0x3FA9] =	sst s1  }
0xa: {  	[smem:$0x3FAA] =	sst s2  }
0xb: {  	[smem:$0x3FAB] =	sst s3  }
0xc: {  	[smem:$0x3FAC] =	sst s4  }
0xd: {  	[smem:$0x3FAD] =	sst s5  }
0xe: {  	[smem:$0x3FAE] =	sst s6  }
0xf: {  	[smem:$0x3FAF] =	sst s7  }
0x10: {  	[smem:$0x3FB0] =	sst s8  }
0x11: {  	[smem:$0x3FB1] =	sst s9;
	s0 =	simm.s32 @!p0 $0x0  }
0x12: {  	s1 =	sld [smem:$0x3F97];
	s0 =	simm.s32 @p0 $0x1  }
0x13: {  	[smem:$0x3FB2] =	sst s0;
	s0 =	simm.s32 @!p1 $0x0  }
0x14: {  	s2 =	sld [smem:$0x3F96];
	s0 =	simm.s32 @p1 $0x1  }
0x15: {  	[smem:$0x3FB3] =	sst s0;
	s0 =	simm.s32 @!p2 $0x0  }
0x16: {  	s3 =	sld [smem:$0x3FDB];
	s0 =	simm.s32 @p2 $0x1  }
0x17: {  	s4 =	simm.s32 $0x1BF5;
	[smem:$0x3FB5] =	sst s0  }
0x18: {  	s0 =	sld [smem:$0x3F98];
	_ =	swait.ge [sflag:s4], $0x0  }
0x19: {  	s7 =	sld [smem:$0x3F99]  }
0x1a: {  	s8 =	sadd.s32 $0xFFFFE003, lr  }
0x1b: {  	s9 =	sadd.s32 $0xFFFFFEF7, lr;
	s5 =	simm.s32 $0xFFFFFFFF;
	p2 =	slt.u32 s8, $0xFFFFF086  }
0x1c: {  	p1 =	slt.u32 s9, $0xF7A;
	s5 =	simm.s32 @!p2 $0x0  }
0x1d: {  	s5 =	simm.s32 @p1 $0x1;
	p0 =	seq.s32 s7, s2  }
0x1e: {  	s7 =	smul.u32 @!p0 $0xF7A, s2;
	p2 =	seq.s32 @!p0 s5, $0x0  }
0x1f: {  	s9 =	smul.u32 $0xF7A, s1;
	s8 =	simm.s32 @!p0 $0x1BF5;
	p2 =	por !p2, p0  }
0x20: {  	[sflag:s8] =	ssyncset.s32 @!p0 $0xFFFFF086;
	s6 =	sadd.s32 @!p0 s3, s7;
	s7 =	simm.s32 @!p0 $0x108  }
0x21: {  	s3 =	sadd.s32 s3, s9;
	s6 =	sadd.s32 @!p0 $0x88, s6;
	s7 =	simm.s32 @p2 $0x1082  }
0x22: {  	[simem:s7], [sflag:s8] =	dma.local @!p0 [hbm:s6], $0xF7A  }
0x23: {  	s9 =	sor.u32 $0xD0000000, s2;
	s6 =	simm.s32 $0x108;
	_ =	swait.ge @!p0 [sflag:s8], $0x0  }
0x24: {  	s3 =	sadd.s32 $0x88, s3;
	s6 =	simm.s32 @!p1 $0x1082;
	[sflag:s4] =	ssyncset.s32 $0xFFFFF086  }
0x25: {  	[simem:s6], [sflag:s4] =	dma.local [hbm:s3], $0xF7A  }
0x26: {  	[smem:$0x3F99] =	sst s1;
	(tag) =	ssettag s2;
	_ =	strace s9  }
0x27: {  	s1 =	sld [smem:$0x3FA9]  }
0x28: {  	s2 =	sld [smem:$0x3FAA]  }
0x29: {  	s4 =	sld [smem:$0x3FAC]  }
0x2a: {  	p0 =	seq.s32 s5, $0x0;
	s5 =	sld [smem:$0x3FAD]  }
0x2b: {  	s6 =	sld [smem:$0x3FAE]  }
0x2c: {  	s7 =	sld [smem:$0x3FAF]  }
0x2d: {  	s3 =	simm.s32 $0x108;
	s8 =	sld [smem:$0x3FB0]  }
0x2e: {  	s3 =	simm.s32 @!p0 $0x1082;
	s9 =	sld [smem:$0x3FB1]  }
0x2f: {  	lr =	sadd.s32 s0, s3;
	s0 =	sld [smem:$0x3FA8]  }
0x30: {  	s3 =	sld [smem:$0x3FAB]  }
0x31: {  	[smem:$0x3FB4] =	sst s10  }
0x32: {  	s10 =	sld [smem:$0x3FB2];
	_ =	sdelay $0x3  }
0x33: {  	p0 =	seq.s32 s10, $0x1;
	s10 =	sld [smem:$0x3FB4];
	_ =	sdelay $0x3  }
0x34: {  	[smem:$0x3FB4] =	sst s10  }
0x35: {  	s10 =	sld [smem:$0x3FB3];
	_ =	sdelay $0x3  }
0x36: {  	p1 =	seq.s32 s10, $0x1;
	s10 =	sld [smem:$0x3FB4];
	_ =	sdelay $0x3  }
0x37: {  	[smem:$0x3FB4] =	sst s10  }
0x38: {  	s10 =	sld [smem:$0x3FB5]  }
0x39: {  	_ = 	snop;
	(pc) =	sbr.ind lr, $3  }
0x3a: {  	_ = 	snop  }
0x3b: {  	_ = 	snop  }
0x3c: {  	p2 =	seq.s32 s10, $0x1;
	s10 =	sld [smem:$0x3FB4]  }
0x3d: {  	_ =	shalt  }
0x3e: {  	_ =	shalt  }
0x3f: {  	_ =	shalt  }
0x40: {  	_ =	shalt  }
0x41: {  	_ =	shalt  }
0x42: {  	_ =	shalt  }
0x43: {  	_ =	shalt  }
0x44: {  	_ =	shalt  }
0x45: {  	_ =	shalt  }
0x46: {  	_ =	shalt  }
0x47: {  	_ =	shalt  }
0x48: {  	_ =	shalt  }
0x49: {  	_ =	shalt  }
0x4a: {  	_ =	shalt  }
0x4b: {  	_ =	shalt  }
0x4c: {  	_ =	shalt  }
0x4d: {  	_ =	shalt  }
0x4e: {  	_ =	shalt  }
0x4f: {  	_ =	shalt  }
0x50: {  	_ =	shalt  }
0x51: {  	_ =	shalt  }
0x52: {  	_ =	shalt  }
0x53: {  	_ =	shalt  }
0x54: {  	_ =	shalt  }
0x55: {  	_ =	shalt  }
0x56: {  	_ =	shalt  }
0x57: {  	_ =	shalt  }
0x58: {  	_ =	shalt  }
0x59: {  	_ =	shalt  }
0x5a: {  	_ =	shalt  }
0x5b: {  	_ =	shalt  }
0x5c: {  	_ =	shalt  }
0x5d: {  	_ =	shalt  }
0x5e: {  	_ =	shalt  }
0x5f: {  	_ =	shalt  }
0x60: {  	_ =	shalt  }
0x61: {  	_ =	shalt  }
0x62: {  	_ =	shalt  }
0x63: {  	_ =	shalt  }
0x64: {  	_ =	shalt  }
0x65: {  	_ =	shalt  }
0x66: {  	_ =	shalt  }
0x67: {  	_ =	shalt  }
0x68: {  	_ =	shalt  }
0x69: {  	_ =	shalt  }
0x6a: {  	_ =	shalt  }
0x6b: {  	_ =	shalt  }
0x6c: {  	_ =	shalt  }
0x6d: {  	_ =	shalt  }
0x6e: {  	_ =	shalt  }
0x6f: {  	_ =	shalt  }
0x70: {  	_ =	shalt  }
0x71: {  	_ =	shalt  }
0x72: {  	_ =	shalt  }
0x73: {  	_ =	shalt  }
0x74: {  	_ =	shalt  }
0x75: {  	_ =	shalt  }
0x76: {  	_ =	shalt  }
0x77: {  	_ =	shalt  }
0x78: {  	_ =	shalt  }
0x79: {  	_ =	shalt  }
0x7a: {  	_ =	shalt  }
0x7b: {  	_ =	shalt  }
0x7c: {  	_ =	shalt  }
0x7d: {  	_ =	shalt  }
0x7e: {  	_ =	shalt  }
0x7f: {  	_ =	shalt  }
0x80: {  	_ =	shalt  }
0x81: {  	_ =	shalt  }
0x82: {  	_ =	shalt  }
0x83: {  	_ =	shalt  }
0x84: {  	_ =	shalt  }
0x85: {  	_ =	shalt  }
0x86: {  	_ =	shalt  }
0x87: {  	_ =	shalt  }
.Lfunc_end0:
.L_simem_size_0:
called_computation.3_lowered:
.L_overlay_start_0:
0x88: {  	s2 =	sld [smem:$0x3FD9]  }
0x89: {  	s3 =	sld [smem:$0x3FFE];
	_ =	sdelay $0x1  }
0x8a: {  	s1 =	srdreg.scid  }
0x8b: {  	s0 =	sand.u32 $0x1, s1  }
0x8c: {  	s17 =	sshll.u32 s0, $0xA;
	s2 =	sadd.s32 s3, s2  }
0x8d: {  	s2 =	sadd.s32 s2, s17  }
0x8e: {  	[smem:$0x3FC0] =	sst s2  }
0x8f: {  	_ = 	snop  }
0x90: {  	s2 =	sld [smem:$0x3FD0];
	(tm) =	ssettm $0x1  }
0x91: {  	s18 =	sld [smem:$0x3FFB];
	_ =	sdelay $0x3  }
0x92: {  	_ =	strace s18  }
0x93: {  	s3 =	sld [smem:$0x3FFC];
	_ =	sdelay $0x3  }
0x94: {  	_ =	strace s3  }
0x95: {  	s3 =	sld [smem:$0x3FFD];
	_ =	sdelay $0x3  }
0x96: {  	_ =	strace s3  }
0x97: {  	_ =	strace $0x8FFFFFFF  }
0x98: {  	s19 =	sld [smem:$0x3FDB];
	_ =	sdelay $0x1  }
0x99: {  	s4 =	simm.s32 $_scs_section_size  }
0x9a: {  	s5 =	simm.s32 $_size__tile_overlayer_lowered;
	s6 =	simm.s32 $_tile_overlayer_lowered  }
0x9b: {  	s22 =	simm.s32 $0x1BFF;
	s21 =	sshll.u32 s6, $0x1;
	s3 =	sadd.s32 s4, s19  }
0x9c: {  	s7 =	simm.s32 $0x0;
	s20 =	sshll.u32 s5, $0x1;
	s5 =	sadd.s32 s21, s3  }
0x9d: {  	[timem:s7], [sflag:s22] =	dma.local [hbm:s5], s20  }
0x9e: {  	_ =	swait.ge [sflag:s22], s20  }
0x9f: {  	s4 =	ssub.s32 $0x0, s20;
	[sflag:s22] =	ssyncset.done $0x0  }
0xa0: {  	[sflag:s22] =	ssyncadd.s32 s4;
	_ =	sdelay $0x1  }
0xa1: {  	s23 =	simm.s32 $0x1B8B  }
0xa2: {  	_ =	swait.ge [sflag:s23], $0x1  }
0xa3: {  	[sflag:s23] =	ssyncset.done $0x0  }
0xa4: {  	s25 =	simm.s32 $0x1B8E;
	s24 =	sld [smem:$0x3FFE];
	[sflag:s23] =	ssyncadd.s32 $0xFFFFFFFF  }
0xa5: {  	s26 =	simm.s32 $execute0_lowered;
	[smem:$0x3FD2] =	sst s25  }
0xa6: {  	s5 =	sshll.u32 s26, $0x1;
	_ =	strace $0x8000004F;
	[dreg:$0x1] =	wrdreg $0xFFFFFFFF  }
0xa7: {  	s28 =	simm.s32 $_size_execute0_lowered;
	s3 =	sadd.s32 s3, s5;
	[dreg:$0x0] =	wrdreg $0x0  }
0xa8: {  	s5 =	sshll.u32 s28, $0x1;
	[dreg:$0x2] =	wrdreg s3  }
0xa9: {  	[dreg:$0x3] =	wrdreg s5  }
0xaa: {  	[dreg:$0x4] =	wrdreg $0xC0  }
0xab: {  	_ =	task [dreg:s7], $0x5FFFF  }
0xac: {  	[dreg:$0x1] =	wrdreg $0xFFFFFFFF  }
0xad: {  	[dreg:$0x0] =	wrdreg $0x60  }
0xae: {  	[dreg:$0x2] =	wrdreg s2  }
0xaf: {  	[dreg:$0x3] =	wrdreg s24  }
0xb0: {  	[dreg:$0x4] =	wrdreg $0x41000  }
0xb1: {  	[dreg:$0x5] =	wrdreg $0x9  }
0xb2: {  	_ =	task.clear_ibuf [dreg:s7], $0x6FFFF;
	_ =	strace $0x9000004F  }
0xb3: {  	s29 =	simm.s32 $0x9;
	_ =	strace $0x80000051  }
0xb4: {  	_ =	swait.ge [sflag:s29], $0x1  }
0xb5: {  	[sflag:s29] =	ssyncadd.s32 $0xFFFFFFFF  }
0xb6: {  	_ =	strace $0x90000051  }
0xb7: {  	_ =	sfence  }
0xb8: {  	s30 =	sld [smem:$0x0];
	_ =	sdelay $0x2  }
0xb9: {  	s31 =	sshll.u32 s1, $0xD;
	s1 =	sshrl.u32 s1, $0x2  }
0xba: {  	s3 =	sand.u32 $0x4000, s31;
	s1 =	sadd.s32 s1, s30  }
0xbb: {  	s0 =	sor.u32 s3, s0;
	s1 =	sshll.u32 s1, $0x11  }
0xbc: {  	s0 =	sor.u32 s1, s0  }
0xbd: {  	s0 =	sadd.s32 $0x8F2B, s0  }
0xbe: {  	[sflag:s0] =	ssyncadd.remote.s32 $0x1  }
0xbf: {  	_ =	sfence.sel $0xFFFF  }
0xc0: {  	[dreg:$0x0] =	wrdreg $0xFFFFFFFF;
	(pc) =	sbr.abs _section_cstart, $3  }
0xc1: {  	[dreg:$0x1] =	wrdreg $0xFFFFFFFF  }
0xc2: {  	_ =	task.clear_ibuf [dreg:s7], $0x2FFFF;
	_ =	strace $0x9FFFFFFF  }
0xc3: {  	(tm) =	ssettm $0x7FFFFFFF  }
tec
execute0_lowered:
.L_overlay_start_1:
0x0: {  	(tag) =	ssettag $0x1  }
0x1: {  	s0 =	rddreg [dreg:$0x0]  }
0x2: {  	s5 =	rddreg [dreg:$0x1]  }
0x3: {  	s1 =	srdreg.scid;
	s2 =	stileid.u32  }
0x4: {  	s3 =	rddreg [dreg:$0x2];
	s4 =	simm.s32 $0x0;
	s8 =	smul.u32 $0x13C00, s2  }
0x5: {  	s13 =	simm.s32 $0x80;
	s14 =	simm.s32 $0x100;
	s26 =	smul.u32 $0x4F000, s2  }
0x6: {  	s15 =	simm.s32 $0x1;
	s6 =	sand.u32 $0x1, s1;
	s30 =	smul.u32 $0xA00, s2  }
0x7: {  	s16 =	simm.s32 $0x0;
	s1 =	rddreg [dreg:$0x3];
	s7 =	smul.u32 $0xA000, s6  }
0x8: {  	[smem:$0x7FF] =	sst s4;
	s31 =	sshll.u32 s2, $0x6;
	s9 =	smul.u32 $0x13C000, s6  }
0x9: {  	_ =	strace $0x80000050;
	s6 =	ssub.s32 $0x2, s6;
	s25 =	sshrl.u32 s8, $0x3  }
0xa: {  	s28 =	sshrl.u32 s6, $0x1;
	s29 =	sshrl.u32 s26, $0x2;
	s10 =	sadd.s32 s7, s5  }
0xb: {  	s8 =	sadd.s32 s8, s9;
	s7 =	sadd.s32 s25, s5;
	s11 =	ssub.s32 s6, s28  }
0xc: {  	s12 =	sadd.s32 s29, s3;
	s6 =	sor.u32 $0x1C02, s31;
	s8 =	sshrl.u32 s8, $0x3  }
0xd: {  	s10 =	sadd.s32 s30, s10;
	s8 =	sadd.s32 s8, s5;
	s5 =	sadd.s32 $0x41200, s7  }
0xe: {  	s9 =	sadd.s32 $0x2D200, s10;
	s10 =	sadd.s32 $0xEC00, s10;
	s7 =	sadd.s32 $0x68A00, s8  }
0xf: {  	s8 =	smax.u32 s11, $0x1;
	s11 =	sshrl.u32 s12, $0x3;
	s12 =	simm.s32 $0x2  }
.LBB2_1:
0x10: {  	[spmem:s11], [sflag:s6] =	dma.local [hbm:s5], $0x2780  }
0x11: {  	_ =	swait.ge [sflag:s12], $0x2780  }
0x12: {  	[sflag:s12] =	ssyncset.done $0x0  }
0x13: {  	[sflag:s12] =	ssyncadd.s32 $0xFFFFD880  }
0x14: {  	s17 =	sadd.s32 $0x0, s10;
	[bflag:$0x0] =	sbarrier.arrive $0xFFFF  }
0x15: {  	[tilespmem:s4], [sflag:$0x2] =	stream.linear.gather [hbm4b:s17+s4], $0x80, $0x38;
	[tilespmem:$0x17D00] =	vst v63  }
0x16: {  	_ =	swait.ge [sflag:s12], $0x80  }
0x17: {  	[sflag:s12] =	ssyncset.done $0x0  }
0x18: {  	s31 =	sadd.s32 $0x0, s9;
	[sflag:s12] =	ssyncadd.s32 $0xFFFFFF80  }
0x19: {  	[tilespmem:s13], [sflag:$0x2] =	stream.linear.gather [hbm4b:s31+s4], $0x80, $0x38;
	[tilespmem:$0x17D00] =	vst v63  }
0x1a: {  	_ =	swait.ge [sflag:s12], $0x80  }
0x1b: {  	[sflag:s12] =	ssyncset.done $0x0  }
0x1c: {  	[sflag:s12] =	ssyncadd.s32 $0xFFFFFF80  }
0x1d: {  	[tilespmem:s14], [sflag:$0x1] =	stream.indirect.gather [hbm4b:s0+s13], $0x80, s4, s13, $0xb8;
	[tilespmem:$0x17D00] =	vst v63  }
0x1e: {  	_ =	swait.ge [sflag:s15], $0x4000  }
0x1f: {  	[sflag:s15] =	ssyncset.done $0x0  }
0x20: {  	[sflag:s15] =	ssyncadd.s32 $0xFFFFC000  }
0x21: {  	[spmem:s3] =	stream.indirect.scatter.add.f32 [tilespmem:s14], [sflag:$0x2], $0x80, s13, s13, $0xb8;
	[tilespmem:$0x17D00] =	vst v63  }
0x22: {  	_ =	swait.ge [sflag:s12], $0x4000  }
0x23: {  	s18 =	simm.s32 $0x20;
	s17 =	simm.s32 $0x10;
	[sflag:s12] =	ssyncset.done $0x0  }
.LBB2_2:
0x24: {  	s19 =	sadd.s32 s17, s10  }
0x25: {  	[sflag:s12] =	ssyncadd.s32 $0xFFFFC000;
	s20 =	smov.u32 s18;
	s21 =	sadd.s32 $0x10, s18  }
0x26: {  	[tilespmem:s4], [sflag:$0x2] =	stream.linear.gather [hbm4b:s19+s4], $0x80, $0x38;
	[tilespmem:$0x17D00] =	vst v63  }
0x27: {  	p0 =	sne.s32 s18, $0x9F0;
	_ =	swait.ge [sflag:s12], $0x80  }
0x28: {  	[sflag:s12] =	ssyncset.done $0x0  }
0x29: {  	s18 =	sadd.s32 s17, s9;
	s17 =	smov.u32 s20;
	[sflag:s12] =	ssyncadd.s32 $0xFFFFFF80  }
0x2a: {  	[tilespmem:s13], [sflag:$0x2] =	stream.linear.gather [hbm4b:s18+s4], $0x80, $0x38;
	[tilespmem:$0x17D00] =	vst v63  }
0x2b: {  	_ =	swait.ge [sflag:s12], $0x80  }
0x2c: {  	[sflag:s12] =	ssyncset.done $0x0  }
0x2d: {  	[sflag:s12] =	ssyncadd.s32 $0xFFFFFF80  }
0x2e: {  	[tilespmem:s14], [sflag:$0x1] =	stream.indirect.gather [hbm4b:s0+s13], $0x80, s4, s13, $0xb8;
	[tilespmem:$0x17D00] =	vst v63  }
0x2f: {  	_ =	swait.ge [sflag:s15], $0x4000  }
.Ltmp0:
0x30: {  	[sflag:s15] =	ssyncset.done $0x0;
	(pc) =	sbr.rel @p0 .LBB2_2-.Ltmp0, $4  }
0x31: {  	[sflag:s15] =	ssyncadd.s32 $0xFFFFC000  }
0x32: {  	[spmem:s3] =	stream.indirect.scatter.add.f32 [tilespmem:s14], [sflag:$0x2], $0x80, s13, s13, $0xb8;
	[tilespmem:$0x17D00] =	vst v63  }
0x33: {  	_ =	swait.ge [sflag:s12], $0x4000  }
0x34: {  	s18 =	smov.u32 s21;
	[sflag:s12] =	ssyncset.done $0x0  }
0x35: {  	s18 =	sadd.s32 s17, s10;
	[sflag:s12] =	ssyncadd.s32 $0xFFFFC000  }
0x36: {  	[tilespmem:s4], [sflag:$0x2] =	stream.linear.gather [hbm4b:s18+s4], $0x80, $0x38;
	[tilespmem:$0x17D00] =	vst v63  }
0x37: {  	_ =	swait.ge [sflag:s12], $0x80  }
0x38: {  	[sflag:s12] =	ssyncset.done $0x0  }
0x39: {  	s31 =	sadd.s32 s17, s9;
	[sflag:s12] =	ssyncadd.s32 $0xFFFFFF80  }
0x3a: {  	[tilespmem:s13], [sflag:$0x2] =	stream.linear.gather [hbm4b:s31+s4], $0x80, $0x38;
	[tilespmem:$0x17D00] =	vst v63  }
0x3b: {  	_ =	swait.ge [sflag:s12], $0x80  }
0x3c: {  	[sflag:s12] =	ssyncset.done $0x0  }
0x3d: {  	[sflag:s12] =	ssyncadd.s32 $0xFFFFFF80  }
0x3e: {  	[tilespmem:s14], [sflag:$0x1] =	stream.indirect.gather [hbm4b:s0+s13], $0x80, s4, s13, $0xb8;
	[tilespmem:$0x17D00] =	vst v63  }
0x3f: {  	_ =	swait.ge [sflag:s15], $0x4000  }
0x40: {  	[sflag:s15] =	ssyncset.done $0x0  }
0x41: {  	[sflag:s15] =	ssyncadd.s32 $0xFFFFC000  }
0x42: {  	[spmem:s3] =	stream.indirect.scatter.add.f32 [tilespmem:s14], [sflag:$0x2], $0x80, s13, s13, $0xb8;
	[tilespmem:$0x17D00] =	vst v63  }
0x43: {  	_ =	swait.ge [sflag:s12], $0x4000  }
0x44: {  	s16 =	sadd.s32 $0x1, s16;
	[sflag:s12] =	ssyncset.done $0x0  }
0x45: {  	p0 =	sne.s32 s16, s8;
	[sflag:s12] =	ssyncadd.s32 $0xFFFFC000  }
.Ltmp1:
0x46: {  	[bflag:$0x0] =	sbarrier.arrive $0xFFFF;
	(pc) =	sbr.rel @p0 .LBB2_1-.Ltmp1, $4  }
0x47: {  	[hbm:s7], [sflag:s6] =	dma.local [spmem:s11], $0x2780  }
0x48: {  	_ =	swait.ge [sflag:s12], $0x2780  }
0x49: {  	[sflag:s12] =	ssyncset.done $0x0  }
0x4a: {  	[sflag:s12] =	ssyncadd.s32 $0xFFFFD880  }
0x4b: {  	_ =	sfence.sel $0x180000  }
0x4c: {  	[bflag:$0x0] =	sbarrier.arrive $0xFFFF  }
0x4d: {  	p0 =	sne.s32 s2, $0x0;
	_ =	strace $0x90000050  }
0x4e: {  	s0 =	sadd.s32 @!p0 $0x100000, s1;
	[bflag:$0x2] =	sbarrier.arrive $0xFFFF  }
0x4f: {  	[sflag:s0] =	ssyncadd.tile.s32 @!p0 $0x1;
	_ =	shalt  }
.Lfunc_end2:
_tile_overlayer_lowered:
.L_overlay_start_2:
0x50: {  	(tag) =	ssettag $0x2  }
0x51: {  	s0 =	rddreg [dreg:$0x0];
	s2 =	stileid.u32  }
0x52: {  	s1 =	rddreg [dreg:$0x1];
	p0 =	sne.s32 s2, $0x0  }
0x53: {  	s3 =	rddreg [dreg:$0x2];
	[bflag:$0x3] =	sbarrier.arrive $0xFFFF;
	s2 =	simm.s32 @!p0 $0x1C02  }
0x54: {  	[timem:s3], [sflag:s2] =	dma.local @!p0 [hbm:s0], s1  }
0x55: {  	s0 =	simm.s32 @!p0 $0x2  }
0x56: {  	_ =	swait.ge @!p0 [sflag:s0], s1  }
0x57: {  	s1 =	ssub.s32 @!p0 $0x0, s1;
	[sflag:s0] =	ssyncset.done @!p0 $0x0  }
0x58: {  	[sflag:s0] =	ssyncadd.s32 @!p0 s1  }
0x59: {  	[bflag:$0x3] =	sbarrier.arrive $0xFFFF  }
0x5a: {  	_ =	shalt  }

// kernel: kernel.18.cloned.1.call-start
scs
__scs_entry_jumppad:
0x0: {  	(pc) =	sbr.rel $0x88, $3  }
0x1: {  	(tag) =	ssettag $0x0;
	lr =	simm.s32 $0x1  }
0x2: {  	[smem:$0x3F99] =	sst lr;
	_ =	strace $0xD0000000  }
0x3: {  	_ = 	snop  }
0x4: {  	_ = 	snop  }
0x5: {  	_ = 	snop  }
0x6: {  	_ = 	snop  }
0x7: {  	_ = 	snop  }
__scs_overlays_trampoline_lowered:
0x8: {  	[smem:$0x3FA8] =	sst s0  }
0x9: {  	[smem:$0x3FA9] =	sst s1  }
0xa: {  	[smem:$0x3FAA] =	sst s2  }
0xb: {  	[smem:$0x3FAB] =	sst s3  }
0xc: {  	[smem:$0x3FAC] =	sst s4  }
0xd: {  	[smem:$0x3FAD] =	sst s5  }
0xe: {  	[smem:$0x3FAE] =	sst s6  }
0xf: {  	[smem:$0x3FAF] =	sst s7  }
0x10: {  	[smem:$0x3FB0] =	sst s8  }
0x11: {  	[smem:$0x3FB1] =	sst s9;
	s0 =	simm.s32 @!p0 $0x0  }
0x12: {  	s1 =	sld [smem:$0x3F97];
	s0 =	simm.s32 @p0 $0x1  }
0x13: {  	[smem:$0x3FB2] =	sst s0;
	s0 =	simm.s32 @!p1 $0x0  }
0x14: {  	s2 =	sld [smem:$0x3F96];
	s0 =	simm.s32 @p1 $0x1  }
0x15: {  	[smem:$0x3FB3] =	sst s0;
	s0 =	simm.s32 @!p2 $0x0  }
0x16: {  	s3 =	sld [smem:$0x3FDB];
	s0 =	simm.s32 @p2 $0x1  }
0x17: {  	s4 =	simm.s32 $0x1BF5;
	[smem:$0x3FB5] =	sst s0  }
0x18: {  	s0 =	sld [smem:$0x3F98];
	_ =	swait.ge [sflag:s4], $0x0  }
0x19: {  	s7 =	sld [smem:$0x3F99]  }
0x1a: {  	s8 =	sadd.s32 $0xFFFFE003, lr  }
0x1b: {  	s9 =	sadd.s32 $0xFFFFFEF7, lr;
	s5 =	simm.s32 $0xFFFFFFFF;
	p2 =	slt.u32 s8, $0xFFFFF086  }
0x1c: {  	p1 =	slt.u32 s9, $0xF7A;
	s5 =	simm.s32 @!p2 $0x0  }
0x1d: {  	s5 =	simm.s32 @p1 $0x1;
	p0 =	seq.s32 s7, s2  }
0x1e: {  	s7 =	smul.u32 @!p0 $0xF7A, s2;
	p2 =	seq.s32 @!p0 s5, $0x0  }
0x1f: {  	s9 =	smul.u32 $0xF7A, s1;
	s8 =	simm.s32 @!p0 $0x1BF5;
	p2 =	por !p2, p0  }
0x20: {  	[sflag:s8] =	ssyncset.s32 @!p0 $0xFFFFF086;
	s6 =	sadd.s32 @!p0 s3, s7;
	s7 =	simm.s32 @!p0 $0x108  }
0x21: {  	s3 =	sadd.s32 s3, s9;
	s6 =	sadd.s32 @!p0 $0x88, s6;
	s7 =	simm.s32 @p2 $0x1082  }
0x22: {  	[simem:s7], [sflag:s8] =	dma.local @!p0 [hbm:s6], $0xF7A  }
0x23: {  	s9 =	sor.u32 $0xD0000000, s2;
	s6 =	simm.s32 $0x108;
	_ =	swait.ge @!p0 [sflag:s8], $0x0  }
0x24: {  	s3 =	sadd.s32 $0x88, s3;
	s6 =	simm.s32 @!p1 $0x1082;
	[sflag:s4] =	ssyncset.s32 $0xFFFFF086  }
0x25: {  	[simem:s6], [sflag:s4] =	dma.local [hbm:s3], $0xF7A  }
0x26: {  	[smem:$0x3F99] =	sst s1;
	(tag) =	ssettag s2;
	_ =	strace s9  }
0x27: {  	s1 =	sld [smem:$0x3FA9]  }
0x28: {  	s2 =	sld [smem:$0x3FAA]  }
0x29: {  	s4 =	sld [smem:$0x3FAC]  }
0x2a: {  	p0 =	seq.s32 s5, $0x0;
	s5 =	sld [smem:$0x3FAD]  }
0x2b: {  	s6 =	sld [smem:$0x3FAE]  }
0x2c: {  	s7 =	sld [smem:$0x3FAF]  }
0x2d: {  	s3 =	simm.s32 $0x108;
	s8 =	sld [smem:$0x3FB0]  }
0x2e: {  	s3 =	simm.s32 @!p0 $0x1082;
	s9 =	sld [smem:$0x3FB1]  }
0x2f: {  	lr =	sadd.s32 s0, s3;
	s0 =	sld [smem:$0x3FA8]  }
0x30: {  	s3 =	sld [smem:$0x3FAB]  }
0x31: {  	[smem:$0x3FB4] =	sst s10  }
0x32: {  	s10 =	sld [smem:$0x3FB2];
	_ =	sdelay $0x3  }
0x33: {  	p0 =	seq.s32 s10, $0x1;
	s10 =	sld [smem:$0x3FB4];
	_ =	sdelay $0x3  }
0x34: {  	[smem:$0x3FB4] =	sst s10  }
0x35: {  	s10 =	sld [smem:$0x3FB3];
	_ =	sdelay $0x3  }
0x36: {  	p1 =	seq.s32 s10, $0x1;
	s10 =	sld [smem:$0x3FB4];
	_ =	sdelay $0x3  }
0x37: {  	[smem:$0x3FB4] =	sst s10  }
0x38: {  	s10 =	sld [smem:$0x3FB5]  }
0x39: {  	_ = 	snop;
	(pc) =	sbr.ind lr, $3  }
0x3a: {  	_ = 	snop  }
0x3b: {  	_ = 	snop  }
0x3c: {  	p2 =	seq.s32 s10, $0x1;
	s10 =	sld [smem:$0x3FB4]  }
0x3d: {  	_ =	shalt  }
0x3e: {  	_ =	shalt  }
0x3f: {  	_ =	shalt  }
0x40: {  	_ =	shalt  }
0x41: {  	_ =	shalt  }
0x42: {  	_ =	shalt  }
0x43: {  	_ =	shalt  }
0x44: {  	_ =	shalt  }
0x45: {  	_ =	shalt  }
0x46: {  	_ =	shalt  }
0x47: {  	_ =	shalt  }
0x48: {  	_ =	shalt  }
0x49: {  	_ =	shalt  }
0x4a: {  	_ =	shalt  }
0x4b: {  	_ =	shalt  }
0x4c: {  	_ =	shalt  }
0x4d: {  	_ =	shalt  }
0x4e: {  	_ =	shalt  }
0x4f: {  	_ =	shalt  }
0x50: {  	_ =	shalt  }
0x51: {  	_ =	shalt  }
0x52: {  	_ =	shalt  }
0x53: {  	_ =	shalt  }
0x54: {  	_ =	shalt  }
0x55: {  	_ =	shalt  }
0x56: {  	_ =	shalt  }
0x57: {  	_ =	shalt  }
0x58: {  	_ =	shalt  }
0x59: {  	_ =	shalt  }
0x5a: {  	_ =	shalt  }
0x5b: {  	_ =	shalt  }
0x5c: {  	_ =	shalt  }
0x5d: {  	_ =	shalt  }
0x5e: {  	_ =	shalt  }
0x5f: {  	_ =	shalt  }
0x60: {  	_ =	shalt  }
0x61: {  	_ =	shalt  }
0x62: {  	_ =	shalt  }
0x63: {  	_ =	shalt  }
0x64: {  	_ =	shalt  }
0x65: {  	_ =	shalt  }
0x66: {  	_ =	shalt  }
0x67: {  	_ =	shalt  }
0x68: {  	_ =	shalt  }
0x69: {  	_ =	shalt  }
0x6a: {  	_ =	shalt  }
0x6b: {  	_ =	shalt  }
0x6c: {  	_ =	shalt  }
0x6d: {  	_ =	shalt  }
0x6e: {  	_ =	shalt  }
0x6f: {  	_ =	shalt  }
0x70: {  	_ =	shalt  }
0x71: {  	_ =	shalt  }
0x72: {  	_ =	shalt  }
0x73: {  	_ =	shalt  }
0x74: {  	_ =	shalt  }
0x75: {  	_ =	shalt  }
0x76: {  	_ =	shalt  }
0x77: {  	_ =	shalt  }
0x78: {  	_ =	shalt  }
0x79: {  	_ =	shalt  }
0x7a: {  	_ =	shalt  }
0x7b: {  	_ =	shalt  }
0x7c: {  	_ =	shalt  }
0x7d: {  	_ =	shalt  }
0x7e: {  	_ =	shalt  }
0x7f: {  	_ =	shalt  }
0x80: {  	_ =	shalt  }
0x81: {  	_ =	shalt  }
0x82: {  	_ =	shalt  }
0x83: {  	_ =	shalt  }
0x84: {  	_ =	shalt  }
0x85: {  	_ =	shalt  }
0x86: {  	_ =	shalt  }
0x87: {  	_ =	shalt  }
.Lfunc_end0:
.L_simem_size_0:
called_computation.4_lowered:
.L_overlay_start_0:
0x88: {  	s2 =	sld [smem:$0x3FD9]  }
0x89: {  	s3 =	sld [smem:$0x3FFE];
	_ =	sdelay $0x1  }
0x8a: {  	s1 =	srdreg.scid  }
0x8b: {  	s0 =	sand.u32 $0x1, s1  }
0x8c: {  	s17 =	sshll.u32 s0, $0xA;
	s2 =	sadd.s32 s3, s2  }
0x8d: {  	s2 =	sadd.s32 s2, s17  }
0x8e: {  	[smem:$0x3FC0] =	sst s2  }
0x8f: {  	_ = 	snop  }
0x90: {  	s2 =	sld [smem:$0x3FD0];
	(tm) =	ssettm $0x1  }
0x91: {  	s18 =	sld [smem:$0x3FFB];
	_ =	sdelay $0x3  }
0x92: {  	_ =	strace s18  }
0x93: {  	s3 =	sld [smem:$0x3FFC];
	_ =	sdelay $0x3  }
0x94: {  	_ =	strace s3  }
0x95: {  	s3 =	sld [smem:$0x3FFD];
	_ =	sdelay $0x3  }
0x96: {  	_ =	strace s3  }
0x97: {  	_ =	strace $0x8FFFFFFF  }
0x98: {  	s19 =	sld [smem:$0x3FDB];
	_ =	sdelay $0x1  }
0x99: {  	s4 =	simm.s32 $_scs_section_size  }
0x9a: {  	s5 =	simm.s32 $_size__tile_overlayer_lowered;
	s6 =	simm.s32 $_tile_overlayer_lowered  }
0x9b: {  	s22 =	simm.s32 $0x1BFF;
	s21 =	sshll.u32 s6, $0x1;
	s3 =	sadd.s32 s4, s19  }
0x9c: {  	s7 =	simm.s32 $0x0;
	s20 =	sshll.u32 s5, $0x1;
	s5 =	sadd.s32 s21, s3  }
0x9d: {  	[timem:s7], [sflag:s22] =	dma.local [hbm:s5], s20  }
0x9e: {  	_ =	swait.ge [sflag:s22], s20  }
0x9f: {  	s4 =	ssub.s32 $0x0, s20;
	[sflag:s22] =	ssyncset.done $0x0  }
0xa0: {  	[sflag:s22] =	ssyncadd.s32 s4;
	_ =	sdelay $0x1  }
0xa1: {  	s23 =	simm.s32 $0x1B8B  }
0xa2: {  	_ =	swait.ge [sflag:s23], $0x1  }
0xa3: {  	[sflag:s23] =	ssyncset.done $0x0  }
0xa4: {  	s25 =	simm.s32 $0x1B8E;
	s24 =	sld [smem:$0x3FFE];
	[sflag:s23] =	ssyncadd.s32 $0xFFFFFFFF  }
0xa5: {  	s26 =	simm.s32 $execute0_lowered;
	[smem:$0x3FD2] =	sst s25  }
0xa6: {  	s5 =	sshll.u32 s26, $0x1;
	_ =	strace $0x80000052;
	[dreg:$0x1] =	wrdreg $0xFFFFFFFF  }
0xa7: {  	s28 =	simm.s32 $_size_execute0_lowered;
	s3 =	sadd.s32 s3, s5;
	[dreg:$0x0] =	wrdreg $0x0  }
0xa8: {  	s5 =	sshll.u32 s28, $0x1;
	[dreg:$0x2] =	wrdreg s3  }
0xa9: {  	[dreg:$0x3] =	wrdreg s5  }
0xaa: {  	[dreg:$0x4] =	wrdreg $0xC0  }
0xab: {  	_ =	task [dreg:s7], $0x5FFFF  }
0xac: {  	[dreg:$0x1] =	wrdreg $0xFFFFFFFF  }
0xad: {  	[dreg:$0x0] =	wrdreg $0x60  }
0xae: {  	[dreg:$0x2] =	wrdreg s2  }
0xaf: {  	[dreg:$0x3] =	wrdreg s24  }
0xb0: {  	[dreg:$0x4] =	wrdreg $0x41000  }
0xb1: {  	[dreg:$0x5] =	wrdreg $0x9  }
0xb2: {  	_ =	task.clear_ibuf [dreg:s7], $0x6FFFF;
	_ =	strace $0x90000052  }
0xb3: {  	s29 =	simm.s32 $0x9;
	_ =	strace $0x80000054  }
0xb4: {  	_ =	swait.ge [sflag:s29], $0x1  }
0xb5: {  	[sflag:s29] =	ssyncadd.s32 $0xFFFFFFFF  }
0xb6: {  	_ =	strace $0x90000054  }
0xb7: {  	_ =	sfence  }
0xb8: {  	s30 =	sld [smem:$0x0];
	_ =	sdelay $0x2  }
0xb9: {  	s31 =	sshll.u32 s1, $0xD;
	s1 =	sshrl.u32 s1, $0x2  }
0xba: {  	s3 =	sand.u32 $0x4000, s31;
	s1 =	sadd.s32 s1, s30  }
0xbb: {  	s0 =	sor.u32 s3, s0;
	s1 =	sshll.u32 s1, $0x11  }
0xbc: {  	s0 =	sor.u32 s1, s0  }
0xbd: {  	s0 =	sadd.s32 $0x8F2B, s0  }
0xbe: {  	[sflag:s0] =	ssyncadd.remote.s32 $0x1  }
0xbf: {  	_ =	sfence.sel $0xFFFF  }
0xc0: {  	[dreg:$0x0] =	wrdreg $0xFFFFFFFF;
	(pc) =	sbr.abs _section_cstart, $3  }
0xc1: {  	[dreg:$0x1] =	wrdreg $0xFFFFFFFF  }
0xc2: {  	_ =	task.clear_ibuf [dreg:s7], $0x2FFFF;
	_ =	strace $0x9FFFFFFF  }
0xc3: {  	(tm) =	ssettm $0x7FFFFFFF  }
tec
execute0_lowered:
.L_overlay_start_1:
0x0: {  	(tag) =	ssettag $0x1  }
0x1: {  	s0 =	rddreg [dreg:$0x0]  }
0x2: {  	s5 =	rddreg [dreg:$0x1]  }
0x3: {  	s1 =	srdreg.scid;
	s2 =	stileid.u32  }
0x4: {  	s3 =	rddreg [dreg:$0x2];
	s4 =	simm.s32 $0x0;
	s8 =	smul.u32 $0x13C00, s2  }
0x5: {  	s13 =	simm.s32 $0x80;
	s14 =	simm.s32 $0x100;
	s26 =	smul.u32 $0x4F000, s2  }
0x6: {  	s15 =	simm.s32 $0x1;
	s6 =	sand.u32 $0x1, s1;
	s30 =	smul.u32 $0xA00, s2  }
0x7: {  	s16 =	simm.s32 $0x0;
	s1 =	rddreg [dreg:$0x3];
	s7 =	smul.u32 $0xA000, s6  }
0x8: {  	[smem:$0x7FF] =	sst s4;
	s31 =	sshll.u32 s2, $0x6;
	s9 =	smul.u32 $0x13C000, s6  }
0x9: {  	_ =	strace $0x80000053;
	s6 =	ssub.s32 $0x2, s6;
	s25 =	sshrl.u32 s8, $0x3  }
0xa: {  	s28 =	sshrl.u32 s6, $0x1;
	s29 =	sshrl.u32 s26, $0x2;
	s10 =	sadd.s32 s7, s5  }
0xb: {  	s8 =	sadd.s32 s8, s9;
	s7 =	sadd.s32 s25, s5;
	s11 =	ssub.s32 s6, s28  }
0xc: {  	s12 =	sadd.s32 s29, s3;
	s6 =	sor.u32 $0x1C02, s31;
	s8 =	sshrl.u32 s8, $0x3  }
0xd: {  	s10 =	sadd.s32 s30, s10;
	s8 =	sadd.s32 s8, s5;
	s5 =	sadd.s32 $0x41200, s7  }
0xe: {  	s9 =	sadd.s32 $0x2D200, s10;
	s10 =	sadd.s32 $0xEC00, s10;
	s7 =	sadd.s32 $0x68A00, s8  }
0xf: {  	s8 =	smax.u32 s11, $0x1;
	s11 =	sshrl.u32 s12, $0x3;
	s12 =	simm.s32 $0x2  }
.LBB2_1:
0x10: {  	[spmem:s11], [sflag:s6] =	dma.local [hbm:s5], $0x2780  }
0x11: {  	_ =	swait.ge [sflag:s12], $0x2780  }
0x12: {  	[sflag:s12] =	ssyncset.done $0x0  }
0x13: {  	[sflag:s12] =	ssyncadd.s32 $0xFFFFD880  }
0x14: {  	s17 =	sadd.s32 $0x0, s10;
	[bflag:$0x0] =	sbarrier.arrive $0xFFFF  }
0x15: {  	[tilespmem:s4], [sflag:$0x2] =	stream.linear.gather [hbm4b:s17+s4], $0x80, $0x38;
	[tilespmem:$0x17D00] =	vst v63  }
0x16: {  	_ =	swait.ge [sflag:s12], $0x80  }
0x17: {  	[sflag:s12] =	ssyncset.done $0x0  }
0x18: {  	s31 =	sadd.s32 $0x0, s9;
	[sflag:s12] =	ssyncadd.s32 $0xFFFFFF80  }
0x19: {  	[tilespmem:s13], [sflag:$0x2] =	stream.linear.gather [hbm4b:s31+s4], $0x80, $0x38;
	[tilespmem:$0x17D00] =	vst v63  }
0x1a: {  	_ =	swait.ge [sflag:s12], $0x80  }
0x1b: {  	[sflag:s12] =	ssyncset.done $0x0  }
0x1c: {  	[sflag:s12] =	ssyncadd.s32 $0xFFFFFF80  }
0x1d: {  	[tilespmem:s14], [sflag:$0x1] =	stream.indirect.gather [hbm4b:s0+s13], $0x80, s4, s13, $0xb8;
	[tilespmem:$0x17D00] =	vst v63  }
0x1e: {  	_ =	swait.ge [sflag:s15], $0x4000  }
0x1f: {  	[sflag:s15] =	ssyncset.done $0x0  }
0x20: {  	[sflag:s15] =	ssyncadd.s32 $0xFFFFC000  }
0x21: {  	[spmem:s3] =	stream.indirect.scatter.add.f32 [tilespmem:s14], [sflag:$0x2], $0x80, s13, s13, $0xb8;
	[tilespmem:$0x17D00] =	vst v63  }
0x22: {  	_ =	swait.ge [sflag:s12], $0x4000  }
0x23: {  	s18 =	simm.s32 $0x20;
	s17 =	simm.s32 $0x10;
	[sflag:s12] =	ssyncset.done $0x0  }
.LBB2_2:
0x24: {  	s19 =	sadd.s32 s17, s10  }
0x25: {  	[sflag:s12] =	ssyncadd.s32 $0xFFFFC000;
	s20 =	smov.u32 s18;
	s21 =	sadd.s32 $0x10, s18  }
0x26: {  	[tilespmem:s4], [sflag:$0x2] =	stream.linear.gather [hbm4b:s19+s4], $0x80, $0x38;
	[tilespmem:$0x17D00] =	vst v63  }
0x27: {  	p0 =	sne.s32 s18, $0x9F0;
	_ =	swait.ge [sflag:s12], $0x80  }
0x28: {  	[sflag:s12] =	ssyncset.done $0x0  }
0x29: {  	s18 =	sadd.s32 s17, s9;
	s17 =	smov.u32 s20;
	[sflag:s12] =	ssyncadd.s32 $0xFFFFFF80  }
0x2a: {  	[tilespmem:s13], [sflag:$0x2] =	stream.linear.gather [hbm4b:s18+s4], $0x80, $0x38;
	[tilespmem:$0x17D00] =	vst v63  }
0x2b: {  	_ =	swait.ge [sflag:s12], $0x80  }
0x2c: {  	[sflag:s12] =	ssyncset.done $0x0  }
0x2d: {  	[sflag:s12] =	ssyncadd.s32 $0xFFFFFF80  }
0x2e: {  	[tilespmem:s14], [sflag:$0x1] =	stream.indirect.gather [hbm4b:s0+s13], $0x80, s4, s13, $0xb8;
	[tilespmem:$0x17D00] =	vst v63  }
0x2f: {  	_ =	swait.ge [sflag:s15], $0x4000  }
.Ltmp0:
0x30: {  	[sflag:s15] =	ssyncset.done $0x0;
	(pc) =	sbr.rel @p0 .LBB2_2-.Ltmp0, $4  }
0x31: {  	[sflag:s15] =	ssyncadd.s32 $0xFFFFC000  }
0x32: {  	[spmem:s3] =	stream.indirect.scatter.add.f32 [tilespmem:s14], [sflag:$0x2], $0x80, s13, s13, $0xb8;
	[tilespmem:$0x17D00] =	vst v63  }
0x33: {  	_ =	swait.ge [sflag:s12], $0x4000  }
0x34: {  	s18 =	smov.u32 s21;
	[sflag:s12] =	ssyncset.done $0x0  }
0x35: {  	s18 =	sadd.s32 s17, s10;
	[sflag:s12] =	ssyncadd.s32 $0xFFFFC000  }
0x36: {  	[tilespmem:s4], [sflag:$0x2] =	stream.linear.gather [hbm4b:s18+s4], $0x80, $0x38;
	[tilespmem:$0x17D00] =	vst v63  }
0x37: {  	_ =	swait.ge [sflag:s12], $0x80  }
0x38: {  	[sflag:s12] =	ssyncset.done $0x0  }
0x39: {  	s31 =	sadd.s32 s17, s9;
	[sflag:s12] =	ssyncadd.s32 $0xFFFFFF80  }
0x3a: {  	[tilespmem:s13], [sflag:$0x2] =	stream.linear.gather [hbm4b:s31+s4], $0x80, $0x38;
	[tilespmem:$0x17D00] =	vst v63  }
0x3b: {  	_ =	swait.ge [sflag:s12], $0x80  }
0x3c: {  	[sflag:s12] =	ssyncset.done $0x0  }
0x3d: {  	[sflag:s12] =	ssyncadd.s32 $0xFFFFFF80  }
0x3e: {  	[tilespmem:s14], [sflag:$0x1] =	stream.indirect.gather [hbm4b:s0+s13], $0x80, s4, s13, $0xb8;
	[tilespmem:$0x17D00] =	vst v63  }
0x3f: {  	_ =	swait.ge [sflag:s15], $0x4000  }
0x40: {  	[sflag:s15] =	ssyncset.done $0x0  }
0x41: {  	[sflag:s15] =	ssyncadd.s32 $0xFFFFC000  }
0x42: {  	[spmem:s3] =	stream.indirect.scatter.add.f32 [tilespmem:s14], [sflag:$0x2], $0x80, s13, s13, $0xb8;
	[tilespmem:$0x17D00] =	vst v63  }
0x43: {  	_ =	swait.ge [sflag:s12], $0x4000  }
0x44: {  	s16 =	sadd.s32 $0x1, s16;
	[sflag:s12] =	ssyncset.done $0x0  }
0x45: {  	p0 =	sne.s32 s16, s8;
	[sflag:s12] =	ssyncadd.s32 $0xFFFFC000  }
.Ltmp1:
0x46: {  	[bflag:$0x0] =	sbarrier.arrive $0xFFFF;
	(pc) =	sbr.rel @p0 .LBB2_1-.Ltmp1, $4  }
0x47: {  	[hbm:s7], [sflag:s6] =	dma.local [spmem:s11], $0x2780  }
0x48: {  	_ =	swait.ge [sflag:s12], $0x2780  }
0x49: {  	[sflag:s12] =	ssyncset.done $0x0  }
0x4a: {  	[sflag:s12] =	ssyncadd.s32 $0xFFFFD880  }
0x4b: {  	_ =	sfence.sel $0x180000  }
0x4c: {  	[bflag:$0x0] =	sbarrier.arrive $0xFFFF  }
0x4d: {  	p0 =	sne.s32 s2, $0x0;
	_ =	strace $0x90000053  }
0x4e: {  	s0 =	sadd.s32 @!p0 $0x100000, s1;
	[bflag:$0x2] =	sbarrier.arrive $0xFFFF  }
0x4f: {  	[sflag:s0] =	ssyncadd.tile.s32 @!p0 $0x1;
	_ =	shalt  }
.Lfunc_end2:
_tile_overlayer_lowered:
.L_overlay_start_2:
0x50: {  	(tag) =	ssettag $0x2  }
0x51: {  	s0 =	rddreg [dreg:$0x0];
	s2 =	stileid.u32  }
0x52: {  	s1 =	rddreg [dreg:$0x1];
	p0 =	sne.s32 s2, $0x0  }
0x53: {  	s3 =	rddreg [dreg:$0x2];
	[bflag:$0x3] =	sbarrier.arrive $0xFFFF;
	s2 =	simm.s32 @!p0 $0x1C02  }
0x54: {  	[timem:s3], [sflag:s2] =	dma.local @!p0 [hbm:s0], s1  }
0x55: {  	s0 =	simm.s32 @!p0 $0x2  }
0x56: {  	_ =	swait.ge @!p0 [sflag:s0], s1  }
0x57: {  	s1 =	ssub.s32 @!p0 $0x0, s1;
	[sflag:s0] =	ssyncset.done @!p0 $0x0  }
0x58: {  	[sflag:s0] =	ssyncadd.s32 @!p0 s1  }
0x59: {  	[bflag:$0x3] =	sbarrier.arrive $0xFFFF  }
0x5a: {  	_ =	shalt  }

// kernel: kernel.21.cloned.1.call-start
scs
__scs_entry_jumppad:
0x0: {  	(pc) =	sbr.rel $0x88, $3  }
0x1: {  	(tag) =	ssettag $0x0;
	lr =	simm.s32 $0x1  }
0x2: {  	[smem:$0x3F99] =	sst lr;
	_ =	strace $0xD0000000  }
0x3: {  	_ = 	snop  }
0x4: {  	_ = 	snop  }
0x5: {  	_ = 	snop  }
0x6: {  	_ = 	snop  }
0x7: {  	_ = 	snop  }
__scs_overlays_trampoline_lowered:
0x8: {  	[smem:$0x3FA8] =	sst s0  }
0x9: {  	[smem:$0x3FA9] =	sst s1  }
0xa: {  	[smem:$0x3FAA] =	sst s2  }
0xb: {  	[smem:$0x3FAB] =	sst s3  }
0xc: {  	[smem:$0x3FAC] =	sst s4  }
0xd: {  	[smem:$0x3FAD] =	sst s5  }
0xe: {  	[smem:$0x3FAE] =	sst s6  }
0xf: {  	[smem:$0x3FAF] =	sst s7  }
0x10: {  	[smem:$0x3FB0] =	sst s8  }
0x11: {  	[smem:$0x3FB1] =	sst s9;
	s0 =	simm.s32 @!p0 $0x0  }
0x12: {  	s1 =	sld [smem:$0x3F97];
	s0 =	simm.s32 @p0 $0x1  }
0x13: {  	[smem:$0x3FB2] =	sst s0;
	s0 =	simm.s32 @!p1 $0x0  }
0x14: {  	s2 =	sld [smem:$0x3F96];
	s0 =	simm.s32 @p1 $0x1  }
0x15: {  	[smem:$0x3FB3] =	sst s0;
	s0 =	simm.s32 @!p2 $0x0  }
0x16: {  	s3 =	sld [smem:$0x3FDB];
	s0 =	simm.s32 @p2 $0x1  }
0x17: {  	s4 =	simm.s32 $0x1BF5;
	[smem:$0x3FB5] =	sst s0  }
0x18: {  	s0 =	sld [smem:$0x3F98];
	_ =	swait.ge [sflag:s4], $0x0  }
0x19: {  	s7 =	sld [smem:$0x3F99]  }
0x1a: {  	s8 =	sadd.s32 $0xFFFFE003, lr  }
0x1b: {  	s9 =	sadd.s32 $0xFFFFFEF7, lr;
	s5 =	simm.s32 $0xFFFFFFFF;
	p2 =	slt.u32 s8, $0xFFFFF086  }
0x1c: {  	p1 =	slt.u32 s9, $0xF7A;
	s5 =	simm.s32 @!p2 $0x0  }
0x1d: {  	s5 =	simm.s32 @p1 $0x1;
	p0 =	seq.s32 s7, s2  }
0x1e: {  	s7 =	smul.u32 @!p0 $0xF7A, s2;
	p2 =	seq.s32 @!p0 s5, $0x0  }
0x1f: {  	s9 =	smul.u32 $0xF7A, s1;
	s8 =	simm.s32 @!p0 $0x1BF5;
	p2 =	por !p2, p0  }
0x20: {  	[sflag:s8] =	ssyncset.s32 @!p0 $0xFFFFF086;
	s6 =	sadd.s32 @!p0 s3, s7;
	s7 =	simm.s32 @!p0 $0x108  }
0x21: {  	s3 =	sadd.s32 s3, s9;
	s6 =	sadd.s32 @!p0 $0x88, s6;
	s7 =	simm.s32 @p2 $0x1082  }
0x22: {  	[simem:s7], [sflag:s8] =	dma.local @!p0 [hbm:s6], $0xF7A  }
0x23: {  	s9 =	sor.u32 $0xD0000000, s2;
	s6 =	simm.s32 $0x108;
	_ =	swait.ge @!p0 [sflag:s8], $0x0  }
0x24: {  	s3 =	sadd.s32 $0x88, s3;
	s6 =	simm.s32 @!p1 $0x1082;
	[sflag:s4] =	ssyncset.s32 $0xFFFFF086  }
0x25: {  	[simem:s6], [sflag:s4] =	dma.local [hbm:s3], $0xF7A  }
0x26: {  	[smem:$0x3F99] =	sst s1;
	(tag) =	ssettag s2;
	_ =	strace s9  }
0x27: {  	s1 =	sld [smem:$0x3FA9]  }
0x28: {  	s2 =	sld [smem:$0x3FAA]  }
0x29: {  	s4 =	sld [smem:$0x3FAC]  }
0x2a: {  	p0 =	seq.s32 s5, $0x0;
	s5 =	sld [smem:$0x3FAD]  }
0x2b: {  	s6 =	sld [smem:$0x3FAE]  }
0x2c: {  	s7 =	sld [smem:$0x3FAF]  }
0x2d: {  	s3 =	simm.s32 $0x108;
	s8 =	sld [smem:$0x3FB0]  }
0x2e: {  	s3 =	simm.s32 @!p0 $0x1082;
	s9 =	sld [smem:$0x3FB1]  }
0x2f: {  	lr =	sadd.s32 s0, s3;
	s0 =	sld [smem:$0x3FA8]  }
0x30: {  	s3 =	sld [smem:$0x3FAB]  }
0x31: {  	[smem:$0x3FB4] =	sst s10  }
0x32: {  	s10 =	sld [smem:$0x3FB2];
	_ =	sdelay $0x3  }
0x33: {  	p0 =	seq.s32 s10, $0x1;
	s10 =	sld [smem:$0x3FB4];
	_ =	sdelay $0x3  }
0x34: {  	[smem:$0x3FB4] =	sst s10  }
0x35: {  	s10 =	sld [smem:$0x3FB3];
	_ =	sdelay $0x3  }
0x36: {  	p1 =	seq.s32 s10, $0x1;
	s10 =	sld [smem:$0x3FB4];
	_ =	sdelay $0x3  }
0x37: {  	[smem:$0x3FB4] =	sst s10  }
0x38: {  	s10 =	sld [smem:$0x3FB5]  }
0x39: {  	_ = 	snop;
	(pc) =	sbr.ind lr, $3  }
0x3a: {  	_ = 	snop  }
0x3b: {  	_ = 	snop  }
0x3c: {  	p2 =	seq.s32 s10, $0x1;
	s10 =	sld [smem:$0x3FB4]  }
0x3d: {  	_ =	shalt  }
0x3e: {  	_ =	shalt  }
0x3f: {  	_ =	shalt  }
0x40: {  	_ =	shalt  }
0x41: {  	_ =	shalt  }
0x42: {  	_ =	shalt  }
0x43: {  	_ =	shalt  }
0x44: {  	_ =	shalt  }
0x45: {  	_ =	shalt  }
0x46: {  	_ =	shalt  }
0x47: {  	_ =	shalt  }
0x48: {  	_ =	shalt  }
0x49: {  	_ =	shalt  }
0x4a: {  	_ =	shalt  }
0x4b: {  	_ =	shalt  }
0x4c: {  	_ =	shalt  }
0x4d: {  	_ =	shalt  }
0x4e: {  	_ =	shalt  }
0x4f: {  	_ =	shalt  }
0x50: {  	_ =	shalt  }
0x51: {  	_ =	shalt  }
0x52: {  	_ =	shalt  }
0x53: {  	_ =	shalt  }
0x54: {  	_ =	shalt  }
0x55: {  	_ =	shalt  }
0x56: {  	_ =	shalt  }
0x57: {  	_ =	shalt  }
0x58: {  	_ =	shalt  }
0x59: {  	_ =	shalt  }
0x5a: {  	_ =	shalt  }
0x5b: {  	_ =	shalt  }
0x5c: {  	_ =	shalt  }
0x5d: {  	_ =	shalt  }
0x5e: {  	_ =	shalt  }
0x5f: {  	_ =	shalt  }
0x60: {  	_ =	shalt  }
0x61: {  	_ =	shalt  }
0x62: {  	_ =	shalt  }
0x63: {  	_ =	shalt  }
0x64: {  	_ =	shalt  }
0x65: {  	_ =	shalt  }
0x66: {  	_ =	shalt  }
0x67: {  	_ =	shalt  }
0x68: {  	_ =	shalt  }
0x69: {  	_ =	shalt  }
0x6a: {  	_ =	shalt  }
0x6b: {  	_ =	shalt  }
0x6c: {  	_ =	shalt  }
0x6d: {  	_ =	shalt  }
0x6e: {  	_ =	shalt  }
0x6f: {  	_ =	shalt  }
0x70: {  	_ =	shalt  }
0x71: {  	_ =	shalt  }
0x72: {  	_ =	shalt  }
0x73: {  	_ =	shalt  }
0x74: {  	_ =	shalt  }
0x75: {  	_ =	shalt  }
0x76: {  	_ =	shalt  }
0x77: {  	_ =	shalt  }
0x78: {  	_ =	shalt  }
0x79: {  	_ =	shalt  }
0x7a: {  	_ =	shalt  }
0x7b: {  	_ =	shalt  }
0x7c: {  	_ =	shalt  }
0x7d: {  	_ =	shalt  }
0x7e: {  	_ =	shalt  }
0x7f: {  	_ =	shalt  }
0x80: {  	_ =	shalt  }
0x81: {  	_ =	shalt  }
0x82: {  	_ =	shalt  }
0x83: {  	_ =	shalt  }
0x84: {  	_ =	shalt  }
0x85: {  	_ =	shalt  }
0x86: {  	_ =	shalt  }
0x87: {  	_ =	shalt  }
.Lfunc_end0:
.L_simem_size_0:
called_computation.5_lowered:
.L_overlay_start_0:
0x88: {  	s2 =	sld [smem:$0x3FD9]  }
0x89: {  	s3 =	sld [smem:$0x3FFE];
	_ =	sdelay $0x1  }
0x8a: {  	s1 =	srdreg.scid  }
0x8b: {  	s0 =	sand.u32 $0x1, s1  }
0x8c: {  	s17 =	sshll.u32 s0, $0xA;
	s2 =	sadd.s32 s3, s2  }
0x8d: {  	s2 =	sadd.s32 s2, s17  }
0x8e: {  	[smem:$0x3FC0] =	sst s2  }
0x8f: {  	_ = 	snop  }
0x90: {  	s2 =	sld [smem:$0x3FD0];
	(tm) =	ssettm $0x1  }
0x91: {  	s18 =	sld [smem:$0x3FFB];
	_ =	sdelay $0x3  }
0x92: {  	_ =	strace s18  }
0x93: {  	s3 =	sld [smem:$0x3FFC];
	_ =	sdelay $0x3  }
0x94: {  	_ =	strace s3  }
0x95: {  	s3 =	sld [smem:$0x3FFD];
	_ =	sdelay $0x3  }
0x96: {  	_ =	strace s3  }
0x97: {  	_ =	strace $0x8FFFFFFF  }
0x98: {  	s19 =	sld [smem:$0x3FDB];
	_ =	sdelay $0x1  }
0x99: {  	s4 =	simm.s32 $_scs_section_size  }
0x9a: {  	s5 =	simm.s32 $_size__tile_overlayer_lowered;
	s6 =	simm.s32 $_tile_overlayer_lowered  }
0x9b: {  	s22 =	simm.s32 $0x1BFF;
	s21 =	sshll.u32 s6, $0x1;
	s3 =	sadd.s32 s4, s19  }
0x9c: {  	s7 =	simm.s32 $0x0;
	s20 =	sshll.u32 s5, $0x1;
	s5 =	sadd.s32 s21, s3  }
0x9d: {  	[timem:s7], [sflag:s22] =	dma.local [hbm:s5], s20  }
0x9e: {  	_ =	swait.ge [sflag:s22], s20  }
0x9f: {  	s4 =	ssub.s32 $0x0, s20;
	[sflag:s22] =	ssyncset.done $0x0  }
0xa0: {  	[sflag:s22] =	ssyncadd.s32 s4;
	_ =	sdelay $0x1  }
0xa1: {  	s23 =	simm.s32 $0x1B8B  }
0xa2: {  	_ =	swait.ge [sflag:s23], $0x1  }
0xa3: {  	[sflag:s23] =	ssyncset.done $0x0  }
0xa4: {  	s25 =	simm.s32 $0x1B8E;
	s24 =	sld [smem:$0x3FFE];
	[sflag:s23] =	ssyncadd.s32 $0xFFFFFFFF  }
0xa5: {  	s26 =	simm.s32 $execute0_lowered;
	[smem:$0x3FD2] =	sst s25  }
0xa6: {  	s5 =	sshll.u32 s26, $0x1;
	_ =	strace $0x80000055;
	[dreg:$0x1] =	wrdreg $0xFFFFFFFF  }
0xa7: {  	s28 =	simm.s32 $_size_execute0_lowered;
	s3 =	sadd.s32 s3, s5;
	[dreg:$0x0] =	wrdreg $0x0  }
0xa8: {  	s5 =	sshll.u32 s28, $0x1;
	[dreg:$0x2] =	wrdreg s3  }
0xa9: {  	[dreg:$0x3] =	wrdreg s5  }
0xaa: {  	[dreg:$0x4] =	wrdreg $0xC0  }
0xab: {  	_ =	task [dreg:s7], $0x5FFFF  }
0xac: {  	[dreg:$0x1] =	wrdreg $0xFFFFFFFF  }
0xad: {  	[dreg:$0x0] =	wrdreg $0x60  }
0xae: {  	[dreg:$0x2] =	wrdreg s2  }
0xaf: {  	[dreg:$0x3] =	wrdreg s24  }
0xb0: {  	[dreg:$0x4] =	wrdreg $0x41000  }
0xb1: {  	[dreg:$0x5] =	wrdreg $0x9  }
0xb2: {  	_ =	task.clear_ibuf [dreg:s7], $0x6FFFF;
	_ =	strace $0x90000055  }
0xb3: {  	s29 =	simm.s32 $0x9;
	_ =	strace $0x80000057  }
0xb4: {  	_ =	swait.ge [sflag:s29], $0x1  }
0xb5: {  	[sflag:s29] =	ssyncadd.s32 $0xFFFFFFFF  }
0xb6: {  	_ =	strace $0x90000057  }
0xb7: {  	_ =	sfence  }
0xb8: {  	s30 =	sld [smem:$0x0];
	_ =	sdelay $0x2  }
0xb9: {  	s31 =	sshll.u32 s1, $0xD;
	s1 =	sshrl.u32 s1, $0x2  }
0xba: {  	s3 =	sand.u32 $0x4000, s31;
	s1 =	sadd.s32 s1, s30  }
0xbb: {  	s0 =	sor.u32 s3, s0;
	s1 =	sshll.u32 s1, $0x11  }
0xbc: {  	s0 =	sor.u32 s1, s0  }
0xbd: {  	s0 =	sadd.s32 $0x8F2B, s0  }
0xbe: {  	[sflag:s0] =	ssyncadd.remote.s32 $0x1  }
0xbf: {  	_ =	sfence.sel $0xFFFF  }
0xc0: {  	[dreg:$0x0] =	wrdreg $0xFFFFFFFF;
	(pc) =	sbr.abs _section_cstart, $3  }
0xc1: {  	[dreg:$0x1] =	wrdreg $0xFFFFFFFF  }
0xc2: {  	_ =	task.clear_ibuf [dreg:s7], $0x2FFFF;
	_ =	strace $0x9FFFFFFF  }
0xc3: {  	(tm) =	ssettm $0x7FFFFFFF  }
tec
execute0_lowered:
.L_overlay_start_1:
0x0: {  	(tag) =	ssettag $0x1  }
0x1: {  	s0 =	rddreg [dreg:$0x0]  }
0x2: {  	s5 =	rddreg [dreg:$0x1]  }
0x3: {  	s1 =	srdreg.scid;
	s2 =	stileid.u32  }
0x4: {  	s3 =	rddreg [dreg:$0x2];
	s4 =	simm.s32 $0x0;
	s8 =	smul.u32 $0x13C00, s2  }
0x5: {  	s13 =	simm.s32 $0x80;
	s14 =	simm.s32 $0x100;
	s26 =	smul.u32 $0x4F000, s2  }
0x6: {  	s15 =	simm.s32 $0x1;
	s6 =	sand.u32 $0x1, s1;
	s30 =	smul.u32 $0xA00, s2  }
0x7: {  	s16 =	simm.s32 $0x0;
	s1 =	rddreg [dreg:$0x3];
	s7 =	smul.u32 $0xA000, s6  }
0x8: {  	[smem:$0x7FF] =	sst s4;
	s31 =	sshll.u32 s2, $0x6;
	s9 =	smul.u32 $0x13C000, s6  }
0x9: {  	_ =	strace $0x80000056;
	s6 =	ssub.s32 $0x2, s6;
	s25 =	sshrl.u32 s8, $0x3  }
0xa: {  	s28 =	sshrl.u32 s6, $0x1;
	s29 =	sshrl.u32 s26, $0x2;
	s10 =	sadd.s32 s7, s5  }
0xb: {  	s8 =	sadd.s32 s8, s9;
	s7 =	sadd.s32 s25, s5;
	s11 =	ssub.s32 s6, s28  }
0xc: {  	s12 =	sadd.s32 s29, s3;
	s6 =	sor.u32 $0x1C02, s31;
	s8 =	sshrl.u32 s8, $0x3  }
0xd: {  	s10 =	sadd.s32 s30, s10;
	s8 =	sadd.s32 s8, s5;
	s5 =	sadd.s32 $0x41200, s7  }
0xe: {  	s9 =	sadd.s32 $0x2D200, s10;
	s10 =	sadd.s32 $0xEC00, s10;
	s7 =	sadd.s32 $0x68A00, s8  }
0xf: {  	s8 =	smax.u32 s11, $0x1;
	s11 =	sshrl.u32 s12, $0x3;
	s12 =	simm.s32 $0x2  }
.LBB2_1:
0x10: {  	[spmem:s11], [sflag:s6] =	dma.local [hbm:s5], $0x2780  }
0x11: {  	_ =	swait.ge [sflag:s12], $0x2780  }
0x12: {  	[sflag:s12] =	ssyncset.done $0x0  }
0x13: {  	[sflag:s12] =	ssyncadd.s32 $0xFFFFD880  }
0x14: {  	s17 =	sadd.s32 $0x0, s10;
	[bflag:$0x0] =	sbarrier.arrive $0xFFFF  }
0x15: {  	[tilespmem:s4], [sflag:$0x2] =	stream.linear.gather [hbm4b:s17+s4], $0x80, $0x38;
	[tilespmem:$0x17D00] =	vst v63  }
0x16: {  	_ =	swait.ge [sflag:s12], $0x80  }
0x17: {  	[sflag:s12] =	ssyncset.done $0x0  }
0x18: {  	s31 =	sadd.s32 $0x0, s9;
	[sflag:s12] =	ssyncadd.s32 $0xFFFFFF80  }
0x19: {  	[tilespmem:s13], [sflag:$0x2] =	stream.linear.gather [hbm4b:s31+s4], $0x80, $0x38;
	[tilespmem:$0x17D00] =	vst v63  }
0x1a: {  	_ =	swait.ge [sflag:s12], $0x80  }
0x1b: {  	[sflag:s12] =	ssyncset.done $0x0  }
0x1c: {  	[sflag:s12] =	ssyncadd.s32 $0xFFFFFF80  }
0x1d: {  	[tilespmem:s14], [sflag:$0x1] =	stream.indirect.gather [hbm4b:s0+s13], $0x80, s4, s13, $0xb8;
	[tilespmem:$0x17D00] =	vst v63  }
0x1e: {  	_ =	swait.ge [sflag:s15], $0x4000  }
0x1f: {  	[sflag:s15] =	ssyncset.done $0x0  }
0x20: {  	[sflag:s15] =	ssyncadd.s32 $0xFFFFC000  }
0x21: {  	[spmem:s3] =	stream.indirect.scatter.add.f32 [tilespmem:s14], [sflag:$0x2], $0x80, s13, s13, $0xb8;
	[tilespmem:$0x17D00] =	vst v63  }
0x22: {  	_ =	swait.ge [sflag:s12], $0x4000  }
0x23: {  	s18 =	simm.s32 $0x20;
	s17 =	simm.s32 $0x10;
	[sflag:s12] =	ssyncset.done $0x0  }
.LBB2_2:
0x24: {  	s19 =	sadd.s32 s17, s10  }
0x25: {  	[sflag:s12] =	ssyncadd.s32 $0xFFFFC000;
	s20 =	smov.u32 s18;
	s21 =	sadd.s32 $0x10, s18  }
0x26: {  	[tilespmem:s4], [sflag:$0x2] =	stream.linear.gather [hbm4b:s19+s4], $0x80, $0x38;
	[tilespmem:$0x17D00] =	vst v63  }
0x27: {  	p0 =	sne.s32 s18, $0x9F0;
	_ =	swait.ge [sflag:s12], $0x80  }
0x28: {  	[sflag:s12] =	ssyncset.done $0x0  }
0x29: {  	s18 =	sadd.s32 s17, s9;
	s17 =	smov.u32 s20;
	[sflag:s12] =	ssyncadd.s32 $0xFFFFFF80  }
0x2a: {  	[tilespmem:s13], [sflag:$0x2] =	stream.linear.gather [hbm4b:s18+s4], $0x80, $0x38;
	[tilespmem:$0x17D00] =	vst v63  }
0x2b: {  	_ =	swait.ge [sflag:s12], $0x80  }
0x2c: {  	[sflag:s12] =	ssyncset.done $0x0  }
0x2d: {  	[sflag:s12] =	ssyncadd.s32 $0xFFFFFF80  }
0x2e: {  	[tilespmem:s14], [sflag:$0x1] =	stream.indirect.gather [hbm4b:s0+s13], $0x80, s4, s13, $0xb8;
	[tilespmem:$0x17D00] =	vst v63  }
0x2f: {  	_ =	swait.ge [sflag:s15], $0x4000  }
.Ltmp0:
0x30: {  	[sflag:s15] =	ssyncset.done $0x0;
	(pc) =	sbr.rel @p0 .LBB2_2-.Ltmp0, $4  }
0x31: {  	[sflag:s15] =	ssyncadd.s32 $0xFFFFC000  }
0x32: {  	[spmem:s3] =	stream.indirect.scatter.add.f32 [tilespmem:s14], [sflag:$0x2], $0x80, s13, s13, $0xb8;
	[tilespmem:$0x17D00] =	vst v63  }
0x33: {  	_ =	swait.ge [sflag:s12], $0x4000  }
0x34: {  	s18 =	smov.u32 s21;
	[sflag:s12] =	ssyncset.done $0x0  }
0x35: {  	s18 =	sadd.s32 s17, s10;
	[sflag:s12] =	ssyncadd.s32 $0xFFFFC000  }
0x36: {  	[tilespmem:s4], [sflag:$0x2] =	stream.linear.gather [hbm4b:s18+s4], $0x80, $0x38;
	[tilespmem:$0x17D00] =	vst v63  }
0x37: {  	_ =	swait.ge [sflag:s12], $0x80  }
0x38: {  	[sflag:s12] =	ssyncset.done $0x0  }
0x39: {  	s31 =	sadd.s32 s17, s9;
	[sflag:s12] =	ssyncadd.s32 $0xFFFFFF80  }
0x3a: {  	[tilespmem:s13], [sflag:$0x2] =	stream.linear.gather [hbm4b:s31+s4], $0x80, $0x38;
	[tilespmem:$0x17D00] =	vst v63  }
0x3b: {  	_ =	swait.ge [sflag:s12], $0x80  }
0x3c: {  	[sflag:s12] =	ssyncset.done $0x0  }
0x3d: {  	[sflag:s12] =	ssyncadd.s32 $0xFFFFFF80  }
0x3e: {  	[tilespmem:s14], [sflag:$0x1] =	stream.indirect.gather [hbm4b:s0+s13], $0x80, s4, s13, $0xb8;
	[tilespmem:$0x17D00] =	vst v63  }
0x3f: {  	_ =	swait.ge [sflag:s15], $0x4000  }
0x40: {  	[sflag:s15] =	ssyncset.done $0x0  }
0x41: {  	[sflag:s15] =	ssyncadd.s32 $0xFFFFC000  }
0x42: {  	[spmem:s3] =	stream.indirect.scatter.add.f32 [tilespmem:s14], [sflag:$0x2], $0x80, s13, s13, $0xb8;
	[tilespmem:$0x17D00] =	vst v63  }
0x43: {  	_ =	swait.ge [sflag:s12], $0x4000  }
0x44: {  	s16 =	sadd.s32 $0x1, s16;
	[sflag:s12] =	ssyncset.done $0x0  }
0x45: {  	p0 =	sne.s32 s16, s8;
	[sflag:s12] =	ssyncadd.s32 $0xFFFFC000  }
.Ltmp1:
0x46: {  	[bflag:$0x0] =	sbarrier.arrive $0xFFFF;
	(pc) =	sbr.rel @p0 .LBB2_1-.Ltmp1, $4  }
0x47: {  	[hbm:s7], [sflag:s6] =	dma.local [spmem:s11], $0x2780  }
0x48: {  	_ =	swait.ge [sflag:s12], $0x2780  }
0x49: {  	[sflag:s12] =	ssyncset.done $0x0  }
0x4a: {  	[sflag:s12] =	ssyncadd.s32 $0xFFFFD880  }
0x4b: {  	_ =	sfence.sel $0x180000  }
0x4c: {  	[bflag:$0x0] =	sbarrier.arrive $0xFFFF  }
0x4d: {  	p0 =	sne.s32 s2, $0x0;
	_ =	strace $0x90000056  }
0x4e: {  	s0 =	sadd.s32 @!p0 $0x100000, s1;
	[bflag:$0x2] =	sbarrier.arrive $0xFFFF  }
0x4f: {  	[sflag:s0] =	ssyncadd.tile.s32 @!p0 $0x1;
	_ =	shalt  }
.Lfunc_end2:
_tile_overlayer_lowered:
.L_overlay_start_2:
0x50: {  	(tag) =	ssettag $0x2  }
0x51: {  	s0 =	rddreg [dreg:$0x0];
	s2 =	stileid.u32  }
0x52: {  	s1 =	rddreg [dreg:$0x1];
	p0 =	sne.s32 s2, $0x0  }
0x53: {  	s3 =	rddreg [dreg:$0x2];
	[bflag:$0x3] =	sbarrier.arrive $0xFFFF;
	s2 =	simm.s32 @!p0 $0x1C02  }
0x54: {  	[timem:s3], [sflag:s2] =	dma.local @!p0 [hbm:s0], s1  }
0x55: {  	s0 =	simm.s32 @!p0 $0x2  }
0x56: {  	_ =	swait.ge @!p0 [sflag:s0], s1  }
0x57: {  	s1 =	ssub.s32 @!p0 $0x0, s1;
	[sflag:s0] =	ssyncset.done @!p0 $0x0  }
0x58: {  	[sflag:s0] =	ssyncadd.s32 @!p0 s1  }
0x59: {  	[bflag:$0x3] =	sbarrier.arrive $0xFFFF  }
0x5a: {  	_ =	shalt  }

// kernel: kernel.24.cloned.1.call-start
scs
__scs_entry_jumppad:
0x0: {  	(pc) =	sbr.rel $0x88, $3  }
0x1: {  	(tag) =	ssettag $0x0;
	lr =	simm.s32 $0x1  }
0x2: {  	[smem:$0x3F99] =	sst lr;
	_ =	strace $0xD0000000  }
0x3: {  	_ = 	snop  }
0x4: {  	_ = 	snop  }
0x5: {  	_ = 	snop  }
0x6: {  	_ = 	snop  }
0x7: {  	_ = 	snop  }
__scs_overlays_trampoline_lowered:
0x8: {  	[smem:$0x3FA8] =	sst s0  }
0x9: {  	[smem:$0x3FA9] =	sst s1  }
0xa: {  	[smem:$0x3FAA] =	sst s2  }
0xb: {  	[smem:$0x3FAB] =	sst s3  }
0xc: {  	[smem:$0x3FAC] =	sst s4  }
0xd: {  	[smem:$0x3FAD] =	sst s5  }
0xe: {  	[smem:$0x3FAE] =	sst s6  }
0xf: {  	[smem:$0x3FAF] =	sst s7  }
0x10: {  	[smem:$0x3FB0] =	sst s8  }
0x11: {  	[smem:$0x3FB1] =	sst s9;
	s0 =	simm.s32 @!p0 $0x0  }
0x12: {  	s1 =	sld [smem:$0x3F97];
	s0 =	simm.s32 @p0 $0x1  }
0x13: {  	[smem:$0x3FB2] =	sst s0;
	s0 =	simm.s32 @!p1 $0x0  }
0x14: {  	s2 =	sld [smem:$0x3F96];
	s0 =	simm.s32 @p1 $0x1  }
0x15: {  	[smem:$0x3FB3] =	sst s0;
	s0 =	simm.s32 @!p2 $0x0  }
0x16: {  	s3 =	sld [smem:$0x3FDB];
	s0 =	simm.s32 @p2 $0x1  }
0x17: {  	s4 =	simm.s32 $0x1BF5;
	[smem:$0x3FB5] =	sst s0  }
0x18: {  	s0 =	sld [smem:$0x3F98];
	_ =	swait.ge [sflag:s4], $0x0  }
0x19: {  	s7 =	sld [smem:$0x3F99]  }
0x1a: {  	s8 =	sadd.s32 $0xFFFFE003, lr  }
0x1b: {  	s9 =	sadd.s32 $0xFFFFFEF7, lr;
	s5 =	simm.s32 $0xFFFFFFFF;
	p2 =	slt.u32 s8, $0xFFFFF086  }
0x1c: {  	p1 =	slt.u32 s9, $0xF7A;
	s5 =	simm.s32 @!p2 $0x0  }
0x1d: {  	s5 =	simm.s32 @p1 $0x1;
	p0 =	seq.s32 s7, s2  }
0x1e: {  	s7 =	smul.u32 @!p0 $0xF7A, s2;
	p2 =	seq.s32 @!p0 s5, $0x0  }
0x1f: {  	s9 =	smul.u32 $0xF7A, s1;
	s8 =	simm.s32 @!p0 $0x1BF5;
	p2 =	por !p2, p0  }
0x20: {  	[sflag:s8] =	ssyncset.s32 @!p0 $0xFFFFF086;
	s6 =	sadd.s32 @!p0 s3, s7;
	s7 =	simm.s32 @!p0 $0x108  }
0x21: {  	s3 =	sadd.s32 s3, s9;
	s6 =	sadd.s32 @!p0 $0x88, s6;
	s7 =	simm.s32 @p2 $0x1082  }
0x22: {  	[simem:s7], [sflag:s8] =	dma.local @!p0 [hbm:s6], $0xF7A  }
0x23: {  	s9 =	sor.u32 $0xD0000000, s2;
	s6 =	simm.s32 $0x108;
	_ =	swait.ge @!p0 [sflag:s8], $0x0  }
0x24: {  	s3 =	sadd.s32 $0x88, s3;
	s6 =	simm.s32 @!p1 $0x1082;
	[sflag:s4] =	ssyncset.s32 $0xFFFFF086  }
0x25: {  	[simem:s6], [sflag:s4] =	dma.local [hbm:s3], $0xF7A  }
0x26: {  	[smem:$0x3F99] =	sst s1;
	(tag) =	ssettag s2;
	_ =	strace s9  }
0x27: {  	s1 =	sld [smem:$0x3FA9]  }
0x28: {  	s2 =	sld [smem:$0x3FAA]  }
0x29: {  	s4 =	sld [smem:$0x3FAC]  }
0x2a: {  	p0 =	seq.s32 s5, $0x0;
	s5 =	sld [smem:$0x3FAD]  }
0x2b: {  	s6 =	sld [smem:$0x3FAE]  }
0x2c: {  	s7 =	sld [smem:$0x3FAF]  }
0x2d: {  	s3 =	simm.s32 $0x108;
	s8 =	sld [smem:$0x3FB0]  }
0x2e: {  	s3 =	simm.s32 @!p0 $0x1082;
	s9 =	sld [smem:$0x3FB1]  }
0x2f: {  	lr =	sadd.s32 s0, s3;
	s0 =	sld [smem:$0x3FA8]  }
0x30: {  	s3 =	sld [smem:$0x3FAB]  }
0x31: {  	[smem:$0x3FB4] =	sst s10  }
0x32: {  	s10 =	sld [smem:$0x3FB2];
	_ =	sdelay $0x3  }
0x33: {  	p0 =	seq.s32 s10, $0x1;
	s10 =	sld [smem:$0x3FB4];
	_ =	sdelay $0x3  }
0x34: {  	[smem:$0x3FB4] =	sst s10  }
0x35: {  	s10 =	sld [smem:$0x3FB3];
	_ =	sdelay $0x3  }
0x36: {  	p1 =	seq.s32 s10, $0x1;
	s10 =	sld [smem:$0x3FB4];
	_ =	sdelay $0x3  }
0x37: {  	[smem:$0x3FB4] =	sst s10  }
0x38: {  	s10 =	sld [smem:$0x3FB5]  }
0x39: {  	_ = 	snop;
	(pc) =	sbr.ind lr, $3  }
0x3a: {  	_ = 	snop  }
0x3b: {  	_ = 	snop  }
0x3c: {  	p2 =	seq.s32 s10, $0x1;
	s10 =	sld [smem:$0x3FB4]  }
0x3d: {  	_ =	shalt  }
0x3e: {  	_ =	shalt  }
0x3f: {  	_ =	shalt  }
0x40: {  	_ =	shalt  }
0x41: {  	_ =	shalt  }
0x42: {  	_ =	shalt  }
0x43: {  	_ =	shalt  }
0x44: {  	_ =	shalt  }
0x45: {  	_ =	shalt  }
0x46: {  	_ =	shalt  }
0x47: {  	_ =	shalt  }
0x48: {  	_ =	shalt  }
0x49: {  	_ =	shalt  }
0x4a: {  	_ =	shalt  }
0x4b: {  	_ =	shalt  }
0x4c: {  	_ =	shalt  }
0x4d: {  	_ =	shalt  }
0x4e: {  	_ =	shalt  }
0x4f: {  	_ =	shalt  }
0x50: {  	_ =	shalt  }
0x51: {  	_ =	shalt  }
0x52: {  	_ =	shalt  }
0x53: {  	_ =	shalt  }
0x54: {  	_ =	shalt  }
0x55: {  	_ =	shalt  }
0x56: {  	_ =	shalt  }
0x57: {  	_ =	shalt  }
0x58: {  	_ =	shalt  }
0x59: {  	_ =	shalt  }
0x5a: {  	_ =	shalt  }
0x5b: {  	_ =	shalt  }
0x5c: {  	_ =	shalt  }
0x5d: {  	_ =	shalt  }
0x5e: {  	_ =	shalt  }
0x5f: {  	_ =	shalt  }
0x60: {  	_ =	shalt  }
0x61: {  	_ =	shalt  }
0x62: {  	_ =	shalt  }
0x63: {  	_ =	shalt  }
0x64: {  	_ =	shalt  }
0x65: {  	_ =	shalt  }
0x66: {  	_ =	shalt  }
0x67: {  	_ =	shalt  }
0x68: {  	_ =	shalt  }
0x69: {  	_ =	shalt  }
0x6a: {  	_ =	shalt  }
0x6b: {  	_ =	shalt  }
0x6c: {  	_ =	shalt  }
0x6d: {  	_ =	shalt  }
0x6e: {  	_ =	shalt  }
0x6f: {  	_ =	shalt  }
0x70: {  	_ =	shalt  }
0x71: {  	_ =	shalt  }
0x72: {  	_ =	shalt  }
0x73: {  	_ =	shalt  }
0x74: {  	_ =	shalt  }
0x75: {  	_ =	shalt  }
0x76: {  	_ =	shalt  }
0x77: {  	_ =	shalt  }
0x78: {  	_ =	shalt  }
0x79: {  	_ =	shalt  }
0x7a: {  	_ =	shalt  }
0x7b: {  	_ =	shalt  }
0x7c: {  	_ =	shalt  }
0x7d: {  	_ =	shalt  }
0x7e: {  	_ =	shalt  }
0x7f: {  	_ =	shalt  }
0x80: {  	_ =	shalt  }
0x81: {  	_ =	shalt  }
0x82: {  	_ =	shalt  }
0x83: {  	_ =	shalt  }
0x84: {  	_ =	shalt  }
0x85: {  	_ =	shalt  }
0x86: {  	_ =	shalt  }
0x87: {  	_ =	shalt  }
.Lfunc_end0:
.L_simem_size_0:
called_computation.6_lowered:
.L_overlay_start_0:
0x88: {  	s2 =	sld [smem:$0x3FD9]  }
0x89: {  	s3 =	sld [smem:$0x3FFE];
	_ =	sdelay $0x1  }
0x8a: {  	s1 =	srdreg.scid  }
0x8b: {  	s0 =	sand.u32 $0x1, s1  }
0x8c: {  	s17 =	sshll.u32 s0, $0xA;
	s2 =	sadd.s32 s3, s2  }
0x8d: {  	s2 =	sadd.s32 s2, s17  }
0x8e: {  	[smem:$0x3FC0] =	sst s2  }
0x8f: {  	_ = 	snop  }
0x90: {  	s2 =	sld [smem:$0x3FD0];
	(tm) =	ssettm $0x1  }
0x91: {  	s18 =	sld [smem:$0x3FFB];
	_ =	sdelay $0x3  }
0x92: {  	_ =	strace s18  }
0x93: {  	s3 =	sld [smem:$0x3FFC];
	_ =	sdelay $0x3  }
0x94: {  	_ =	strace s3  }
0x95: {  	s3 =	sld [smem:$0x3FFD];
	_ =	sdelay $0x3  }
0x96: {  	_ =	strace s3  }
0x97: {  	_ =	strace $0x8FFFFFFF  }
0x98: {  	s19 =	sld [smem:$0x3FDB];
	_ =	sdelay $0x1  }
0x99: {  	s4 =	simm.s32 $_scs_section_size  }
0x9a: {  	s5 =	simm.s32 $_size__tile_overlayer_lowered;
	s6 =	simm.s32 $_tile_overlayer_lowered  }
0x9b: {  	s22 =	simm.s32 $0x1BFF;
	s21 =	sshll.u32 s6, $0x1;
	s3 =	sadd.s32 s4, s19  }
0x9c: {  	s7 =	simm.s32 $0x0;
	s20 =	sshll.u32 s5, $0x1;
	s5 =	sadd.s32 s21, s3  }
0x9d: {  	[timem:s7], [sflag:s22] =	dma.local [hbm:s5], s20  }
0x9e: {  	_ =	swait.ge [sflag:s22], s20  }
0x9f: {  	s4 =	ssub.s32 $0x0, s20;
	[sflag:s22] =	ssyncset.done $0x0  }
0xa0: {  	[sflag:s22] =	ssyncadd.s32 s4;
	_ =	sdelay $0x1  }
0xa1: {  	s23 =	simm.s32 $0x1B8B  }
0xa2: {  	_ =	swait.ge [sflag:s23], $0x1  }
0xa3: {  	[sflag:s23] =	ssyncset.done $0x0  }
0xa4: {  	s25 =	simm.s32 $0x1B8E;
	s24 =	sld [smem:$0x3FFE];
	[sflag:s23] =	ssyncadd.s32 $0xFFFFFFFF  }
0xa5: {  	s26 =	simm.s32 $execute0_lowered;
	[smem:$0x3FD2] =	sst s25  }
0xa6: {  	s5 =	sshll.u32 s26, $0x1;
	_ =	strace $0x80000058;
	[dreg:$0x1] =	wrdreg $0xFFFFFFFF  }
0xa7: {  	s28 =	simm.s32 $_size_execute0_lowered;
	s3 =	sadd.s32 s3, s5;
	[dreg:$0x0] =	wrdreg $0x0  }
0xa8: {  	s5 =	sshll.u32 s28, $0x1;
	[dreg:$0x2] =	wrdreg s3  }
0xa9: {  	[dreg:$0x3] =	wrdreg s5  }
0xaa: {  	[dreg:$0x4] =	wrdreg $0xC0  }
0xab: {  	_ =	task [dreg:s7], $0x5FFFF  }
0xac: {  	[dreg:$0x1] =	wrdreg $0xFFFFFFFF  }
0xad: {  	[dreg:$0x0] =	wrdreg $0x60  }
0xae: {  	[dreg:$0x2] =	wrdreg s2  }
0xaf: {  	[dreg:$0x3] =	wrdreg s24  }
0xb0: {  	[dreg:$0x4] =	wrdreg $0x41000  }
0xb1: {  	[dreg:$0x5] =	wrdreg $0x9  }
0xb2: {  	_ =	task.clear_ibuf [dreg:s7], $0x6FFFF;
	_ =	strace $0x90000058  }
0xb3: {  	s29 =	simm.s32 $0x9;
	_ =	strace $0x8000005A  }
0xb4: {  	_ =	swait.ge [sflag:s29], $0x1  }
0xb5: {  	[sflag:s29] =	ssyncadd.s32 $0xFFFFFFFF  }
0xb6: {  	_ =	strace $0x9000005A  }
0xb7: {  	_ =	sfence  }
0xb8: {  	s30 =	sld [smem:$0x0];
	_ =	sdelay $0x2  }
0xb9: {  	s31 =	sshll.u32 s1, $0xD;
	s1 =	sshrl.u32 s1, $0x2  }
0xba: {  	s3 =	sand.u32 $0x4000, s31;
	s1 =	sadd.s32 s1, s30  }
0xbb: {  	s0 =	sor.u32 s3, s0;
	s1 =	sshll.u32 s1, $0x11  }
0xbc: {  	s0 =	sor.u32 s1, s0  }
0xbd: {  	s0 =	sadd.s32 $0x8F2B, s0  }
0xbe: {  	[sflag:s0] =	ssyncadd.remote.s32 $0x1  }
0xbf: {  	_ =	sfence.sel $0xFFFF  }
0xc0: {  	[dreg:$0x0] =	wrdreg $0xFFFFFFFF;
	(pc) =	sbr.abs _section_cstart, $3  }
0xc1: {  	[dreg:$0x1] =	wrdreg $0xFFFFFFFF  }
0xc2: {  	_ =	task.clear_ibuf [dreg:s7], $0x2FFFF;
	_ =	strace $0x9FFFFFFF  }
0xc3: {  	(tm) =	ssettm $0x7FFFFFFF  }
tec
execute0_lowered:
.L_overlay_start_1:
0x0: {  	(tag) =	ssettag $0x1  }
0x1: {  	s0 =	rddreg [dreg:$0x0]  }
0x2: {  	s5 =	rddreg [dreg:$0x1]  }
0x3: {  	s1 =	srdreg.scid;
	s2 =	stileid.u32  }
0x4: {  	s3 =	rddreg [dreg:$0x2];
	s4 =	simm.s32 $0x0;
	s8 =	smul.u32 $0x13C00, s2  }
0x5: {  	s13 =	simm.s32 $0x80;
	s14 =	simm.s32 $0x100;
	s26 =	smul.u32 $0x4F000, s2  }
0x6: {  	s15 =	simm.s32 $0x1;
	s6 =	sand.u32 $0x1, s1;
	s30 =	smul.u32 $0xA00, s2  }
0x7: {  	s16 =	simm.s32 $0x0;
	s1 =	rddreg [dreg:$0x3];
	s7 =	smul.u32 $0xA000, s6  }
0x8: {  	[smem:$0x7FF] =	sst s4;
	s31 =	sshll.u32 s2, $0x6;
	s9 =	smul.u32 $0x13C000, s6  }
0x9: {  	_ =	strace $0x80000059;
	s6 =	ssub.s32 $0x2, s6;
	s25 =	sshrl.u32 s8, $0x3  }
0xa: {  	s28 =	sshrl.u32 s6, $0x1;
	s29 =	sshrl.u32 s26, $0x2;
	s10 =	sadd.s32 s7, s5  }
0xb: {  	s8 =	sadd.s32 s8, s9;
	s7 =	sadd.s32 s25, s5;
	s11 =	ssub.s32 s6, s28  }
0xc: {  	s12 =	sadd.s32 s29, s3;
	s6 =	sor.u32 $0x1C02, s31;
	s8 =	sshrl.u32 s8, $0x3  }
0xd: {  	s10 =	sadd.s32 s30, s10;
	s8 =	sadd.s32 s8, s5;
	s5 =	sadd.s32 $0x41200, s7  }
0xe: {  	s9 =	sadd.s32 $0x2D200, s10;
	s10 =	sadd.s32 $0xEC00, s10;
	s7 =	sadd.s32 $0x68A00, s8  }
0xf: {  	s8 =	smax.u32 s11, $0x1;
	s11 =	sshrl.u32 s12, $0x3;
	s12 =	simm.s32 $0x2  }
.LBB2_1:
0x10: {  	[spmem:s11], [sflag:s6] =	dma.local [hbm:s5], $0x2780  }
0x11: {  	_ =	swait.ge [sflag:s12], $0x2780  }
0x12: {  	[sflag:s12] =	ssyncset.done $0x0  }
0x13: {  	[sflag:s12] =	ssyncadd.s32 $0xFFFFD880  }
0x14: {  	s17 =	sadd.s32 $0x0, s10;
	[bflag:$0x0] =	sbarrier.arrive $0xFFFF  }
0x15: {  	[tilespmem:s4], [sflag:$0x2] =	stream.linear.gather [hbm4b:s17+s4], $0x80, $0x38;
	[tilespmem:$0x17D00] =	vst v63  }
0x16: {  	_ =	swait.ge [sflag:s12], $0x80  }
0x17: {  	[sflag:s12] =	ssyncset.done $0x0  }
0x18: {  	s31 =	sadd.s32 $0x0, s9;
	[sflag:s12] =	ssyncadd.s32 $0xFFFFFF80  }
0x19: {  	[tilespmem:s13], [sflag:$0x2] =	stream.linear.gather [hbm4b:s31+s4], $0x80, $0x38;
	[tilespmem:$0x17D00] =	vst v63  }
0x1a: {  	_ =	swait.ge [sflag:s12], $0x80  }
0x1b: {  	[sflag:s12] =	ssyncset.done $0x0  }
0x1c: {  	[sflag:s12] =	ssyncadd.s32 $0xFFFFFF80  }
0x1d: {  	[tilespmem:s14], [sflag:$0x1] =	stream.indirect.gather [hbm4b:s0+s13], $0x80, s4, s13, $0xb8;
	[tilespmem:$0x17D00] =	vst v63  }
0x1e: {  	_ =	swait.ge [sflag:s15], $0x4000  }
0x1f: {  	[sflag:s15] =	ssyncset.done $0x0  }
0x20: {  	[sflag:s15] =	ssyncadd.s32 $0xFFFFC000  }
0x21: {  	[spmem:s3] =	stream.indirect.scatter.add.f32 [tilespmem:s14], [sflag:$0x2], $0x80, s13, s13, $0xb8;
	[tilespmem:$0x17D00] =	vst v63  }
0x22: {  	_ =	swait.ge [sflag:s12], $0x4000  }
0x23: {  	s18 =	simm.s32 $0x20;
	s17 =	simm.s32 $0x10;
	[sflag:s12] =	ssyncset.done $0x0  }
.LBB2_2:
0x24: {  	s19 =	sadd.s32 s17, s10  }
0x25: {  	[sflag:s12] =	ssyncadd.s32 $0xFFFFC000;
	s20 =	smov.u32 s18;
	s21 =	sadd.s32 $0x10, s18  }
0x26: {  	[tilespmem:s4], [sflag:$0x2] =	stream.linear.gather [hbm4b:s19+s4], $0x80, $0x38;
	[tilespmem:$0x17D00] =	vst v63  }
0x27: {  	p0 =	sne.s32 s18, $0x9F0;
	_ =	swait.ge [sflag:s12], $0x80  }
0x28: {  	[sflag:s12] =	ssyncset.done $0x0  }
0x29: {  	s18 =	sadd.s32 s17, s9;
	s17 =	smov.u32 s20;
	[sflag:s12] =	ssyncadd.s32 $0xFFFFFF80  }
0x2a: {  	[tilespmem:s13], [sflag:$0x2] =	stream.linear.gather [hbm4b:s18+s4], $0x80, $0x38;
	[tilespmem:$0x17D00] =	vst v63  }
0x2b: {  	_ =	swait.ge [sflag:s12], $0x80  }
0x2c: {  	[sflag:s12] =	ssyncset.done $0x0  }
0x2d: {  	[sflag:s12] =	ssyncadd.s32 $0xFFFFFF80  }
0x2e: {  	[tilespmem:s14], [sflag:$0x1] =	stream.indirect.gather [hbm4b:s0+s13], $0x80, s4, s13, $0xb8;
	[tilespmem:$0x17D00] =	vst v63  }
0x2f: {  	_ =	swait.ge [sflag:s15], $0x4000  }
.Ltmp0:
0x30: {  	[sflag:s15] =	ssyncset.done $0x0;
	(pc) =	sbr.rel @p0 .LBB2_2-.Ltmp0, $4  }
0x31: {  	[sflag:s15] =	ssyncadd.s32 $0xFFFFC000  }
0x32: {  	[spmem:s3] =	stream.indirect.scatter.add.f32 [tilespmem:s14], [sflag:$0x2], $0x80, s13, s13, $0xb8;
	[tilespmem:$0x17D00] =	vst v63  }
0x33: {  	_ =	swait.ge [sflag:s12], $0x4000  }
0x34: {  	s18 =	smov.u32 s21;
	[sflag:s12] =	ssyncset.done $0x0  }
0x35: {  	s18 =	sadd.s32 s17, s10;
	[sflag:s12] =	ssyncadd.s32 $0xFFFFC000  }
0x36: {  	[tilespmem:s4], [sflag:$0x2] =	stream.linear.gather [hbm4b:s18+s4], $0x80, $0x38;
	[tilespmem:$0x17D00] =	vst v63  }
0x37: {  	_ =	swait.ge [sflag:s12], $0x80  }
0x38: {  	[sflag:s12] =	ssyncset.done $0x0  }
0x39: {  	s31 =	sadd.s32 s17, s9;
	[sflag:s12] =	ssyncadd.s32 $0xFFFFFF80  }
0x3a: {  	[tilespmem:s13], [sflag:$0x2] =	stream.linear.gather [hbm4b:s31+s4], $0x80, $0x38;
	[tilespmem:$0x17D00] =	vst v63  }
0x3b: {  	_ =	swait.ge [sflag:s12], $0x80  }
0x3c: {  	[sflag:s12] =	ssyncset.done $0x0  }
0x3d: {  	[sflag:s12] =	ssyncadd.s32 $0xFFFFFF80  }
0x3e: {  	[tilespmem:s14], [sflag:$0x1] =	stream.indirect.gather [hbm4b:s0+s13], $0x80, s4, s13, $0xb8;
	[tilespmem:$0x17D00] =	vst v63  }
0x3f: {  	_ =	swait.ge [sflag:s15], $0x4000  }
0x40: {  	[sflag:s15] =	ssyncset.done $0x0  }
0x41: {  	[sflag:s15] =	ssyncadd.s32 $0xFFFFC000  }
0x42: {  	[spmem:s3] =	stream.indirect.scatter.add.f32 [tilespmem:s14], [sflag:$0x2], $0x80, s13, s13, $0xb8;
	[tilespmem:$0x17D00] =	vst v63  }
0x43: {  	_ =	swait.ge [sflag:s12], $0x4000  }
0x44: {  	s16 =	sadd.s32 $0x1, s16;
	[sflag:s12] =	ssyncset.done $0x0  }
0x45: {  	p0 =	sne.s32 s16, s8;
	[sflag:s12] =	ssyncadd.s32 $0xFFFFC000  }
.Ltmp1:
0x46: {  	[bflag:$0x0] =	sbarrier.arrive $0xFFFF;
	(pc) =	sbr.rel @p0 .LBB2_1-.Ltmp1, $4  }
0x47: {  	[hbm:s7], [sflag:s6] =	dma.local [spmem:s11], $0x2780  }
0x48: {  	_ =	swait.ge [sflag:s12], $0x2780  }
0x49: {  	[sflag:s12] =	ssyncset.done $0x0  }
0x4a: {  	[sflag:s12] =	ssyncadd.s32 $0xFFFFD880  }
0x4b: {  	_ =	sfence.sel $0x180000  }
0x4c: {  	[bflag:$0x0] =	sbarrier.arrive $0xFFFF  }
0x4d: {  	p0 =	sne.s32 s2, $0x0;
	_ =	strace $0x90000059  }
0x4e: {  	s0 =	sadd.s32 @!p0 $0x100000, s1;
	[bflag:$0x2] =	sbarrier.arrive $0xFFFF  }
0x4f: {  	[sflag:s0] =	ssyncadd.tile.s32 @!p0 $0x1;
	_ =	shalt  }
.Lfunc_end2:
_tile_overlayer_lowered:
.L_overlay_start_2:
0x50: {  	(tag) =	ssettag $0x2  }
0x51: {  	s0 =	rddreg [dreg:$0x0];
	s2 =	stileid.u32  }
0x52: {  	s1 =	rddreg [dreg:$0x1];
	p0 =	sne.s32 s2, $0x0  }
0x53: {  	s3 =	rddreg [dreg:$0x2];
	[bflag:$0x3] =	sbarrier.arrive $0xFFFF;
	s2 =	simm.s32 @!p0 $0x1C02  }
0x54: {  	[timem:s3], [sflag:s2] =	dma.local @!p0 [hbm:s0], s1  }
0x55: {  	s0 =	simm.s32 @!p0 $0x2  }
0x56: {  	_ =	swait.ge @!p0 [sflag:s0], s1  }
0x57: {  	s1 =	ssub.s32 @!p0 $0x0, s1;
	[sflag:s0] =	ssyncset.done @!p0 $0x0  }
0x58: {  	[sflag:s0] =	ssyncadd.s32 @!p0 s1  }
0x59: {  	[bflag:$0x3] =	sbarrier.arrive $0xFFFF  }
0x5a: {  	_ =	shalt  }

</sc_bundles>
